<compile_context>
chip_gen: v7x
topology: tpu7x:2x2x1
jax: 0.10.2.dev20260603
libtpu: 0.0.44.dev20260713+nightly
codegen_flags: <defaults>
</compile_context>

<pallas_src>
import functools

import jax
import jax.numpy as jnp
from jax import lax
from jax.experimental import pallas as pl
from jax.experimental.pallas import tpu as pltpu
from jax.experimental.pallas import tpu_sc as plsc

NC = 2
NS = 16
NW = NC * NS
L = 16
CHUNK = 128
SL = 8


def _prep(n_rels, n_nodes, h_ref, rel_ref, src_ref, eid_ref,
          tab_ref, gidx_ref):
    hv = h_ref[...]
    for r in range(n_rels):
        tab_ref[r] = jnp.maximum(hv + rel_ref[r], 0.0)
    gidx_ref[...] = eid_ref[...] * n_nodes + src_ref[...]


def _finish(ps_ref, pc_ref, w_ref, b_ref, o_ref):
    s = ps_ref[0] + ps_ref[1]
    c = pc_ref[0] + pc_ref[1]
    red = s / jnp.maximum(c, 1.0)
    o_ref[...] = (
        lax.dot_general(red, w_ref[...], (((1,), (1,)), ((), ())),
                        preferred_element_type=jnp.float32)
        + b_ref[...]
    )


def _make_sc_scatter(n_nodes, dim, n_rels, cpw, acc_rows):
    assert cpw % SL == 0
    rps = acc_rows // NS
    crows = acc_rows // L
    crps = crows // NS
    cxfers = crows // CHUNK
    assert rps % 8 == 0 and crows % CHUNK == 0 and crps % 8 == 0
    mesh = plsc.VectorSubcoreMesh(core_axis_name="c", subcore_axis_name="s")

    @functools.partial(
        pl.kernel,
        mesh=mesh,
        compiler_params=pltpu.CompilerParams(use_tc_tiling_on_sc=False,
                                             needs_layout_passes=False),
        out_type=[
            jax.ShapeDtypeStruct((NC, acc_rows, dim), jnp.float32),
            jax.ShapeDtypeStruct((NC, crows, L), jnp.float32),
        ],
        scratch_types=(
            [pltpu.VMEM((SL, CHUNK), jnp.int32) for _ in range(2)]
            + [pltpu.VMEM((CHUNK, dim), jnp.float32) for _ in range(2)]
            + [
                pltpu.VMEM((crows, L), jnp.float32),
                pltpu.VMEM((cxfers, CHUNK), jnp.int32),
                pltpu.VMEM_SHARED((acc_rows, dim), jnp.float32),
                pltpu.VMEM_SHARED((crows, L), jnp.float32),
            ]
            + [pltpu.SemaphoreType.DMA for _ in range(3)]
        ),
    )
    def sc_kernel(r_hbm, gidx_hbm, dst_hbm, psum_hbm, pcnt_hbm,
                  gslab, dslab, rows0, rows1,
                  cnt_v, ident_v, acc_s, cnt_s,
                  sg0, sg1, ss):
        cid = lax.axis_index("c")
        sid = lax.axis_index("s")
        wid = sid * NC + cid

        zeros16 = jnp.zeros((L,), jnp.float32)
        ones16 = jnp.ones((L,), jnp.float32)
        iota16 = lax.iota(jnp.int32, L)

        def zr_body(k, _):
            for j in range(dim // L):
                rows0[k, pl.ds(j * L, L)] = zeros16
            return 0
        lax.fori_loop(0, CHUNK, zr_body, 0)

        def zc_body(k, _):
            for j in range(8):
                cnt_v[k * 8 + j, :] = zeros16
            return 0
        lax.fori_loop(0, crows // 8, zc_body, 0)

        for t in range(cxfers):
            for j in range(CHUNK // L):
                ident_v[t, pl.ds(j * L, L)] = iota16 + (t * CHUNK + j * L)

        base = sid * rps
        nfull, rem = rps // CHUNK, rps % CHUNK
        for k in range(nfull):
            pltpu.sync_copy(rows0, acc_s.at[pl.ds(base + k * CHUNK, CHUNK)])
        if rem:
            pltpu.sync_copy(rows0.at[pl.ds(0, rem)],
                            acc_s.at[pl.ds(base + nfull * CHUNK, rem)])
        pltpu.sync_copy(cnt_v.at[pl.ds(0, crps)],
                        cnt_s.at[pl.ds(sid * crps, crps)])
        plsc.subcore_barrier()

        def count_chunk(k):
            for j in range(CHUNK // L):
                d = dslab[k, pl.ds(j * L, L)]
                plsc.addupdate_scatter(
                    cnt_v, [lax.shift_right_logical(d, 4),
                            lax.bitwise_and(d, L - 1)], ones16)

        rows = [rows0, rows1]
        sgs = [sg0, sg1]

        def body(it, _):
            pltpu.sync_copy(gidx_hbm.at[wid, it], gslab)
            pltpu.sync_copy(dst_hbm.at[wid, it], dslab)
            g = [None] * SL
            g[0] = pltpu.async_copy(r_hbm.at[gslab.at[0]], rows[0], sgs[0])
            g[1] = pltpu.async_copy(r_hbm.at[gslab.at[1]], rows[1], sgs[1])
            for k in range(SL):
                count_chunk(k)
            for k in range(SL):
                g[k].wait()
                s = pltpu.async_copy(rows[k % 2], acc_s.at[dslab.at[k]], ss,
                                     add=True)
                s.wait()
                if k + 2 < SL:
                    g[k + 2] = pltpu.async_copy(r_hbm.at[gslab.at[k + 2]],
                                                rows[k % 2], sgs[k % 2])
            return 0
        lax.fori_loop(0, cpw // SL, body, 0)

        merges = [
            pltpu.async_copy(cnt_v.at[pl.ds(t * CHUNK, CHUNK)],
                             cnt_s.at[ident_v.at[t]], ss, add=True)
            for t in range(cxfers)
        ]
        for m in merges:
            m.wait()

        plsc.subcore_barrier()
        pltpu.sync_copy(acc_s.at[pl.ds(base, rps)],
                        psum_hbm.at[cid, pl.ds(base, rps)])
        pltpu.sync_copy(cnt_s.at[pl.ds(sid * crps, crps)],
                        pcnt_hbm.at[cid, pl.ds(sid * crps, crps)])

    return sc_kernel


def kernel(h, edge_index, edge_id, W, b, relvectors):
    n_nodes, dim = h.shape
    n_rels = relvectors.shape[0]
    n_edges = edge_index.shape[1]

    src = edge_index[0].astype(jnp.int32)
    dst = edge_index[1].astype(jnp.int32)
    eid = edge_id.astype(jnp.int32)

    cpw = -(-n_edges // (NW * CHUNK * SL)) * SL
    epad = NW * cpw * CHUNK
    pad = epad - n_edges
    acc_rows = -(-(n_nodes + (1 if pad else 0)) // (L * NS * 8)) * (L * NS * 8)

    if pad:
        par = jnp.arange(pad, dtype=jnp.int32)
        src = jnp.concatenate([src, par % n_nodes])
        eid = jnp.concatenate([eid, jnp.zeros((pad,), jnp.int32)])
        dst = jnp.concatenate([dst, n_nodes + par % (acc_rows - n_nodes)])

    grid_a = 10
    nbs = n_nodes // grid_a
    ebs = cpw // grid_a
    src2 = src.reshape(cpw, NW * CHUNK)
    eid2 = eid.reshape(cpw, NW * CHUNK)
    table, gidx = pl.pallas_call(
        functools.partial(_prep, n_rels, n_nodes),
        grid=(grid_a,),
        in_specs=[
            pl.BlockSpec((nbs, dim), lambda i: (i, 0)),
            pl.BlockSpec((n_rels, dim), lambda i: (0, 0)),
            pl.BlockSpec((ebs, NW * CHUNK), lambda i: (i, 0)),
            pl.BlockSpec((ebs, NW * CHUNK), lambda i: (i, 0)),
        ],
        out_specs=[
            pl.BlockSpec((n_rels, nbs, dim), lambda i: (0, i, 0)),
            pl.BlockSpec((ebs, NW * CHUNK), lambda i: (i, 0)),
        ],
        out_shape=[
            jax.ShapeDtypeStruct((n_rels, n_nodes, dim), jnp.float32),
            jax.ShapeDtypeStruct((cpw, NW * CHUNK), jnp.int32),
        ],
    )(h, relvectors, src2, eid2)
    table = table.reshape(n_rels * n_nodes, dim)

    gidx3 = gidx.reshape(NW, cpw // SL, SL, CHUNK)
    dst3 = dst.reshape(NW, cpw // SL, SL, CHUNK)

    psum, pcnt = _make_sc_scatter(n_nodes, dim, n_rels, cpw, acc_rows)(
        table, gidx3, dst3)

    grid_c = 8
    rbs = acc_rows // grid_c
    out = pl.pallas_call(
        _finish,
        grid=(grid_c,),
        in_specs=[
            pl.BlockSpec((NC, rbs, dim), lambda i: (0, i, 0)),
            pl.BlockSpec((NC, rbs, 1), lambda i: (0, i, 0)),
            pl.BlockSpec((dim, dim), lambda i: (0, 0)),
            pl.BlockSpec((1, dim), lambda i: (0, 0)),
        ],
        out_specs=pl.BlockSpec((rbs, dim), lambda i: (i, 0)),
        out_shape=jax.ShapeDtypeStruct((acc_rows, dim), jnp.float32),
    )(psum, pcnt.reshape(NC, acc_rows, 1), W, b.reshape(1, dim))
    return out[:n_nodes]

# --- scband reference (transcript-rebuilt; emitter-appended) ---
"""Pipeline reference for scband-deep-gcncell-25391846654702 (READ-ONLY COPY).

The authoritative reference and input builder live on the scoring server;
editing this copy changes nothing except your own understanding.
"""

import jax, jax.numpy as jnp
import numpy as np

N_NODES = 10000
N_EDGES = 320000
DIM = 128
NUM_RELS = 5

def setup_inputs(seed: int = 0) -> dict:
    key = jax.random.key(seed)
    k1, k2, k3, k4, k5, k6 = jax.random.split(key, 6)
    h = jax.random.normal(k1, (N_NODES, DIM), dtype=jnp.float32)
    edge_index = jax.random.randint(k2, (2, N_EDGES), 0, N_NODES, dtype=jnp.int64)
    edge_id = jax.random.randint(k3, (N_EDGES,), 0, NUM_RELS, dtype=jnp.int64)
    # Linear(dim, dim) params (kaiming-uniform-ish init)
    bound = 1.0 / np.sqrt(DIM)
    W = jax.random.uniform(k4, (DIM, DIM), minval=-bound, maxval=bound, dtype=jnp.float32)
    b = jax.random.uniform(k5, (DIM,), minval=-bound, maxval=bound, dtype=jnp.float32)
    # relvectors Parameter [numrels, dim], kaiming_uniform(a=sqrt(5)) ~ U(-1/sqrt(dim), 1/sqrt(dim))
    relvectors = jax.random.uniform(k6, (NUM_RELS, DIM), minval=-bound, maxval=bound, dtype=jnp.float32)
    return {"h": h, "edge_index": edge_index, "edge_id": edge_id, "W": W, "b": b, "relvectors": relvectors}

def reference(h, edge_index, edge_id, W, b, relvectors):
    src = edge_index[0]
    dst = edge_index[1]
    # message_func: msg = relu(h_src + relvectors[edge_id])
    hs = jnp.take(h, src, axis=0)
    relvecs = jnp.take(relvectors, edge_id, axis=0)
    msg = jax.nn.relu(hs + relvecs)
    # reduce_func: red = mean of incoming messages per destination node
    summed = jax.ops.segment_sum(msg, dst, num_segments=N_NODES)
    count = jax.ops.segment_sum(jnp.ones((msg.shape[0],), dtype=msg.dtype), dst, num_segments=N_NODES)
    red = summed / jnp.maximum(count, 1.0)[:, None]
    # apply_node_func: h = lin(red)
    h_new = red @ W.T + b
    return h_new

if __name__ == "__main__":
    import jax
    _d = setup_inputs()
    print(jax.jit(kernel)(*tuple(_d.values())))

</pallas_src>

<mosaic_0001>
#map = affine_map<(d0, d1) -> (0, 0)>
#map1 = affine_map<(d0, d1) -> (0, 0, 0, 0)>
#map2 = affine_map<(d0, d1) -> (0, 0, 0)>
module attributes {stable_mosaic.version = 14 : i64} {
  func.func @sc_kernel(%arg0: i32, %arg1: i32, %arg2: memref<50000x128xf32, #tpu.memory_space<hbm>>, %arg3: memref<32x10x8x128xi32, #tpu.memory_space<hbm>>, %arg4: memref<32x10x8x128xi32, #tpu.memory_space<hbm>>, %arg5: memref<2x10240x128xf32, #tpu.memory_space<hbm>>, %arg6: memref<2x640x16xf32, #tpu.memory_space<hbm>>, %arg7: memref<8x128xi32, #tpu.memory_space<vmem>>, %arg8: memref<8x128xi32, #tpu.memory_space<vmem>>, %arg9: memref<128x128xf32, #tpu.memory_space<vmem>>, %arg10: memref<128x128xf32, #tpu.memory_space<vmem>>, %arg11: memref<640x16xf32, #tpu.memory_space<vmem>>, %arg12: memref<5x128xi32, #tpu.memory_space<vmem>>, %arg13: memref<10240x128xf32, #tpu.memory_space<vmem_shared>>, %arg14: memref<640x16xf32, #tpu.memory_space<vmem_shared>>, %arg15: memref<!tpu.dma_semaphore, #tpu.memory_space<semaphore_mem>>, %arg16: memref<!tpu.dma_semaphore, #tpu.memory_space<semaphore_mem>>, %arg17: memref<!tpu.dma_semaphore, #tpu.memory_space<semaphore_mem>>) attributes {dimension_semantics = [#tpu.dimension_semantics<core_parallel>, #tpu.dimension_semantics<subcore_parallel>], iteration_bounds = array<i64: 2, 16>, scalar_prefetch = 0 : i64, scratch_operands = 11 : i64, tpu.core_type = #tpu.core_type<sc_vector_subcore>, window_params = [{transform_indices = #map}, {transform_indices = #map1}, {transform_indices = #map1}, {transform_indices = #map2}, {transform_indices = #map2}]} {
    %mul3A = arith.constant 2 : i32
    %mul3A_0 = arith.muli %arg1, %mul3A : i32
    %add3A = arith.addi %mul3A_0, %arg0 : i32
    %broadcast_in_dim3A = arith.constant 0.000000e+00 : f32
    %broadcast_in_dim3A_1 = vector.broadcast %broadcast_in_dim3A : f32 to vector<16xf32>
    %broadcast_in_dim3A_2 = arith.constant 1.000000e+00 : f32
    %broadcast_in_dim3A_3 = vector.broadcast %broadcast_in_dim3A_2 : f32 to vector<16xf32>
    %iota3A = tpu.iota {dimensions = array<i32: 0>} : vector<16xi32>
    %scan3A = arith.constant 0 : i32
    %scan3A_4 = arith.constant 0 : i32
    %scan3A_5 = arith.constant 128 : i32
    %scan3A_6 = arith.addi %scan3A_4, %scan3A_5 : i32
    %scan3A_7 = arith.constant 1 : i32
    %scan3A_8 = scf.for %scan3A_420 = %scan3A_4 to %scan3A_6 step %scan3A_7 iter_args(%scan3A_421 = %scan3A) -> (i32)  : i32 {
      %swap3A_422 = arith.index_cast %scan3A_420 : i32 to index
      %swap3A_423 = arith.constant 0 : index
      %swap3A_424 = tpu.vector_load %arg9[%swap3A_422, %swap3A_423] {strides = array<i32>} : memref<128x128xf32, #tpu.memory_space<vmem>>, vector<16xf32>,
      tpu.vector_store %arg9[%swap3A_422, %swap3A_423], %broadcast_in_dim3A_1 {strides = array<i32>} : memref<128x128xf32, #tpu.memory_space<vmem>>, vector<16xf32>,
      %swap3A_425 = arith.index_cast %scan3A_420 : i32 to index
      %swap3A_426 = arith.constant 16 : index
      %swap3A_427 = tpu.vector_load %arg9[%swap3A_425, %swap3A_426] {strides = array<i32>} : memref<128x128xf32, #tpu.memory_space<vmem>>, vector<16xf32>,
      tpu.vector_store %arg9[%swap3A_425, %swap3A_426], %broadcast_in_dim3A_1 {strides = array<i32>} : memref<128x128xf32, #tpu.memory_space<vmem>>, vector<16xf32>,
      %swap3A_428 = arith.index_cast %scan3A_420 : i32 to index
      %swap3A_429 = arith.constant 32 : index
      %swap3A_430 = tpu.vector_load %arg9[%swap3A_428, %swap3A_429] {strides = array<i32>} : memref<128x128xf32, #tpu.memory_space<vmem>>, vector<16xf32>,
      tpu.vector_store %arg9[%swap3A_428, %swap3A_429], %broadcast_in_dim3A_1 {strides = array<i32>} : memref<128x128xf32, #tpu.memory_space<vmem>>, vector<16xf32>,
      %swap3A_431 = arith.index_cast %scan3A_420 : i32 to index
      %swap3A_432 = arith.constant 48 : index
      %swap3A_433 = tpu.vector_load %arg9[%swap3A_431, %swap3A_432] {strides = array<i32>} : memref<128x128xf32, #tpu.memory_space<vmem>>, vector<16xf32>,
      tpu.vector_store %arg9[%swap3A_431, %swap3A_432], %broadcast_in_dim3A_1 {strides = array<i32>} : memref<128x128xf32, #tpu.memory_space<vmem>>, vector<16xf32>,
      %swap3A_434 = arith.index_cast %scan3A_420 : i32 to index
      %swap3A_435 = arith.constant 64 : index
      %swap3A_436 = tpu.vector_load %arg9[%swap3A_434, %swap3A_435] {strides = array<i32>} : memref<128x128xf32, #tpu.memory_space<vmem>>, vector<16xf32>,
      tpu.vector_store %arg9[%swap3A_434, %swap3A_435], %broadcast_in_dim3A_1 {strides = array<i32>} : memref<128x128xf32, #tpu.memory_space<vmem>>, vector<16xf32>,
      %swap3A_437 = arith.index_cast %scan3A_420 : i32 to index
      %swap3A_438 = arith.constant 80 : index
      %swap3A_439 = tpu.vector_load %arg9[%swap3A_437, %swap3A_438] {strides = array<i32>} : memref<128x128xf32, #tpu.memory_space<vmem>>, vector<16xf32>,
      tpu.vector_store %arg9[%swap3A_437, %swap3A_438], %broadcast_in_dim3A_1 {strides = array<i32>} : memref<128x128xf32, #tpu.memory_space<vmem>>, vector<16xf32>,
      %swap3A_440 = arith.index_cast %scan3A_420 : i32 to index
      %swap3A_441 = arith.constant 96 : index
      %swap3A_442 = tpu.vector_load %arg9[%swap3A_440, %swap3A_441] {strides = array<i32>} : memref<128x128xf32, #tpu.memory_space<vmem>>, vector<16xf32>,
      tpu.vector_store %arg9[%swap3A_440, %swap3A_441], %broadcast_in_dim3A_1 {strides = array<i32>} : memref<128x128xf32, #tpu.memory_space<vmem>>, vector<16xf32>,
      %swap3A_443 = arith.index_cast %scan3A_420 : i32 to index
      %swap3A_444 = arith.constant 112 : index
      %swap3A_445 = tpu.vector_load %arg9[%swap3A_443, %swap3A_444] {strides = array<i32>} : memref<128x128xf32, #tpu.memory_space<vmem>>, vector<16xf32>,
      tpu.vector_store %arg9[%swap3A_443, %swap3A_444], %broadcast_in_dim3A_1 {strides = array<i32>} : memref<128x128xf32, #tpu.memory_space<vmem>>, vector<16xf32>,
      %scan3A_446 = arith.constant 0 : i32
      scf.yield %scan3A_446 : i32
    }
    %scan3A_9 = arith.constant 128 : i32
    %scan3A_10 = arith.constant 0 : i32
    %scan3A_11 = arith.constant 0 : i32
    %scan3A_12 = arith.constant 80 : i32
    %scan3A_13 = arith.addi %scan3A_11, %scan3A_12 : i32
    %scan3A_14 = arith.constant 1 : i32
    %scan3A_15 = scf.for %scan3A_420 = %scan3A_11 to %scan3A_13 step %scan3A_14 iter_args(%scan3A_421 = %scan3A_10) -> (i32)  : i32 {
      %mul3A_422 = arith.constant 8 : i32
      %mul3A_423 = arith.muli %scan3A_420, %mul3A_422 : i32
      %add3A_424 = arith.constant 0 : i32
      %add3A_425 = arith.addi %mul3A_423, %add3A_424 : i32
      %swap3A_426 = arith.index_cast %add3A_425 : i32 to index
      %swap3A_427 = arith.constant 0 : index
      %swap3A_428 = tpu.vector_load %arg11[%swap3A_426, %swap3A_427] {strides = array<i32>} : memref<640x16xf32, #tpu.memory_space<vmem>>, vector<16xf32>,
      tpu.vector_store %arg11[%swap3A_426, %swap3A_427], %broadcast_in_dim3A_1 {strides = array<i32>} : memref<640x16xf32, #tpu.memory_space<vmem>>, vector<16xf32>,
      %mul3A_429 = arith.constant 8 : i32
      %mul3A_430 = arith.muli %scan3A_420, %mul3A_429 : i32
      %add3A_431 = arith.constant 1 : i32
      %add3A_432 = arith.addi %mul3A_430, %add3A_431 : i32
      %swap3A_433 = arith.index_cast %add3A_432 : i32 to index
      %swap3A_434 = arith.constant 0 : index
      %swap3A_435 = tpu.vector_load %arg11[%swap3A_433, %swap3A_434] {strides = array<i32>} : memref<640x16xf32, #tpu.memory_space<vmem>>, vector<16xf32>,
      tpu.vector_store %arg11[%swap3A_433, %swap3A_434], %broadcast_in_dim3A_1 {strides = array<i32>} : memref<640x16xf32, #tpu.memory_space<vmem>>, vector<16xf32>,
      %mul3A_436 = arith.constant 8 : i32
      %mul3A_437 = arith.muli %scan3A_420, %mul3A_436 : i32
      %add3A_438 = arith.constant 2 : i32
      %add3A_439 = arith.addi %mul3A_437, %add3A_438 : i32
      %swap3A_440 = arith.index_cast %add3A_439 : i32 to index
      %swap3A_441 = arith.constant 0 : index
      %swap3A_442 = tpu.vector_load %arg11[%swap3A_440, %swap3A_441] {strides = array<i32>} : memref<640x16xf32, #tpu.memory_space<vmem>>, vector<16xf32>,
      tpu.vector_store %arg11[%swap3A_440, %swap3A_441], %broadcast_in_dim3A_1 {strides = array<i32>} : memref<640x16xf32, #tpu.memory_space<vmem>>, vector<16xf32>,
      %mul3A_443 = arith.constant 8 : i32
      %mul3A_444 = arith.muli %scan3A_420, %mul3A_443 : i32
      %add3A_445 = arith.constant 3 : i32
      %add3A_446 = arith.addi %mul3A_444, %add3A_445 : i32
      %swap3A_447 = arith.index_cast %add3A_446 : i32 to index
      %swap3A_448 = arith.constant 0 : index
      %swap3A_449 = tpu.vector_load %arg11[%swap3A_447, %swap3A_448] {strides = array<i32>} : memref<640x16xf32, #tpu.memory_space<vmem>>, vector<16xf32>,
      tpu.vector_store %arg11[%swap3A_447, %swap3A_448], %broadcast_in_dim3A_1 {strides = array<i32>} : memref<640x16xf32, #tpu.memory_space<vmem>>, vector<16xf32>,
      %mul3A_450 = arith.constant 8 : i32
      %mul3A_451 = arith.muli %scan3A_420, %mul3A_450 : i32
      %add3A_452 = arith.constant 4 : i32
      %add3A_453 = arith.addi %mul3A_451, %add3A_452 : i32
      %swap3A_454 = arith.index_cast %add3A_453 : i32 to index
      %swap3A_455 = arith.constant 0 : index
      %swap3A_456 = tpu.vector_load %arg11[%swap3A_454, %swap3A_455] {strides = array<i32>} : memref<640x16xf32, #tpu.memory_space<vmem>>, vector<16xf32>,
      tpu.vector_store %arg11[%swap3A_454, %swap3A_455], %broadcast_in_dim3A_1 {strides = array<i32>} : memref<640x16xf32, #tpu.memory_space<vmem>>, vector<16xf32>,
      %mul3A_457 = arith.constant 8 : i32
      %mul3A_458 = arith.muli %scan3A_420, %mul3A_457 : i32
      %add3A_459 = arith.constant 5 : i32
      %add3A_460 = arith.addi %mul3A_458, %add3A_459 : i32
      %swap3A_461 = arith.index_cast %add3A_460 : i32 to index
      %swap3A_462 = arith.constant 0 : index
      %swap3A_463 = tpu.vector_load %arg11[%swap3A_461, %swap3A_462] {strides = array<i32>} : memref<640x16xf32, #tpu.memory_space<vmem>>, vector<16xf32>,
      tpu.vector_store %arg11[%swap3A_461, %swap3A_462], %broadcast_in_dim3A_1 {strides = array<i32>} : memref<640x16xf32, #tpu.memory_space<vmem>>, vector<16xf32>,
      %mul3A_464 = arith.constant 8 : i32
      %mul3A_465 = arith.muli %scan3A_420, %mul3A_464 : i32
      %add3A_466 = arith.constant 6 : i32
      %add3A_467 = arith.addi %mul3A_465, %add3A_466 : i32
      %swap3A_468 = arith.index_cast %add3A_467 : i32 to index
      %swap3A_469 = arith.constant 0 : index
      %swap3A_470 = tpu.vector_load %arg11[%swap3A_468, %swap3A_469] {strides = array<i32>} : memref<640x16xf32, #tpu.memory_space<vmem>>, vector<16xf32>,
      tpu.vector_store %arg11[%swap3A_468, %swap3A_469], %broadcast_in_dim3A_1 {strides = array<i32>} : memref<640x16xf32, #tpu.memory_space<vmem>>, vector<16xf32>,
      %mul3A_471 = arith.constant 8 : i32
      %mul3A_472 = arith.muli %scan3A_420, %mul3A_471 : i32
      %add3A_473 = arith.constant 7 : i32
      %add3A_474 = arith.addi %mul3A_472, %add3A_473 : i32
      %swap3A_475 = arith.index_cast %add3A_474 : i32 to index
      %swap3A_476 = arith.constant 0 : index
      %swap3A_477 = tpu.vector_load %arg11[%swap3A_475, %swap3A_476] {strides = array<i32>} : memref<640x16xf32, #tpu.memory_space<vmem>>, vector<16xf32>,
      tpu.vector_store %arg11[%swap3A_475, %swap3A_476], %broadcast_in_dim3A_1 {strides = array<i32>} : memref<640x16xf32, #tpu.memory_space<vmem>>, vector<16xf32>,
      %scan3A_478 = arith.constant 0 : i32
      scf.yield %scan3A_478 : i32
    }
    %scan3A_16 = arith.constant 80 : i32
    %add3A_17 = arith.constant 0 : i32
    %add3A_18 = vector.broadcast %add3A_17 : i32 to vector<16xi32>
    %add3A_19 = arith.addi %iota3A, %add3A_18 : vector<16xi32>
    %swap3A = arith.constant 0 : i32
    %swap3A_20 = arith.index_cast %swap3A : i32 to index
    %swap3A_21 = arith.constant 0 : index
    %swap3A_22 = tpu.vector_load %arg12[%swap3A_20, %swap3A_21] {strides = array<i32>} : memref<5x128xi32, #tpu.memory_space<vmem>>, vector<16xi32>,
    tpu.vector_store %arg12[%swap3A_20, %swap3A_21], %add3A_19 {strides = array<i32>} : memref<5x128xi32, #tpu.memory_space<vmem>>, vector<16xi32>,
    %add3A_23 = arith.constant 16 : i32
    %add3A_24 = vector.broadcast %add3A_23 : i32 to vector<16xi32>
    %add3A_25 = arith.addi %iota3A, %add3A_24 : vector<16xi32>
    %swap3A_26 = arith.constant 0 : i32
    %swap3A_27 = arith.index_cast %swap3A_26 : i32 to index
    %swap3A_28 = arith.constant 16 : index
    %swap3A_29 = tpu.vector_load %arg12[%swap3A_27, %swap3A_28] {strides = array<i32>} : memref<5x128xi32, #tpu.memory_space<vmem>>, vector<16xi32>,
    tpu.vector_store %arg12[%swap3A_27, %swap3A_28], %add3A_25 {strides = array<i32>} : memref<5x128xi32, #tpu.memory_space<vmem>>, vector<16xi32>,
    %add3A_30 = arith.constant 32 : i32
    %add3A_31 = vector.broadcast %add3A_30 : i32 to vector<16xi32>
    %add3A_32 = arith.addi %iota3A, %add3A_31 : vector<16xi32>
    %swap3A_33 = arith.constant 0 : i32
    %swap3A_34 = arith.index_cast %swap3A_33 : i32 to index
    %swap3A_35 = arith.constant 32 : index
    %swap3A_36 = tpu.vector_load %arg12[%swap3A_34, %swap3A_35] {strides = array<i32>} : memref<5x128xi32, #tpu.memory_space<vmem>>, vector<16xi32>,
    tpu.vector_store %arg12[%swap3A_34, %swap3A_35], %add3A_32 {strides = array<i32>} : memref<5x128xi32, #tpu.memory_space<vmem>>, vector<16xi32>,
    %add3A_37 = arith.constant 48 : i32
    %add3A_38 = vector.broadcast %add3A_37 : i32 to vector<16xi32>
    %add3A_39 = arith.addi %iota3A, %add3A_38 : vector<16xi32>
    %swap3A_40 = arith.constant 0 : i32
    %swap3A_41 = arith.index_cast %swap3A_40 : i32 to index
    %swap3A_42 = arith.constant 48 : index
    %swap3A_43 = tpu.vector_load %arg12[%swap3A_41, %swap3A_42] {strides = array<i32>} : memref<5x128xi32, #tpu.memory_space<vmem>>, vector<16xi32>,
    tpu.vector_store %arg12[%swap3A_41, %swap3A_42], %add3A_39 {strides = array<i32>} : memref<5x128xi32, #tpu.memory_space<vmem>>, vector<16xi32>,
    %add3A_44 = arith.constant 64 : i32
    %add3A_45 = vector.broadcast %add3A_44 : i32 to vector<16xi32>
    %add3A_46 = arith.addi %iota3A, %add3A_45 : vector<16xi32>
    %swap3A_47 = arith.constant 0 : i32
    %swap3A_48 = arith.index_cast %swap3A_47 : i32 to index
    %swap3A_49 = arith.constant 64 : index
    %swap3A_50 = tpu.vector_load %arg12[%swap3A_48, %swap3A_49] {strides = array<i32>} : memref<5x128xi32, #tpu.memory_space<vmem>>, vector<16xi32>,
    tpu.vector_store %arg12[%swap3A_48, %swap3A_49], %add3A_46 {strides = array<i32>} : memref<5x128xi32, #tpu.memory_space<vmem>>, vector<16xi32>,
    %add3A_51 = arith.constant 80 : i32
    %add3A_52 = vector.broadcast %add3A_51 : i32 to vector<16xi32>
    %add3A_53 = arith.addi %iota3A, %add3A_52 : vector<16xi32>
    %swap3A_54 = arith.constant 0 : i32
    %swap3A_55 = arith.index_cast %swap3A_54 : i32 to index
    %swap3A_56 = arith.constant 80 : index
    %swap3A_57 = tpu.vector_load %arg12[%swap3A_55, %swap3A_56] {strides = array<i32>} : memref<5x128xi32, #tpu.memory_space<vmem>>, vector<16xi32>,
    tpu.vector_store %arg12[%swap3A_55, %swap3A_56], %add3A_53 {strides = array<i32>} : memref<5x128xi32, #tpu.memory_space<vmem>>, vector<16xi32>,
    %add3A_58 = arith.constant 96 : i32
    %add3A_59 = vector.broadcast %add3A_58 : i32 to vector<16xi32>
    %add3A_60 = arith.addi %iota3A, %add3A_59 : vector<16xi32>
    %swap3A_61 = arith.constant 0 : i32
    %swap3A_62 = arith.index_cast %swap3A_61 : i32 to index
    %swap3A_63 = arith.constant 96 : index
    %swap3A_64 = tpu.vector_load %arg12[%swap3A_62, %swap3A_63] {strides = array<i32>} : memref<5x128xi32, #tpu.memory_space<vmem>>, vector<16xi32>,
    tpu.vector_store %arg12[%swap3A_62, %swap3A_63], %add3A_60 {strides = array<i32>} : memref<5x128xi32, #tpu.memory_space<vmem>>, vector<16xi32>,
    %add3A_65 = arith.constant 112 : i32
    %add3A_66 = vector.broadcast %add3A_65 : i32 to vector<16xi32>
    %add3A_67 = arith.addi %iota3A, %add3A_66 : vector<16xi32>
    %swap3A_68 = arith.constant 0 : i32
    %swap3A_69 = arith.index_cast %swap3A_68 : i32 to index
    %swap3A_70 = arith.constant 112 : index
    %swap3A_71 = tpu.vector_load %arg12[%swap3A_69, %swap3A_70] {strides = array<i32>} : memref<5x128xi32, #tpu.memory_space<vmem>>, vector<16xi32>,
    tpu.vector_store %arg12[%swap3A_69, %swap3A_70], %add3A_67 {strides = array<i32>} : memref<5x128xi32, #tpu.memory_space<vmem>>, vector<16xi32>,
    %add3A_72 = arith.constant 128 : i32
    %add3A_73 = vector.broadcast %add3A_72 : i32 to vector<16xi32>
    %add3A_74 = arith.addi %iota3A, %add3A_73 : vector<16xi32>
    %swap3A_75 = arith.constant 1 : i32
    %swap3A_76 = arith.index_cast %swap3A_75 : i32 to index
    %swap3A_77 = arith.constant 0 : index
    %swap3A_78 = tpu.vector_load %arg12[%swap3A_76, %swap3A_77] {strides = array<i32>} : memref<5x128xi32, #tpu.memory_space<vmem>>, vector<16xi32>,
    tpu.vector_store %arg12[%swap3A_76, %swap3A_77], %add3A_74 {strides = array<i32>} : memref<5x128xi32, #tpu.memory_space<vmem>>, vector<16xi32>,
    %add3A_79 = arith.constant 144 : i32
    %add3A_80 = vector.broadcast %add3A_79 : i32 to vector<16xi32>
    %add3A_81 = arith.addi %iota3A, %add3A_80 : vector<16xi32>
    %swap3A_82 = arith.constant 1 : i32
    %swap3A_83 = arith.index_cast %swap3A_82 : i32 to index
    %swap3A_84 = arith.constant 16 : index
    %swap3A_85 = tpu.vector_load %arg12[%swap3A_83, %swap3A_84] {strides = array<i32>} : memref<5x128xi32, #tpu.memory_space<vmem>>, vector<16xi32>,
    tpu.vector_store %arg12[%swap3A_83, %swap3A_84], %add3A_81 {strides = array<i32>} : memref<5x128xi32, #tpu.memory_space<vmem>>, vector<16xi32>,
    %add3A_86 = arith.constant 160 : i32
    %add3A_87 = vector.broadcast %add3A_86 : i32 to vector<16xi32>
    %add3A_88 = arith.addi %iota3A, %add3A_87 : vector<16xi32>
    %swap3A_89 = arith.constant 1 : i32
    %swap3A_90 = arith.index_cast %swap3A_89 : i32 to index
    %swap3A_91 = arith.constant 32 : index
    %swap3A_92 = tpu.vector_load %arg12[%swap3A_90, %swap3A_91] {strides = array<i32>} : memref<5x128xi32, #tpu.memory_space<vmem>>, vector<16xi32>,
    tpu.vector_store %arg12[%swap3A_90, %swap3A_91], %add3A_88 {strides = array<i32>} : memref<5x128xi32, #tpu.memory_space<vmem>>, vector<16xi32>,
    %add3A_93 = arith.constant 176 : i32
    %add3A_94 = vector.broadcast %add3A_93 : i32 to vector<16xi32>
    %add3A_95 = arith.addi %iota3A, %add3A_94 : vector<16xi32>
    %swap3A_96 = arith.constant 1 : i32
    %swap3A_97 = arith.index_cast %swap3A_96 : i32 to index
    %swap3A_98 = arith.constant 48 : index
    %swap3A_99 = tpu.vector_load %arg12[%swap3A_97, %swap3A_98] {strides = array<i32>} : memref<5x128xi32, #tpu.memory_space<vmem>>, vector<16xi32>,
    tpu.vector_store %arg12[%swap3A_97, %swap3A_98], %add3A_95 {strides = array<i32>} : memref<5x128xi32, #tpu.memory_space<vmem>>, vector<16xi32>,
    %add3A_100 = arith.constant 192 : i32
    %add3A_101 = vector.broadcast %add3A_100 : i32 to vector<16xi32>
    %add3A_102 = arith.addi %iota3A, %add3A_101 : vector<16xi32>
    %swap3A_103 = arith.constant 1 : i32
    %swap3A_104 = arith.index_cast %swap3A_103 : i32 to index
    %swap3A_105 = arith.constant 64 : index
    %swap3A_106 = tpu.vector_load %arg12[%swap3A_104, %swap3A_105] {strides = array<i32>} : memref<5x128xi32, #tpu.memory_space<vmem>>, vector<16xi32>,
    tpu.vector_store %arg12[%swap3A_104, %swap3A_105], %add3A_102 {strides = array<i32>} : memref<5x128xi32, #tpu.memory_space<vmem>>, vector<16xi32>,
    %add3A_107 = arith.constant 208 : i32
    %add3A_108 = vector.broadcast %add3A_107 : i32 to vector<16xi32>
    %add3A_109 = arith.addi %iota3A, %add3A_108 : vector<16xi32>
    %swap3A_110 = arith.constant 1 : i32
    %swap3A_111 = arith.index_cast %swap3A_110 : i32 to index
    %swap3A_112 = arith.constant 80 : index
    %swap3A_113 = tpu.vector_load %arg12[%swap3A_111, %swap3A_112] {strides = array<i32>} : memref<5x128xi32, #tpu.memory_space<vmem>>, vector<16xi32>,
    tpu.vector_store %arg12[%swap3A_111, %swap3A_112], %add3A_109 {strides = array<i32>} : memref<5x128xi32, #tpu.memory_space<vmem>>, vector<16xi32>,
    %add3A_114 = arith.constant 224 : i32
    %add3A_115 = vector.broadcast %add3A_114 : i32 to vector<16xi32>
    %add3A_116 = arith.addi %iota3A, %add3A_115 : vector<16xi32>
    %swap3A_117 = arith.constant 1 : i32
    %swap3A_118 = arith.index_cast %swap3A_117 : i32 to index
    %swap3A_119 = arith.constant 96 : index
    %swap3A_120 = tpu.vector_load %arg12[%swap3A_118, %swap3A_119] {strides = array<i32>} : memref<5x128xi32, #tpu.memory_space<vmem>>, vector<16xi32>,
    tpu.vector_store %arg12[%swap3A_118, %swap3A_119], %add3A_116 {strides = array<i32>} : memref<5x128xi32, #tpu.memory_space<vmem>>, vector<16xi32>,
    %add3A_121 = arith.constant 240 : i32
    %add3A_122 = vector.broadcast %add3A_121 : i32 to vector<16xi32>
    %add3A_123 = arith.addi %iota3A, %add3A_122 : vector<16xi32>
    %swap3A_124 = arith.constant 1 : i32
    %swap3A_125 = arith.index_cast %swap3A_124 : i32 to index
    %swap3A_126 = arith.constant 112 : index
    %swap3A_127 = tpu.vector_load %arg12[%swap3A_125, %swap3A_126] {strides = array<i32>} : memref<5x128xi32, #tpu.memory_space<vmem>>, vector<16xi32>,
    tpu.vector_store %arg12[%swap3A_125, %swap3A_126], %add3A_123 {strides = array<i32>} : memref<5x128xi32, #tpu.memory_space<vmem>>, vector<16xi32>,
    %add3A_128 = arith.constant 256 : i32
    %add3A_129 = vector.broadcast %add3A_128 : i32 to vector<16xi32>
    %add3A_130 = arith.addi %iota3A, %add3A_129 : vector<16xi32>
    %swap3A_131 = arith.constant 2 : i32
    %swap3A_132 = arith.index_cast %swap3A_131 : i32 to index
    %swap3A_133 = arith.constant 0 : index
    %swap3A_134 = tpu.vector_load %arg12[%swap3A_132, %swap3A_133] {strides = array<i32>} : memref<5x128xi32, #tpu.memory_space<vmem>>, vector<16xi32>,
    tpu.vector_store %arg12[%swap3A_132, %swap3A_133], %add3A_130 {strides = array<i32>} : memref<5x128xi32, #tpu.memory_space<vmem>>, vector<16xi32>,
    %add3A_135 = arith.constant 272 : i32
    %add3A_136 = vector.broadcast %add3A_135 : i32 to vector<16xi32>
    %add3A_137 = arith.addi %iota3A, %add3A_136 : vector<16xi32>
    %swap3A_138 = arith.constant 2 : i32
    %swap3A_139 = arith.index_cast %swap3A_138 : i32 to index
    %swap3A_140 = arith.constant 16 : index
    %swap3A_141 = tpu.vector_load %arg12[%swap3A_139, %swap3A_140] {strides = array<i32>} : memref<5x128xi32, #tpu.memory_space<vmem>>, vector<16xi32>,
    tpu.vector_store %arg12[%swap3A_139, %swap3A_140], %add3A_137 {strides = array<i32>} : memref<5x128xi32, #tpu.memory_space<vmem>>, vector<16xi32>,
    %add3A_142 = arith.constant 288 : i32
    %add3A_143 = vector.broadcast %add3A_142 : i32 to vector<16xi32>
    %add3A_144 = arith.addi %iota3A, %add3A_143 : vector<16xi32>
    %swap3A_145 = arith.constant 2 : i32
    %swap3A_146 = arith.index_cast %swap3A_145 : i32 to index
    %swap3A_147 = arith.constant 32 : index
    %swap3A_148 = tpu.vector_load %arg12[%swap3A_146, %swap3A_147] {strides = array<i32>} : memref<5x128xi32, #tpu.memory_space<vmem>>, vector<16xi32>,
    tpu.vector_store %arg12[%swap3A_146, %swap3A_147], %add3A_144 {strides = array<i32>} : memref<5x128xi32, #tpu.memory_space<vmem>>, vector<16xi32>,
    %add3A_149 = arith.constant 304 : i32
    %add3A_150 = vector.broadcast %add3A_149 : i32 to vector<16xi32>
    %add3A_151 = arith.addi %iota3A, %add3A_150 : vector<16xi32>
    %swap3A_152 = arith.constant 2 : i32
    %swap3A_153 = arith.index_cast %swap3A_152 : i32 to index
    %swap3A_154 = arith.constant 48 : index
    %swap3A_155 = tpu.vector_load %arg12[%swap3A_153, %swap3A_154] {strides = array<i32>} : memref<5x128xi32, #tpu.memory_space<vmem>>, vector<16xi32>,
    tpu.vector_store %arg12[%swap3A_153, %swap3A_154], %add3A_151 {strides = array<i32>} : memref<5x128xi32, #tpu.memory_space<vmem>>, vector<16xi32>,
    %add3A_156 = arith.constant 320 : i32
    %add3A_157 = vector.broadcast %add3A_156 : i32 to vector<16xi32>
    %add3A_158 = arith.addi %iota3A, %add3A_157 : vector<16xi32>
    %swap3A_159 = arith.constant 2 : i32
    %swap3A_160 = arith.index_cast %swap3A_159 : i32 to index
    %swap3A_161 = arith.constant 64 : index
    %swap3A_162 = tpu.vector_load %arg12[%swap3A_160, %swap3A_161] {strides = array<i32>} : memref<5x128xi32, #tpu.memory_space<vmem>>, vector<16xi32>,
    tpu.vector_store %arg12[%swap3A_160, %swap3A_161], %add3A_158 {strides = array<i32>} : memref<5x128xi32, #tpu.memory_space<vmem>>, vector<16xi32>,
    %add3A_163 = arith.constant 336 : i32
    %add3A_164 = vector.broadcast %add3A_163 : i32 to vector<16xi32>
    %add3A_165 = arith.addi %iota3A, %add3A_164 : vector<16xi32>
    %swap3A_166 = arith.constant 2 : i32
    %swap3A_167 = arith.index_cast %swap3A_166 : i32 to index
    %swap3A_168 = arith.constant 80 : index
    %swap3A_169 = tpu.vector_load %arg12[%swap3A_167, %swap3A_168] {strides = array<i32>} : memref<5x128xi32, #tpu.memory_space<vmem>>, vector<16xi32>,
    tpu.vector_store %arg12[%swap3A_167, %swap3A_168], %add3A_165 {strides = array<i32>} : memref<5x128xi32, #tpu.memory_space<vmem>>, vector<16xi32>,
    %add3A_170 = arith.constant 352 : i32
    %add3A_171 = vector.broadcast %add3A_170 : i32 to vector<16xi32>
    %add3A_172 = arith.addi %iota3A, %add3A_171 : vector<16xi32>
    %swap3A_173 = arith.constant 2 : i32
    %swap3A_174 = arith.index_cast %swap3A_173 : i32 to index
    %swap3A_175 = arith.constant 96 : index
    %swap3A_176 = tpu.vector_load %arg12[%swap3A_174, %swap3A_175] {strides = array<i32>} : memref<5x128xi32, #tpu.memory_space<vmem>>, vector<16xi32>,
    tpu.vector_store %arg12[%swap3A_174, %swap3A_175], %add3A_172 {strides = array<i32>} : memref<5x128xi32, #tpu.memory_space<vmem>>, vector<16xi32>,
    %add3A_177 = arith.constant 368 : i32
    %add3A_178 = vector.broadcast %add3A_177 : i32 to vector<16xi32>
    %add3A_179 = arith.addi %iota3A, %add3A_178 : vector<16xi32>
    %swap3A_180 = arith.constant 2 : i32
    %swap3A_181 = arith.index_cast %swap3A_180 : i32 to index
    %swap3A_182 = arith.constant 112 : index
    %swap3A_183 = tpu.vector_load %arg12[%swap3A_181, %swap3A_182] {strides = array<i32>} : memref<5x128xi32, #tpu.memory_space<vmem>>, vector<16xi32>,
    tpu.vector_store %arg12[%swap3A_181, %swap3A_182], %add3A_179 {strides = array<i32>} : memref<5x128xi32, #tpu.memory_space<vmem>>, vector<16xi32>,
    %add3A_184 = arith.constant 384 : i32
    %add3A_185 = vector.broadcast %add3A_184 : i32 to vector<16xi32>
    %add3A_186 = arith.addi %iota3A, %add3A_185 : vector<16xi32>
    %swap3A_187 = arith.constant 3 : i32
    %swap3A_188 = arith.index_cast %swap3A_187 : i32 to index
    %swap3A_189 = arith.constant 0 : index
    %swap3A_190 = tpu.vector_load %arg12[%swap3A_188, %swap3A_189] {strides = array<i32>} : memref<5x128xi32, #tpu.memory_space<vmem>>, vector<16xi32>,
    tpu.vector_store %arg12[%swap3A_188, %swap3A_189], %add3A_186 {strides = array<i32>} : memref<5x128xi32, #tpu.memory_space<vmem>>, vector<16xi32>,
    %add3A_191 = arith.constant 400 : i32
    %add3A_192 = vector.broadcast %add3A_191 : i32 to vector<16xi32>
    %add3A_193 = arith.addi %iota3A, %add3A_192 : vector<16xi32>
    %swap3A_194 = arith.constant 3 : i32
    %swap3A_195 = arith.index_cast %swap3A_194 : i32 to index
    %swap3A_196 = arith.constant 16 : index
    %swap3A_197 = tpu.vector_load %arg12[%swap3A_195, %swap3A_196] {strides = array<i32>} : memref<5x128xi32, #tpu.memory_space<vmem>>, vector<16xi32>,
    tpu.vector_store %arg12[%swap3A_195, %swap3A_196], %add3A_193 {strides = array<i32>} : memref<5x128xi32, #tpu.memory_space<vmem>>, vector<16xi32>,
    %add3A_198 = arith.constant 416 : i32
    %add3A_199 = vector.broadcast %add3A_198 : i32 to vector<16xi32>
    %add3A_200 = arith.addi %iota3A, %add3A_199 : vector<16xi32>
    %swap3A_201 = arith.constant 3 : i32
    %swap3A_202 = arith.index_cast %swap3A_201 : i32 to index
    %swap3A_203 = arith.constant 32 : index
    %swap3A_204 = tpu.vector_load %arg12[%swap3A_202, %swap3A_203] {strides = array<i32>} : memref<5x128xi32, #tpu.memory_space<vmem>>, vector<16xi32>,
    tpu.vector_store %arg12[%swap3A_202, %swap3A_203], %add3A_200 {strides = array<i32>} : memref<5x128xi32, #tpu.memory_space<vmem>>, vector<16xi32>,
    %add3A_205 = arith.constant 432 : i32
    %add3A_206 = vector.broadcast %add3A_205 : i32 to vector<16xi32>
    %add3A_207 = arith.addi %iota3A, %add3A_206 : vector<16xi32>
    %swap3A_208 = arith.constant 3 : i32
    %swap3A_209 = arith.index_cast %swap3A_208 : i32 to index
    %swap3A_210 = arith.constant 48 : index
    %swap3A_211 = tpu.vector_load %arg12[%swap3A_209, %swap3A_210] {strides = array<i32>} : memref<5x128xi32, #tpu.memory_space<vmem>>, vector<16xi32>,
    tpu.vector_store %arg12[%swap3A_209, %swap3A_210], %add3A_207 {strides = array<i32>} : memref<5x128xi32, #tpu.memory_space<vmem>>, vector<16xi32>,
    %add3A_212 = arith.constant 448 : i32
    %add3A_213 = vector.broadcast %add3A_212 : i32 to vector<16xi32>
    %add3A_214 = arith.addi %iota3A, %add3A_213 : vector<16xi32>
    %swap3A_215 = arith.constant 3 : i32
    %swap3A_216 = arith.index_cast %swap3A_215 : i32 to index
    %swap3A_217 = arith.constant 64 : index
    %swap3A_218 = tpu.vector_load %arg12[%swap3A_216, %swap3A_217] {strides = array<i32>} : memref<5x128xi32, #tpu.memory_space<vmem>>, vector<16xi32>,
    tpu.vector_store %arg12[%swap3A_216, %swap3A_217], %add3A_214 {strides = array<i32>} : memref<5x128xi32, #tpu.memory_space<vmem>>, vector<16xi32>,
    %add3A_219 = arith.constant 464 : i32
    %add3A_220 = vector.broadcast %add3A_219 : i32 to vector<16xi32>
    %add3A_221 = arith.addi %iota3A, %add3A_220 : vector<16xi32>
    %swap3A_222 = arith.constant 3 : i32
    %swap3A_223 = arith.index_cast %swap3A_222 : i32 to index
    %swap3A_224 = arith.constant 80 : index
    %swap3A_225 = tpu.vector_load %arg12[%swap3A_223, %swap3A_224] {strides = array<i32>} : memref<5x128xi32, #tpu.memory_space<vmem>>, vector<16xi32>,
    tpu.vector_store %arg12[%swap3A_223, %swap3A_224], %add3A_221 {strides = array<i32>} : memref<5x128xi32, #tpu.memory_space<vmem>>, vector<16xi32>,
    %add3A_226 = arith.constant 480 : i32
    %add3A_227 = vector.broadcast %add3A_226 : i32 to vector<16xi32>
    %add3A_228 = arith.addi %iota3A, %add3A_227 : vector<16xi32>
    %swap3A_229 = arith.constant 3 : i32
    %swap3A_230 = arith.index_cast %swap3A_229 : i32 to index
    %swap3A_231 = arith.constant 96 : index
    %swap3A_232 = tpu.vector_load %arg12[%swap3A_230, %swap3A_231] {strides = array<i32>} : memref<5x128xi32, #tpu.memory_space<vmem>>, vector<16xi32>,
    tpu.vector_store %arg12[%swap3A_230, %swap3A_231], %add3A_228 {strides = array<i32>} : memref<5x128xi32, #tpu.memory_space<vmem>>, vector<16xi32>,
    %add3A_233 = arith.constant 496 : i32
    %add3A_234 = vector.broadcast %add3A_233 : i32 to vector<16xi32>
    %add3A_235 = arith.addi %iota3A, %add3A_234 : vector<16xi32>
    %swap3A_236 = arith.constant 3 : i32
    %swap3A_237 = arith.index_cast %swap3A_236 : i32 to index
    %swap3A_238 = arith.constant 112 : index
    %swap3A_239 = tpu.vector_load %arg12[%swap3A_237, %swap3A_238] {strides = array<i32>} : memref<5x128xi32, #tpu.memory_space<vmem>>, vector<16xi32>,
    tpu.vector_store %arg12[%swap3A_237, %swap3A_238], %add3A_235 {strides = array<i32>} : memref<5x128xi32, #tpu.memory_space<vmem>>, vector<16xi32>,
    %add3A_240 = arith.constant 512 : i32
    %add3A_241 = vector.broadcast %add3A_240 : i32 to vector<16xi32>
    %add3A_242 = arith.addi %iota3A, %add3A_241 : vector<16xi32>
    %swap3A_243 = arith.constant 4 : i32
    %swap3A_244 = arith.index_cast %swap3A_243 : i32 to index
    %swap3A_245 = arith.constant 0 : index
    %swap3A_246 = tpu.vector_load %arg12[%swap3A_244, %swap3A_245] {strides = array<i32>} : memref<5x128xi32, #tpu.memory_space<vmem>>, vector<16xi32>,
    tpu.vector_store %arg12[%swap3A_244, %swap3A_245], %add3A_242 {strides = array<i32>} : memref<5x128xi32, #tpu.memory_space<vmem>>, vector<16xi32>,
    %add3A_247 = arith.constant 528 : i32
    %add3A_248 = vector.broadcast %add3A_247 : i32 to vector<16xi32>
    %add3A_249 = arith.addi %iota3A, %add3A_248 : vector<16xi32>
    %swap3A_250 = arith.constant 4 : i32
    %swap3A_251 = arith.index_cast %swap3A_250 : i32 to index
    %swap3A_252 = arith.constant 16 : index
    %swap3A_253 = tpu.vector_load %arg12[%swap3A_251, %swap3A_252] {strides = array<i32>} : memref<5x128xi32, #tpu.memory_space<vmem>>, vector<16xi32>,
    tpu.vector_store %arg12[%swap3A_251, %swap3A_252], %add3A_249 {strides = array<i32>} : memref<5x128xi32, #tpu.memory_space<vmem>>, vector<16xi32>,
    %add3A_254 = arith.constant 544 : i32
    %add3A_255 = vector.broadcast %add3A_254 : i32 to vector<16xi32>
    %add3A_256 = arith.addi %iota3A, %add3A_255 : vector<16xi32>
    %swap3A_257 = arith.constant 4 : i32
    %swap3A_258 = arith.index_cast %swap3A_257 : i32 to index
    %swap3A_259 = arith.constant 32 : index
    %swap3A_260 = tpu.vector_load %arg12[%swap3A_258, %swap3A_259] {strides = array<i32>} : memref<5x128xi32, #tpu.memory_space<vmem>>, vector<16xi32>,
    tpu.vector_store %arg12[%swap3A_258, %swap3A_259], %add3A_256 {strides = array<i32>} : memref<5x128xi32, #tpu.memory_space<vmem>>, vector<16xi32>,
    %add3A_261 = arith.constant 560 : i32
    %add3A_262 = vector.broadcast %add3A_261 : i32 to vector<16xi32>
    %add3A_263 = arith.addi %iota3A, %add3A_262 : vector<16xi32>
    %swap3A_264 = arith.constant 4 : i32
    %swap3A_265 = arith.index_cast %swap3A_264 : i32 to index
    %swap3A_266 = arith.constant 48 : index
    %swap3A_267 = tpu.vector_load %arg12[%swap3A_265, %swap3A_266] {strides = array<i32>} : memref<5x128xi32, #tpu.memory_space<vmem>>, vector<16xi32>,
    tpu.vector_store %arg12[%swap3A_265, %swap3A_266], %add3A_263 {strides = array<i32>} : memref<5x128xi32, #tpu.memory_space<vmem>>, vector<16xi32>,
    %add3A_268 = arith.constant 576 : i32
    %add3A_269 = vector.broadcast %add3A_268 : i32 to vector<16xi32>
    %add3A_270 = arith.addi %iota3A, %add3A_269 : vector<16xi32>
    %swap3A_271 = arith.constant 4 : i32
    %swap3A_272 = arith.index_cast %swap3A_271 : i32 to index
    %swap3A_273 = arith.constant 64 : index
    %swap3A_274 = tpu.vector_load %arg12[%swap3A_272, %swap3A_273] {strides = array<i32>} : memref<5x128xi32, #tpu.memory_space<vmem>>, vector<16xi32>,
    tpu.vector_store %arg12[%swap3A_272, %swap3A_273], %add3A_270 {strides = array<i32>} : memref<5x128xi32, #tpu.memory_space<vmem>>, vector<16xi32>,
    %add3A_275 = arith.constant 592 : i32
    %add3A_276 = vector.broadcast %add3A_275 : i32 to vector<16xi32>
    %add3A_277 = arith.addi %iota3A, %add3A_276 : vector<16xi32>
    %swap3A_278 = arith.constant 4 : i32
    %swap3A_279 = arith.index_cast %swap3A_278 : i32 to index
    %swap3A_280 = arith.constant 80 : index
    %swap3A_281 = tpu.vector_load %arg12[%swap3A_279, %swap3A_280] {strides = array<i32>} : memref<5x128xi32, #tpu.memory_space<vmem>>, vector<16xi32>,
    tpu.vector_store %arg12[%swap3A_279, %swap3A_280], %add3A_277 {strides = array<i32>} : memref<5x128xi32, #tpu.memory_space<vmem>>, vector<16xi32>,
    %add3A_282 = arith.constant 608 : i32
    %add3A_283 = vector.broadcast %add3A_282 : i32 to vector<16xi32>
    %add3A_284 = arith.addi %iota3A, %add3A_283 : vector<16xi32>
    %swap3A_285 = arith.constant 4 : i32
    %swap3A_286 = arith.index_cast %swap3A_285 : i32 to index
    %swap3A_287 = arith.constant 96 : index
    %swap3A_288 = tpu.vector_load %arg12[%swap3A_286, %swap3A_287] {strides = array<i32>} : memref<5x128xi32, #tpu.memory_space<vmem>>, vector<16xi32>,
    tpu.vector_store %arg12[%swap3A_286, %swap3A_287], %add3A_284 {strides = array<i32>} : memref<5x128xi32, #tpu.memory_space<vmem>>, vector<16xi32>,
    %add3A_289 = arith.constant 624 : i32
    %add3A_290 = vector.broadcast %add3A_289 : i32 to vector<16xi32>
    %add3A_291 = arith.addi %iota3A, %add3A_290 : vector<16xi32>
    %swap3A_292 = arith.constant 4 : i32
    %swap3A_293 = arith.index_cast %swap3A_292 : i32 to index
    %swap3A_294 = arith.constant 112 : index
    %swap3A_295 = tpu.vector_load %arg12[%swap3A_293, %swap3A_294] {strides = array<i32>} : memref<5x128xi32, #tpu.memory_space<vmem>>, vector<16xi32>,
    tpu.vector_store %arg12[%swap3A_293, %swap3A_294], %add3A_291 {strides = array<i32>} : memref<5x128xi32, #tpu.memory_space<vmem>>, vector<16xi32>,
    %mul3A_296 = arith.constant 640 : i32
    %mul3A_297 = arith.muli %arg1, %mul3A_296 : i32
    %add3A_298 = arith.constant 0 : i32
    %add3A_299 = arith.addi %mul3A_297, %add3A_298 : i32
    "tpu.region"() ({
      %run_scoped3A = tpu.sem_alloc : memref<!tpu.dma_semaphore, #tpu.memory_space<semaphore_mem>>
      %dma_start3A_420 = arith.constant 0 : i32
      %dma_start3A_421 = tpu.memref_slice %arg13[%add3A_299, %dma_start3A_420] : memref<10240x128xf32, #tpu.memory_space<vmem_shared>> -> memref<128x128xf32, #tpu.memory_space<vmem_shared>>
      %dma_start3A_422 = arith.constant 0 : i32
      %dma_start3A_423 = tpu.memref_slice %arg13[%add3A_299, %dma_start3A_422] : memref<10240x128xf32, #tpu.memory_space<vmem_shared>> -> memref<128x128xf32, #tpu.memory_space<vmem_shared>>
      tpu.enqueue_dma source(%arg9 : memref<128x128xf32, #tpu.memory_space<vmem>>) target(%dma_start3A_423 : memref<128x128xf32, #tpu.memory_space<vmem_shared>>) target_semaphore(%run_scoped3A : memref<!tpu.dma_semaphore, #tpu.memory_space<semaphore_mem>>)
      %dma_wait3A_424 = arith.constant 0 : i32
      %dma_wait3A_425 = tpu.memref_slice %arg13[%add3A_299, %dma_wait3A_424] : memref<10240x128xf32, #tpu.memory_space<vmem_shared>> -> memref<128x128xf32, #tpu.memory_space<vmem_shared>>
      %dma_wait3A_426 = arith.constant 0 : i32
      %dma_wait3A_427 = tpu.memref_slice %arg13[%add3A_299, %dma_wait3A_426] : memref<10240x128xf32, #tpu.memory_space<vmem_shared>> -> memref<128x128xf32, #tpu.memory_space<vmem_shared>>
      tpu.wait_dma2 semaphore(%run_scoped3A : memref<!tpu.dma_semaphore, #tpu.memory_space<semaphore_mem>>) src(%arg9 : memref<128x128xf32, #tpu.memory_space<vmem>>) dst(%dma_wait3A_427 : memref<128x128xf32, #tpu.memory_space<vmem_shared>>)
      tpu.yield
    }) : () -> ()
    %add3A_300 = arith.constant 128 : i32
    %add3A_301 = arith.addi %mul3A_297, %add3A_300 : i32
    "tpu.region"() ({
      %run_scoped3A = tpu.sem_alloc : memref<!tpu.dma_semaphore, #tpu.memory_space<semaphore_mem>>
      %dma_start3A_420 = arith.constant 0 : i32
      %dma_start3A_421 = tpu.memref_slice %arg13[%add3A_301, %dma_start3A_420] : memref<10240x128xf32, #tpu.memory_space<vmem_shared>> -> memref<128x128xf32, #tpu.memory_space<vmem_shared>>
      %dma_start3A_422 = arith.constant 0 : i32
      %dma_start3A_423 = tpu.memref_slice %arg13[%add3A_301, %dma_start3A_422] : memref<10240x128xf32, #tpu.memory_space<vmem_shared>> -> memref<128x128xf32, #tpu.memory_space<vmem_shared>>
      tpu.enqueue_dma source(%arg9 : memref<128x128xf32, #tpu.memory_space<vmem>>) target(%dma_start3A_423 : memref<128x128xf32, #tpu.memory_space<vmem_shared>>) target_semaphore(%run_scoped3A : memref<!tpu.dma_semaphore, #tpu.memory_space<semaphore_mem>>)
      %dma_wait3A_424 = arith.constant 0 : i32
      %dma_wait3A_425 = tpu.memref_slice %arg13[%add3A_301, %dma_wait3A_424] : memref<10240x128xf32, #tpu.memory_space<vmem_shared>> -> memref<128x128xf32, #tpu.memory_space<vmem_shared>>
      %dma_wait3A_426 = arith.constant 0 : i32
      %dma_wait3A_427 = tpu.memref_slice %arg13[%add3A_301, %dma_wait3A_426] : memref<10240x128xf32, #tpu.memory_space<vmem_shared>> -> memref<128x128xf32, #tpu.memory_space<vmem_shared>>
      tpu.wait_dma2 semaphore(%run_scoped3A : memref<!tpu.dma_semaphore, #tpu.memory_space<semaphore_mem>>) src(%arg9 : memref<128x128xf32, #tpu.memory_space<vmem>>) dst(%dma_wait3A_427 : memref<128x128xf32, #tpu.memory_space<vmem_shared>>)
      tpu.yield
    }) : () -> ()
    %add3A_302 = arith.constant 256 : i32
    %add3A_303 = arith.addi %mul3A_297, %add3A_302 : i32
    "tpu.region"() ({
      %run_scoped3A = tpu.sem_alloc : memref<!tpu.dma_semaphore, #tpu.memory_space<semaphore_mem>>
      %dma_start3A_420 = arith.constant 0 : i32
      %dma_start3A_421 = tpu.memref_slice %arg13[%add3A_303, %dma_start3A_420] : memref<10240x128xf32, #tpu.memory_space<vmem_shared>> -> memref<128x128xf32, #tpu.memory_space<vmem_shared>>
      %dma_start3A_422 = arith.constant 0 : i32
      %dma_start3A_423 = tpu.memref_slice %arg13[%add3A_303, %dma_start3A_422] : memref<10240x128xf32, #tpu.memory_space<vmem_shared>> -> memref<128x128xf32, #tpu.memory_space<vmem_shared>>
      tpu.enqueue_dma source(%arg9 : memref<128x128xf32, #tpu.memory_space<vmem>>) target(%dma_start3A_423 : memref<128x128xf32, #tpu.memory_space<vmem_shared>>) target_semaphore(%run_scoped3A : memref<!tpu.dma_semaphore, #tpu.memory_space<semaphore_mem>>)
      %dma_wait3A_424 = arith.constant 0 : i32
      %dma_wait3A_425 = tpu.memref_slice %arg13[%add3A_303, %dma_wait3A_424] : memref<10240x128xf32, #tpu.memory_space<vmem_shared>> -> memref<128x128xf32, #tpu.memory_space<vmem_shared>>
      %dma_wait3A_426 = arith.constant 0 : i32
      %dma_wait3A_427 = tpu.memref_slice %arg13[%add3A_303, %dma_wait3A_426] : memref<10240x128xf32, #tpu.memory_space<vmem_shared>> -> memref<128x128xf32, #tpu.memory_space<vmem_shared>>
      tpu.wait_dma2 semaphore(%run_scoped3A : memref<!tpu.dma_semaphore, #tpu.memory_space<semaphore_mem>>) src(%arg9 : memref<128x128xf32, #tpu.memory_space<vmem>>) dst(%dma_wait3A_427 : memref<128x128xf32, #tpu.memory_space<vmem_shared>>)
      tpu.yield
    }) : () -> ()
    %add3A_304 = arith.constant 384 : i32
    %add3A_305 = arith.addi %mul3A_297, %add3A_304 : i32
    "tpu.region"() ({
      %run_scoped3A = tpu.sem_alloc : memref<!tpu.dma_semaphore, #tpu.memory_space<semaphore_mem>>
      %dma_start3A_420 = arith.constant 0 : i32
      %dma_start3A_421 = tpu.memref_slice %arg13[%add3A_305, %dma_start3A_420] : memref<10240x128xf32, #tpu.memory_space<vmem_shared>> -> memref<128x128xf32, #tpu.memory_space<vmem_shared>>
      %dma_start3A_422 = arith.constant 0 : i32
      %dma_start3A_423 = tpu.memref_slice %arg13[%add3A_305, %dma_start3A_422] : memref<10240x128xf32, #tpu.memory_space<vmem_shared>> -> memref<128x128xf32, #tpu.memory_space<vmem_shared>>
      tpu.enqueue_dma source(%arg9 : memref<128x128xf32, #tpu.memory_space<vmem>>) target(%dma_start3A_423 : memref<128x128xf32, #tpu.memory_space<vmem_shared>>) target_semaphore(%run_scoped3A : memref<!tpu.dma_semaphore, #tpu.memory_space<semaphore_mem>>)
      %dma_wait3A_424 = arith.constant 0 : i32
      %dma_wait3A_425 = tpu.memref_slice %arg13[%add3A_305, %dma_wait3A_424] : memref<10240x128xf32, #tpu.memory_space<vmem_shared>> -> memref<128x128xf32, #tpu.memory_space<vmem_shared>>
      %dma_wait3A_426 = arith.constant 0 : i32
      %dma_wait3A_427 = tpu.memref_slice %arg13[%add3A_305, %dma_wait3A_426] : memref<10240x128xf32, #tpu.memory_space<vmem_shared>> -> memref<128x128xf32, #tpu.memory_space<vmem_shared>>
      tpu.wait_dma2 semaphore(%run_scoped3A : memref<!tpu.dma_semaphore, #tpu.memory_space<semaphore_mem>>) src(%arg9 : memref<128x128xf32, #tpu.memory_space<vmem>>) dst(%dma_wait3A_427 : memref<128x128xf32, #tpu.memory_space<vmem_shared>>)
      tpu.yield
    }) : () -> ()
    %add3A_306 = arith.constant 512 : i32
    %add3A_307 = arith.addi %mul3A_297, %add3A_306 : i32
    "tpu.region"() ({
      %run_scoped3A = tpu.sem_alloc : memref<!tpu.dma_semaphore, #tpu.memory_space<semaphore_mem>>
      %dma_start3A_420 = arith.constant 0 : i32
      %dma_start3A_421 = tpu.memref_slice %arg13[%add3A_307, %dma_start3A_420] : memref<10240x128xf32, #tpu.memory_space<vmem_shared>> -> memref<128x128xf32, #tpu.memory_space<vmem_shared>>
      %dma_start3A_422 = arith.constant 0 : i32
      %dma_start3A_423 = tpu.memref_slice %arg13[%add3A_307, %dma_start3A_422] : memref<10240x128xf32, #tpu.memory_space<vmem_shared>> -> memref<128x128xf32, #tpu.memory_space<vmem_shared>>
      tpu.enqueue_dma source(%arg9 : memref<128x128xf32, #tpu.memory_space<vmem>>) target(%dma_start3A_423 : memref<128x128xf32, #tpu.memory_space<vmem_shared>>) target_semaphore(%run_scoped3A : memref<!tpu.dma_semaphore, #tpu.memory_space<semaphore_mem>>)
      %dma_wait3A_424 = arith.constant 0 : i32
      %dma_wait3A_425 = tpu.memref_slice %arg13[%add3A_307, %dma_wait3A_424] : memref<10240x128xf32, #tpu.memory_space<vmem_shared>> -> memref<128x128xf32, #tpu.memory_space<vmem_shared>>
      %dma_wait3A_426 = arith.constant 0 : i32
      %dma_wait3A_427 = tpu.memref_slice %arg13[%add3A_307, %dma_wait3A_426] : memref<10240x128xf32, #tpu.memory_space<vmem_shared>> -> memref<128x128xf32, #tpu.memory_space<vmem_shared>>
      tpu.wait_dma2 semaphore(%run_scoped3A : memref<!tpu.dma_semaphore, #tpu.memory_space<semaphore_mem>>) src(%arg9 : memref<128x128xf32, #tpu.memory_space<vmem>>) dst(%dma_wait3A_427 : memref<128x128xf32, #tpu.memory_space<vmem_shared>>)
      tpu.yield
    }) : () -> ()
    %mul3A_308 = arith.constant 40 : i32
    %mul3A_309 = arith.muli %arg1, %mul3A_308 : i32
    "tpu.region"() ({
      %run_scoped3A = tpu.sem_alloc : memref<!tpu.dma_semaphore, #tpu.memory_space<semaphore_mem>>
      %dma_start3A_420 = arith.constant 0 : i32
      %dma_start3A_421 = arith.constant 0 : i32
      %dma_start3A_422 = tpu.memref_slice %arg11[%dma_start3A_420, %dma_start3A_421] : memref<640x16xf32, #tpu.memory_space<vmem>> -> memref<40x16xf32, #tpu.memory_space<vmem>>
      %dma_start3A_423 = arith.constant 0 : i32
      %dma_start3A_424 = tpu.memref_slice %arg14[%mul3A_309, %dma_start3A_423] : memref<640x16xf32, #tpu.memory_space<vmem_shared>> -> memref<40x16xf32, #tpu.memory_space<vmem_shared>>
      %dma_start3A_425 = arith.constant 0 : i32
      %dma_start3A_426 = tpu.memref_slice %arg14[%mul3A_309, %dma_start3A_425] : memref<640x16xf32, #tpu.memory_space<vmem_shared>> -> memref<40x16xf32, #tpu.memory_space<vmem_shared>>
      %dma_start3A_427 = arith.constant 0 : i32
      %dma_start3A_428 = arith.constant 0 : i32
      %dma_start3A_429 = tpu.memref_slice %arg11[%dma_start3A_427, %dma_start3A_428] : memref<640x16xf32, #tpu.memory_space<vmem>> -> memref<40x16xf32, #tpu.memory_space<vmem>>
      tpu.enqueue_dma source(%dma_start3A_429 : memref<40x16xf32, #tpu.memory_space<vmem>>) target(%dma_start3A_426 : memref<40x16xf32, #tpu.memory_space<vmem_shared>>) target_semaphore(%run_scoped3A : memref<!tpu.dma_semaphore, #tpu.memory_space<semaphore_mem>>)
      %dma_wait3A_430 = arith.constant 0 : i32
      %dma_wait3A_431 = arith.constant 0 : i32
      %dma_wait3A_432 = tpu.memref_slice %arg11[%dma_wait3A_430, %dma_wait3A_431] : memref<640x16xf32, #tpu.memory_space<vmem>> -> memref<40x16xf32, #tpu.memory_space<vmem>>
      %dma_wait3A_433 = arith.constant 0 : i32
      %dma_wait3A_434 = tpu.memref_slice %arg14[%mul3A_309, %dma_wait3A_433] : memref<640x16xf32, #tpu.memory_space<vmem_shared>> -> memref<40x16xf32, #tpu.memory_space<vmem_shared>>
      %dma_wait3A_435 = arith.constant 0 : i32
      %dma_wait3A_436 = tpu.memref_slice %arg14[%mul3A_309, %dma_wait3A_435] : memref<640x16xf32, #tpu.memory_space<vmem_shared>> -> memref<40x16xf32, #tpu.memory_space<vmem_shared>>
      %dma_wait3A_437 = arith.constant 0 : i32
      %dma_wait3A_438 = arith.constant 0 : i32
      %dma_wait3A_439 = tpu.memref_slice %arg11[%dma_wait3A_437, %dma_wait3A_438] : memref<640x16xf32, #tpu.memory_space<vmem>> -> memref<40x16xf32, #tpu.memory_space<vmem>>
      tpu.wait_dma2 semaphore(%run_scoped3A : memref<!tpu.dma_semaphore, #tpu.memory_space<semaphore_mem>>) src(%dma_wait3A_439 : memref<40x16xf32, #tpu.memory_space<vmem>>) dst(%dma_wait3A_436 : memref<40x16xf32, #tpu.memory_space<vmem_shared>>)
      tpu.yield
    }) : () -> ()
    %barrier3A = arith.constant 0 : index
    tpu.barrier barrier_id(%barrier3A)
    %scan3A_310 = arith.constant 0 : i32
    %scan3A_311 = arith.constant 0 : i32
    %scan3A_312 = arith.constant 10 : i32
    %scan3A_313 = arith.addi %scan3A_311, %scan3A_312 : i32
    %scan3A_314 = arith.constant 1 : i32
    %scan3A_315 = scf.for %scan3A_420 = %scan3A_311 to %scan3A_313 step %scan3A_314 iter_args(%scan3A_421 = %scan3A_310) -> (i32)  : i32 {
      "tpu.region"() ({
        %run_scoped3A = tpu.sem_alloc : memref<!tpu.dma_semaphore, #tpu.memory_space<semaphore_mem>>
        %dma_start3A_1284 = arith.constant 0 : i32
        %dma_start3A_1285 = arith.constant 0 : i32
        %dma_start3A_1286 = tpu.memref_slice %arg3[%add3A, %scan3A_420, %dma_start3A_1284, %dma_start3A_1285] : memref<32x10x8x128xi32, #tpu.memory_space<hbm>> -> memref<1x1x8x128xi32, #tpu.memory_space<hbm>>
        %dma_start3A_1287 = tpu.memref_squeeze %dma_start3A_1286 : memref<1x1x8x128xi32, #tpu.memory_space<hbm>> -> memref<8x128xi32, #tpu.memory_space<hbm>>
        %dma_start3A_1288 = arith.constant 0 : i32
        %dma_start3A_1289 = arith.constant 0 : i32
        %dma_start3A_1290 = tpu.memref_slice %arg3[%add3A, %scan3A_420, %dma_start3A_1288, %dma_start3A_1289] : memref<32x10x8x128xi32, #tpu.memory_space<hbm>> -> memref<1x1x8x128xi32, #tpu.memory_space<hbm>>
        %dma_start3A_1291 = tpu.memref_squeeze %dma_start3A_1290 : memref<1x1x8x128xi32, #tpu.memory_space<hbm>> -> memref<8x128xi32, #tpu.memory_space<hbm>>
        tpu.enqueue_dma source(%dma_start3A_1291 : memref<8x128xi32, #tpu.memory_space<hbm>>) target(%arg7 : memref<8x128xi32, #tpu.memory_space<vmem>>) target_semaphore(%run_scoped3A : memref<!tpu.dma_semaphore, #tpu.memory_space<semaphore_mem>>)
        %dma_wait3A_1292 = arith.constant 0 : i32
        %dma_wait3A_1293 = arith.constant 0 : i32
        %dma_wait3A_1294 = tpu.memref_slice %arg3[%add3A, %scan3A_420, %dma_wait3A_1292, %dma_wait3A_1293] : memref<32x10x8x128xi32, #tpu.memory_space<hbm>> -> memref<1x1x8x128xi32, #tpu.memory_space<hbm>>
        %dma_wait3A_1295 = tpu.memref_squeeze %dma_wait3A_1294 : memref<1x1x8x128xi32, #tpu.memory_space<hbm>> -> memref<8x128xi32, #tpu.memory_space<hbm>>
        %dma_wait3A_1296 = arith.constant 0 : i32
        %dma_wait3A_1297 = arith.constant 0 : i32
        %dma_wait3A_1298 = tpu.memref_slice %arg3[%add3A, %scan3A_420, %dma_wait3A_1296, %dma_wait3A_1297] : memref<32x10x8x128xi32, #tpu.memory_space<hbm>> -> memref<1x1x8x128xi32, #tpu.memory_space<hbm>>
        %dma_wait3A_1299 = tpu.memref_squeeze %dma_wait3A_1298 : memref<1x1x8x128xi32, #tpu.memory_space<hbm>> -> memref<8x128xi32, #tpu.memory_space<hbm>>
        tpu.wait_dma2 semaphore(%run_scoped3A : memref<!tpu.dma_semaphore, #tpu.memory_space<semaphore_mem>>) src(%dma_wait3A_1299 : memref<8x128xi32, #tpu.memory_space<hbm>>) dst(%arg7 : memref<8x128xi32, #tpu.memory_space<vmem>>)
        tpu.yield
      }) : () -> ()
      "tpu.region"() ({
        %run_scoped3A = tpu.sem_alloc : memref<!tpu.dma_semaphore, #tpu.memory_space<semaphore_mem>>
        %dma_start3A_1284 = arith.constant 0 : i32
        %dma_start3A_1285 = arith.constant 0 : i32
        %dma_start3A_1286 = tpu.memref_slice %arg4[%add3A, %scan3A_420, %dma_start3A_1284, %dma_start3A_1285] : memref<32x10x8x128xi32, #tpu.memory_space<hbm>> -> memref<1x1x8x128xi32, #tpu.memory_space<hbm>>
        %dma_start3A_1287 = tpu.memref_squeeze %dma_start3A_1286 : memref<1x1x8x128xi32, #tpu.memory_space<hbm>> -> memref<8x128xi32, #tpu.memory_space<hbm>>
        %dma_start3A_1288 = arith.constant 0 : i32
        %dma_start3A_1289 = arith.constant 0 : i32
        %dma_start3A_1290 = tpu.memref_slice %arg4[%add3A, %scan3A_420, %dma_start3A_1288, %dma_start3A_1289] : memref<32x10x8x128xi32, #tpu.memory_space<hbm>> -> memref<1x1x8x128xi32, #tpu.memory_space<hbm>>
        %dma_start3A_1291 = tpu.memref_squeeze %dma_start3A_1290 : memref<1x1x8x128xi32, #tpu.memory_space<hbm>> -> memref<8x128xi32, #tpu.memory_space<hbm>>
        tpu.enqueue_dma source(%dma_start3A_1291 : memref<8x128xi32, #tpu.memory_space<hbm>>) target(%arg8 : memref<8x128xi32, #tpu.memory_space<vmem>>) target_semaphore(%run_scoped3A : memref<!tpu.dma_semaphore, #tpu.memory_space<semaphore_mem>>)
        %dma_wait3A_1292 = arith.constant 0 : i32
        %dma_wait3A_1293 = arith.constant 0 : i32
        %dma_wait3A_1294 = tpu.memref_slice %arg4[%add3A, %scan3A_420, %dma_wait3A_1292, %dma_wait3A_1293] : memref<32x10x8x128xi32, #tpu.memory_space<hbm>> -> memref<1x1x8x128xi32, #tpu.memory_space<hbm>>
        %dma_wait3A_1295 = tpu.memref_squeeze %dma_wait3A_1294 : memref<1x1x8x128xi32, #tpu.memory_space<hbm>> -> memref<8x128xi32, #tpu.memory_space<hbm>>
        %dma_wait3A_1296 = arith.constant 0 : i32
        %dma_wait3A_1297 = arith.constant 0 : i32
        %dma_wait3A_1298 = tpu.memref_slice %arg4[%add3A, %scan3A_420, %dma_wait3A_1296, %dma_wait3A_1297] : memref<32x10x8x128xi32, #tpu.memory_space<hbm>> -> memref<1x1x8x128xi32, #tpu.memory_space<hbm>>
        %dma_wait3A_1299 = tpu.memref_squeeze %dma_wait3A_1298 : memref<1x1x8x128xi32, #tpu.memory_space<hbm>> -> memref<8x128xi32, #tpu.memory_space<hbm>>
        tpu.wait_dma2 semaphore(%run_scoped3A : memref<!tpu.dma_semaphore, #tpu.memory_space<semaphore_mem>>) src(%dma_wait3A_1299 : memref<8x128xi32, #tpu.memory_space<hbm>>) dst(%arg8 : memref<8x128xi32, #tpu.memory_space<vmem>>)
        tpu.yield
      }) : () -> ()
      %dma_start3A_422 = arith.constant 0 : i32
      %dma_start3A_423 = arith.constant 0 : i32
      %dma_start3A_424 = tpu.memref_slice %arg7[%dma_start3A_422, %dma_start3A_423] : memref<8x128xi32, #tpu.memory_space<vmem>> -> memref<1x128xi32, #tpu.memory_space<vmem>>
      %dma_start3A_425 = tpu.memref_squeeze %dma_start3A_424 : memref<1x128xi32, #tpu.memory_space<vmem>> -> memref<128xi32, #tpu.memory_space<vmem>>
      %dma_start3A_426 = arith.constant 0 : i32
      %dma_start3A_427 = arith.constant 0 : i32
      %dma_start3A_428 = tpu.memref_slice %arg2[%dma_start3A_426, %dma_start3A_427] : memref<50000x128xf32, #tpu.memory_space<hbm>> -> memref<50000x128xf32, #tpu.memory_space<hbm>>
      tpu.enqueue_indirect_dma source(%dma_start3A_428 : memref<50000x128xf32, #tpu.memory_space<hbm>>) target(%arg9 : memref<128x128xf32, #tpu.memory_space<vmem>>) offsets(%dma_start3A_425 : memref<128xi32, #tpu.memory_space<vmem>>) semaphore(%arg15 : memref<!tpu.dma_semaphore, #tpu.memory_space<semaphore_mem>>)
      %dma_start3A_429 = arith.constant 1 : i32
      %dma_start3A_430 = arith.constant 0 : i32
      %dma_start3A_431 = tpu.memref_slice %arg7[%dma_start3A_429, %dma_start3A_430] : memref<8x128xi32, #tpu.memory_space<vmem>> -> memref<1x128xi32, #tpu.memory_space<vmem>>
      %dma_start3A_432 = tpu.memref_squeeze %dma_start3A_431 : memref<1x128xi32, #tpu.memory_space<vmem>> -> memref<128xi32, #tpu.memory_space<vmem>>
      %dma_start3A_433 = arith.constant 0 : i32
      %dma_start3A_434 = arith.constant 0 : i32
      %dma_start3A_435 = tpu.memref_slice %arg2[%dma_start3A_433, %dma_start3A_434] : memref<50000x128xf32, #tpu.memory_space<hbm>> -> memref<50000x128xf32, #tpu.memory_space<hbm>>
      tpu.enqueue_indirect_dma source(%dma_start3A_435 : memref<50000x128xf32, #tpu.memory_space<hbm>>) target(%arg10 : memref<128x128xf32, #tpu.memory_space<vmem>>) offsets(%dma_start3A_432 : memref<128xi32, #tpu.memory_space<vmem>>) semaphore(%arg16 : memref<!tpu.dma_semaphore, #tpu.memory_space<semaphore_mem>>)
      %get3A = arith.constant 0 : i32
      %get3A_436 = arith.index_cast %get3A : i32 to index
      %get3A_437 = arith.constant 0 : index
      %get3A_438 = tpu.vector_load %arg8[%get3A_436, %get3A_437] {strides = array<i32>} : memref<8x128xi32, #tpu.memory_space<vmem>>, vector<16xi32>,
      %shift_right_logical3A = arith.constant 4 : i32
      %shift_right_logical3A_439 = vector.broadcast %shift_right_logical3A : i32 to vector<16xi32>
      %shift_right_logical3A_440 = arith.shrui %get3A_438, %shift_right_logical3A_439 : vector<16xi32>
      %and3A = arith.constant 15 : i32
      %and3A_441 = vector.broadcast %and3A : i32 to vector<16xi32>
      %and3A_442 = arith.andi %get3A_438, %and3A_441 : vector<16xi32>
      tpu.vector_store_idx %arg11[%shift_right_logical3A_440, %and3A_442], %broadcast_in_dim3A_3 {add = true} : memref<640x16xf32, #tpu.memory_space<vmem>>[vector<16xi32>, vector<16xi32>], vector<16xf32>,
      %get3A_443 = arith.constant 0 : i32
      %get3A_444 = arith.index_cast %get3A_443 : i32 to index
      %get3A_445 = arith.constant 16 : index
      %get3A_446 = tpu.vector_load %arg8[%get3A_444, %get3A_445] {strides = array<i32>} : memref<8x128xi32, #tpu.memory_space<vmem>>, vector<16xi32>,
      %shift_right_logical3A_447 = arith.constant 4 : i32
      %shift_right_logical3A_448 = vector.broadcast %shift_right_logical3A_447 : i32 to vector<16xi32>
      %shift_right_logical3A_449 = arith.shrui %get3A_446, %shift_right_logical3A_448 : vector<16xi32>
      %and3A_450 = arith.constant 15 : i32
      %and3A_451 = vector.broadcast %and3A_450 : i32 to vector<16xi32>
      %and3A_452 = arith.andi %get3A_446, %and3A_451 : vector<16xi32>
      tpu.vector_store_idx %arg11[%shift_right_logical3A_449, %and3A_452], %broadcast_in_dim3A_3 {add = true} : memref<640x16xf32, #tpu.memory_space<vmem>>[vector<16xi32>, vector<16xi32>], vector<16xf32>,
      %get3A_453 = arith.constant 0 : i32
      %get3A_454 = arith.index_cast %get3A_453 : i32 to index
      %get3A_455 = arith.constant 32 : index
      %get3A_456 = tpu.vector_load %arg8[%get3A_454, %get3A_455] {strides = array<i32>} : memref<8x128xi32, #tpu.memory_space<vmem>>, vector<16xi32>,
      %shift_right_logical3A_457 = arith.constant 4 : i32
      %shift_right_logical3A_458 = vector.broadcast %shift_right_logical3A_457 : i32 to vector<16xi32>
      %shift_right_logical3A_459 = arith.shrui %get3A_456, %shift_right_logical3A_458 : vector<16xi32>
      %and3A_460 = arith.constant 15 : i32
      %and3A_461 = vector.broadcast %and3A_460 : i32 to vector<16xi32>
      %and3A_462 = arith.andi %get3A_456, %and3A_461 : vector<16xi32>
      tpu.vector_store_idx %arg11[%shift_right_logical3A_459, %and3A_462], %broadcast_in_dim3A_3 {add = true} : memref<640x16xf32, #tpu.memory_space<vmem>>[vector<16xi32>, vector<16xi32>], vector<16xf32>,
      %get3A_463 = arith.constant 0 : i32
      %get3A_464 = arith.index_cast %get3A_463 : i32 to index
      %get3A_465 = arith.constant 48 : index
      %get3A_466 = tpu.vector_load %arg8[%get3A_464, %get3A_465] {strides = array<i32>} : memref<8x128xi32, #tpu.memory_space<vmem>>, vector<16xi32>,
      %shift_right_logical3A_467 = arith.constant 4 : i32
      %shift_right_logical3A_468 = vector.broadcast %shift_right_logical3A_467 : i32 to vector<16xi32>
      %shift_right_logical3A_469 = arith.shrui %get3A_466, %shift_right_logical3A_468 : vector<16xi32>
      %and3A_470 = arith.constant 15 : i32
      %and3A_471 = vector.broadcast %and3A_470 : i32 to vector<16xi32>
      %and3A_472 = arith.andi %get3A_466, %and3A_471 : vector<16xi32>
      tpu.vector_store_idx %arg11[%shift_right_logical3A_469, %and3A_472], %broadcast_in_dim3A_3 {add = true} : memref<640x16xf32, #tpu.memory_space<vmem>>[vector<16xi32>, vector<16xi32>], vector<16xf32>,
      %get3A_473 = arith.constant 0 : i32
      %get3A_474 = arith.index_cast %get3A_473 : i32 to index
      %get3A_475 = arith.constant 64 : index
      %get3A_476 = tpu.vector_load %arg8[%get3A_474, %get3A_475] {strides = array<i32>} : memref<8x128xi32, #tpu.memory_space<vmem>>, vector<16xi32>,
      %shift_right_logical3A_477 = arith.constant 4 : i32
      %shift_right_logical3A_478 = vector.broadcast %shift_right_logical3A_477 : i32 to vector<16xi32>
      %shift_right_logical3A_479 = arith.shrui %get3A_476, %shift_right_logical3A_478 : vector<16xi32>
      %and3A_480 = arith.constant 15 : i32
      %and3A_481 = vector.broadcast %and3A_480 : i32 to vector<16xi32>
      %and3A_482 = arith.andi %get3A_476, %and3A_481 : vector<16xi32>
      tpu.vector_store_idx %arg11[%shift_right_logical3A_479, %and3A_482], %broadcast_in_dim3A_3 {add = true} : memref<640x16xf32, #tpu.memory_space<vmem>>[vector<16xi32>, vector<16xi32>], vector<16xf32>,
      %get3A_483 = arith.constant 0 : i32
      %get3A_484 = arith.index_cast %get3A_483 : i32 to index
      %get3A_485 = arith.constant 80 : index
      %get3A_486 = tpu.vector_load %arg8[%get3A_484, %get3A_485] {strides = array<i32>} : memref<8x128xi32, #tpu.memory_space<vmem>>, vector<16xi32>,
      %shift_right_logical3A_487 = arith.constant 4 : i32
      %shift_right_logical3A_488 = vector.broadcast %shift_right_logical3A_487 : i32 to vector<16xi32>
      %shift_right_logical3A_489 = arith.shrui %get3A_486, %shift_right_logical3A_488 : vector<16xi32>
      %and3A_490 = arith.constant 15 : i32
      %and3A_491 = vector.broadcast %and3A_490 : i32 to vector<16xi32>
      %and3A_492 = arith.andi %get3A_486, %and3A_491 : vector<16xi32>
      tpu.vector_store_idx %arg11[%shift_right_logical3A_489, %and3A_492], %broadcast_in_dim3A_3 {add = true} : memref<640x16xf32, #tpu.memory_space<vmem>>[vector<16xi32>, vector<16xi32>], vector<16xf32>,
      %get3A_493 = arith.constant 0 : i32
      %get3A_494 = arith.index_cast %get3A_493 : i32 to index
      %get3A_495 = arith.constant 96 : index
      %get3A_496 = tpu.vector_load %arg8[%get3A_494, %get3A_495] {strides = array<i32>} : memref<8x128xi32, #tpu.memory_space<vmem>>, vector<16xi32>,
      %shift_right_logical3A_497 = arith.constant 4 : i32
      %shift_right_logical3A_498 = vector.broadcast %shift_right_logical3A_497 : i32 to vector<16xi32>
      %shift_right_logical3A_499 = arith.shrui %get3A_496, %shift_right_logical3A_498 : vector<16xi32>
      %and3A_500 = arith.constant 15 : i32
      %and3A_501 = vector.broadcast %and3A_500 : i32 to vector<16xi32>
      %and3A_502 = arith.andi %get3A_496, %and3A_501 : vector<16xi32>
      tpu.vector_store_idx %arg11[%shift_right_logical3A_499, %and3A_502], %broadcast_in_dim3A_3 {add = true} : memref<640x16xf32, #tpu.memory_space<vmem>>[vector<16xi32>, vector<16xi32>], vector<16xf32>,
      %get3A_503 = arith.constant 0 : i32
      %get3A_504 = arith.index_cast %get3A_503 : i32 to index
      %get3A_505 = arith.constant 112 : index
      %get3A_506 = tpu.vector_load %arg8[%get3A_504, %get3A_505] {strides = array<i32>} : memref<8x128xi32, #tpu.memory_space<vmem>>, vector<16xi32>,
      %shift_right_logical3A_507 = arith.constant 4 : i32
      %shift_right_logical3A_508 = vector.broadcast %shift_right_logical3A_507 : i32 to vector<16xi32>
      %shift_right_logical3A_509 = arith.shrui %get3A_506, %shift_right_logical3A_508 : vector<16xi32>
      %and3A_510 = arith.constant 15 : i32
      %and3A_511 = vector.broadcast %and3A_510 : i32 to vector<16xi32>
      %and3A_512 = arith.andi %get3A_506, %and3A_511 : vector<16xi32>
      tpu.vector_store_idx %arg11[%shift_right_logical3A_509, %and3A_512], %broadcast_in_dim3A_3 {add = true} : memref<640x16xf32, #tpu.memory_space<vmem>>[vector<16xi32>, vector<16xi32>], vector<16xf32>,
      %get3A_513 = arith.constant 1 : i32
      %get3A_514 = arith.index_cast %get3A_513 : i32 to index
      %get3A_515 = arith.constant 0 : index
      %get3A_516 = tpu.vector_load %arg8[%get3A_514, %get3A_515] {strides = array<i32>} : memref<8x128xi32, #tpu.memory_space<vmem>>, vector<16xi32>,
      %shift_right_logical3A_517 = arith.constant 4 : i32
      %shift_right_logical3A_518 = vector.broadcast %shift_right_logical3A_517 : i32 to vector<16xi32>
      %shift_right_logical3A_519 = arith.shrui %get3A_516, %shift_right_logical3A_518 : vector<16xi32>
      %and3A_520 = arith.constant 15 : i32
      %and3A_521 = vector.broadcast %and3A_520 : i32 to vector<16xi32>
      %and3A_522 = arith.andi %get3A_516, %and3A_521 : vector<16xi32>
      tpu.vector_store_idx %arg11[%shift_right_logical3A_519, %and3A_522], %broadcast_in_dim3A_3 {add = true} : memref<640x16xf32, #tpu.memory_space<vmem>>[vector<16xi32>, vector<16xi32>], vector<16xf32>,
      %get3A_523 = arith.constant 1 : i32
      %get3A_524 = arith.index_cast %get3A_523 : i32 to index
      %get3A_525 = arith.constant 16 : index
      %get3A_526 = tpu.vector_load %arg8[%get3A_524, %get3A_525] {strides = array<i32>} : memref<8x128xi32, #tpu.memory_space<vmem>>, vector<16xi32>,
      %shift_right_logical3A_527 = arith.constant 4 : i32
      %shift_right_logical3A_528 = vector.broadcast %shift_right_logical3A_527 : i32 to vector<16xi32>
      %shift_right_logical3A_529 = arith.shrui %get3A_526, %shift_right_logical3A_528 : vector<16xi32>
      %and3A_530 = arith.constant 15 : i32
      %and3A_531 = vector.broadcast %and3A_530 : i32 to vector<16xi32>
      %and3A_532 = arith.andi %get3A_526, %and3A_531 : vector<16xi32>
      tpu.vector_store_idx %arg11[%shift_right_logical3A_529, %and3A_532], %broadcast_in_dim3A_3 {add = true} : memref<640x16xf32, #tpu.memory_space<vmem>>[vector<16xi32>, vector<16xi32>], vector<16xf32>,
      %get3A_533 = arith.constant 1 : i32
      %get3A_534 = arith.index_cast %get3A_533 : i32 to index
      %get3A_535 = arith.constant 32 : index
      %get3A_536 = tpu.vector_load %arg8[%get3A_534, %get3A_535] {strides = array<i32>} : memref<8x128xi32, #tpu.memory_space<vmem>>, vector<16xi32>,
      %shift_right_logical3A_537 = arith.constant 4 : i32
      %shift_right_logical3A_538 = vector.broadcast %shift_right_logical3A_537 : i32 to vector<16xi32>
      %shift_right_logical3A_539 = arith.shrui %get3A_536, %shift_right_logical3A_538 : vector<16xi32>
      %and3A_540 = arith.constant 15 : i32
      %and3A_541 = vector.broadcast %and3A_540 : i32 to vector<16xi32>
      %and3A_542 = arith.andi %get3A_536, %and3A_541 : vector<16xi32>
      tpu.vector_store_idx %arg11[%shift_right_logical3A_539, %and3A_542], %broadcast_in_dim3A_3 {add = true} : memref<640x16xf32, #tpu.memory_space<vmem>>[vector<16xi32>, vector<16xi32>], vector<16xf32>,
      %get3A_543 = arith.constant 1 : i32
      %get3A_544 = arith.index_cast %get3A_543 : i32 to index
      %get3A_545 = arith.constant 48 : index
      %get3A_546 = tpu.vector_load %arg8[%get3A_544, %get3A_545] {strides = array<i32>} : memref<8x128xi32, #tpu.memory_space<vmem>>, vector<16xi32>,
      %shift_right_logical3A_547 = arith.constant 4 : i32
      %shift_right_logical3A_548 = vector.broadcast %shift_right_logical3A_547 : i32 to vector<16xi32>
      %shift_right_logical3A_549 = arith.shrui %get3A_546, %shift_right_logical3A_548 : vector<16xi32>
      %and3A_550 = arith.constant 15 : i32
      %and3A_551 = vector.broadcast %and3A_550 : i32 to vector<16xi32>
      %and3A_552 = arith.andi %get3A_546, %and3A_551 : vector<16xi32>
      tpu.vector_store_idx %arg11[%shift_right_logical3A_549, %and3A_552], %broadcast_in_dim3A_3 {add = true} : memref<640x16xf32, #tpu.memory_space<vmem>>[vector<16xi32>, vector<16xi32>], vector<16xf32>,
      %get3A_553 = arith.constant 1 : i32
      %get3A_554 = arith.index_cast %get3A_553 : i32 to index
      %get3A_555 = arith.constant 64 : index
      %get3A_556 = tpu.vector_load %arg8[%get3A_554, %get3A_555] {strides = array<i32>} : memref<8x128xi32, #tpu.memory_space<vmem>>, vector<16xi32>,
      %shift_right_logical3A_557 = arith.constant 4 : i32
      %shift_right_logical3A_558 = vector.broadcast %shift_right_logical3A_557 : i32 to vector<16xi32>
      %shift_right_logical3A_559 = arith.shrui %get3A_556, %shift_right_logical3A_558 : vector<16xi32>
      %and3A_560 = arith.constant 15 : i32
      %and3A_561 = vector.broadcast %and3A_560 : i32 to vector<16xi32>
      %and3A_562 = arith.andi %get3A_556, %and3A_561 : vector<16xi32>
      tpu.vector_store_idx %arg11[%shift_right_logical3A_559, %and3A_562], %broadcast_in_dim3A_3 {add = true} : memref<640x16xf32, #tpu.memory_space<vmem>>[vector<16xi32>, vector<16xi32>], vector<16xf32>,
      %get3A_563 = arith.constant 1 : i32
      %get3A_564 = arith.index_cast %get3A_563 : i32 to index
      %get3A_565 = arith.constant 80 : index
      %get3A_566 = tpu.vector_load %arg8[%get3A_564, %get3A_565] {strides = array<i32>} : memref<8x128xi32, #tpu.memory_space<vmem>>, vector<16xi32>,
      %shift_right_logical3A_567 = arith.constant 4 : i32
      %shift_right_logical3A_568 = vector.broadcast %shift_right_logical3A_567 : i32 to vector<16xi32>
      %shift_right_logical3A_569 = arith.shrui %get3A_566, %shift_right_logical3A_568 : vector<16xi32>
      %and3A_570 = arith.constant 15 : i32
      %and3A_571 = vector.broadcast %and3A_570 : i32 to vector<16xi32>
      %and3A_572 = arith.andi %get3A_566, %and3A_571 : vector<16xi32>
      tpu.vector_store_idx %arg11[%shift_right_logical3A_569, %and3A_572], %broadcast_in_dim3A_3 {add = true} : memref<640x16xf32, #tpu.memory_space<vmem>>[vector<16xi32>, vector<16xi32>], vector<16xf32>,
      %get3A_573 = arith.constant 1 : i32
      %get3A_574 = arith.index_cast %get3A_573 : i32 to index
      %get3A_575 = arith.constant 96 : index
      %get3A_576 = tpu.vector_load %arg8[%get3A_574, %get3A_575] {strides = array<i32>} : memref<8x128xi32, #tpu.memory_space<vmem>>, vector<16xi32>,
      %shift_right_logical3A_577 = arith.constant 4 : i32
      %shift_right_logical3A_578 = vector.broadcast %shift_right_logical3A_577 : i32 to vector<16xi32>
      %shift_right_logical3A_579 = arith.shrui %get3A_576, %shift_right_logical3A_578 : vector<16xi32>
      %and3A_580 = arith.constant 15 : i32
      %and3A_581 = vector.broadcast %and3A_580 : i32 to vector<16xi32>
      %and3A_582 = arith.andi %get3A_576, %and3A_581 : vector<16xi32>
      tpu.vector_store_idx %arg11[%shift_right_logical3A_579, %and3A_582], %broadcast_in_dim3A_3 {add = true} : memref<640x16xf32, #tpu.memory_space<vmem>>[vector<16xi32>, vector<16xi32>], vector<16xf32>,
      %get3A_583 = arith.constant 1 : i32
      %get3A_584 = arith.index_cast %get3A_583 : i32 to index
      %get3A_585 = arith.constant 112 : index
      %get3A_586 = tpu.vector_load %arg8[%get3A_584, %get3A_585] {strides = array<i32>} : memref<8x128xi32, #tpu.memory_space<vmem>>, vector<16xi32>,
      %shift_right_logical3A_587 = arith.constant 4 : i32
      %shift_right_logical3A_588 = vector.broadcast %shift_right_logical3A_587 : i32 to vector<16xi32>
      %shift_right_logical3A_589 = arith.shrui %get3A_586, %shift_right_logical3A_588 : vector<16xi32>
      %and3A_590 = arith.constant 15 : i32
      %and3A_591 = vector.broadcast %and3A_590 : i32 to vector<16xi32>
      %and3A_592 = arith.andi %get3A_586, %and3A_591 : vector<16xi32>
      tpu.vector_store_idx %arg11[%shift_right_logical3A_589, %and3A_592], %broadcast_in_dim3A_3 {add = true} : memref<640x16xf32, #tpu.memory_space<vmem>>[vector<16xi32>, vector<16xi32>], vector<16xf32>,
      %get3A_593 = arith.constant 2 : i32
      %get3A_594 = arith.index_cast %get3A_593 : i32 to index
      %get3A_595 = arith.constant 0 : index
      %get3A_596 = tpu.vector_load %arg8[%get3A_594, %get3A_595] {strides = array<i32>} : memref<8x128xi32, #tpu.memory_space<vmem>>, vector<16xi32>,
      %shift_right_logical3A_597 = arith.constant 4 : i32
      %shift_right_logical3A_598 = vector.broadcast %shift_right_logical3A_597 : i32 to vector<16xi32>
      %shift_right_logical3A_599 = arith.shrui %get3A_596, %shift_right_logical3A_598 : vector<16xi32>
      %and3A_600 = arith.constant 15 : i32
      %and3A_601 = vector.broadcast %and3A_600 : i32 to vector<16xi32>
      %and3A_602 = arith.andi %get3A_596, %and3A_601 : vector<16xi32>
      tpu.vector_store_idx %arg11[%shift_right_logical3A_599, %and3A_602], %broadcast_in_dim3A_3 {add = true} : memref<640x16xf32, #tpu.memory_space<vmem>>[vector<16xi32>, vector<16xi32>], vector<16xf32>,
      %get3A_603 = arith.constant 2 : i32
      %get3A_604 = arith.index_cast %get3A_603 : i32 to index
      %get3A_605 = arith.constant 16 : index
      %get3A_606 = tpu.vector_load %arg8[%get3A_604, %get3A_605] {strides = array<i32>} : memref<8x128xi32, #tpu.memory_space<vmem>>, vector<16xi32>,
      %shift_right_logical3A_607 = arith.constant 4 : i32
      %shift_right_logical3A_608 = vector.broadcast %shift_right_logical3A_607 : i32 to vector<16xi32>
      %shift_right_logical3A_609 = arith.shrui %get3A_606, %shift_right_logical3A_608 : vector<16xi32>
      %and3A_610 = arith.constant 15 : i32
      %and3A_611 = vector.broadcast %and3A_610 : i32 to vector<16xi32>
      %and3A_612 = arith.andi %get3A_606, %and3A_611 : vector<16xi32>
      tpu.vector_store_idx %arg11[%shift_right_logical3A_609, %and3A_612], %broadcast_in_dim3A_3 {add = true} : memref<640x16xf32, #tpu.memory_space<vmem>>[vector<16xi32>, vector<16xi32>], vector<16xf32>,
      %get3A_613 = arith.constant 2 : i32
      %get3A_614 = arith.index_cast %get3A_613 : i32 to index
      %get3A_615 = arith.constant 32 : index
      %get3A_616 = tpu.vector_load %arg8[%get3A_614, %get3A_615] {strides = array<i32>} : memref<8x128xi32, #tpu.memory_space<vmem>>, vector<16xi32>,
      %shift_right_logical3A_617 = arith.constant 4 : i32
      %shift_right_logical3A_618 = vector.broadcast %shift_right_logical3A_617 : i32 to vector<16xi32>
      %shift_right_logical3A_619 = arith.shrui %get3A_616, %shift_right_logical3A_618 : vector<16xi32>
      %and3A_620 = arith.constant 15 : i32
      %and3A_621 = vector.broadcast %and3A_620 : i32 to vector<16xi32>
      %and3A_622 = arith.andi %get3A_616, %and3A_621 : vector<16xi32>
      tpu.vector_store_idx %arg11[%shift_right_logical3A_619, %and3A_622], %broadcast_in_dim3A_3 {add = true} : memref<640x16xf32, #tpu.memory_space<vmem>>[vector<16xi32>, vector<16xi32>], vector<16xf32>,
      %get3A_623 = arith.constant 2 : i32
      %get3A_624 = arith.index_cast %get3A_623 : i32 to index
      %get3A_625 = arith.constant 48 : index
      %get3A_626 = tpu.vector_load %arg8[%get3A_624, %get3A_625] {strides = array<i32>} : memref<8x128xi32, #tpu.memory_space<vmem>>, vector<16xi32>,
      %shift_right_logical3A_627 = arith.constant 4 : i32
      %shift_right_logical3A_628 = vector.broadcast %shift_right_logical3A_627 : i32 to vector<16xi32>
      %shift_right_logical3A_629 = arith.shrui %get3A_626, %shift_right_logical3A_628 : vector<16xi32>
      %and3A_630 = arith.constant 15 : i32
      %and3A_631 = vector.broadcast %and3A_630 : i32 to vector<16xi32>
      %and3A_632 = arith.andi %get3A_626, %and3A_631 : vector<16xi32>
      tpu.vector_store_idx %arg11[%shift_right_logical3A_629, %and3A_632], %broadcast_in_dim3A_3 {add = true} : memref<640x16xf32, #tpu.memory_space<vmem>>[vector<16xi32>, vector<16xi32>], vector<16xf32>,
      %get3A_633 = arith.constant 2 : i32
      %get3A_634 = arith.index_cast %get3A_633 : i32 to index
      %get3A_635 = arith.constant 64 : index
      %get3A_636 = tpu.vector_load %arg8[%get3A_634, %get3A_635] {strides = array<i32>} : memref<8x128xi32, #tpu.memory_space<vmem>>, vector<16xi32>,
      %shift_right_logical3A_637 = arith.constant 4 : i32
      %shift_right_logical3A_638 = vector.broadcast %shift_right_logical3A_637 : i32 to vector<16xi32>
      %shift_right_logical3A_639 = arith.shrui %get3A_636, %shift_right_logical3A_638 : vector<16xi32>
      %and3A_640 = arith.constant 15 : i32
      %and3A_641 = vector.broadcast %and3A_640 : i32 to vector<16xi32>
      %and3A_642 = arith.andi %get3A_636, %and3A_641 : vector<16xi32>
      tpu.vector_store_idx %arg11[%shift_right_logical3A_639, %and3A_642], %broadcast_in_dim3A_3 {add = true} : memref<640x16xf32, #tpu.memory_space<vmem>>[vector<16xi32>, vector<16xi32>], vector<16xf32>,
      %get3A_643 = arith.constant 2 : i32
      %get3A_644 = arith.index_cast %get3A_643 : i32 to index
      %get3A_645 = arith.constant 80 : index
      %get3A_646 = tpu.vector_load %arg8[%get3A_644, %get3A_645] {strides = array<i32>} : memref<8x128xi32, #tpu.memory_space<vmem>>, vector<16xi32>,
      %shift_right_logical3A_647 = arith.constant 4 : i32
      %shift_right_logical3A_648 = vector.broadcast %shift_right_logical3A_647 : i32 to vector<16xi32>
      %shift_right_logical3A_649 = arith.shrui %get3A_646, %shift_right_logical3A_648 : vector<16xi32>
      %and3A_650 = arith.constant 15 : i32
      %and3A_651 = vector.broadcast %and3A_650 : i32 to vector<16xi32>
      %and3A_652 = arith.andi %get3A_646, %and3A_651 : vector<16xi32>
      tpu.vector_store_idx %arg11[%shift_right_logical3A_649, %and3A_652], %broadcast_in_dim3A_3 {add = true} : memref<640x16xf32, #tpu.memory_space<vmem>>[vector<16xi32>, vector<16xi32>], vector<16xf32>,
      %get3A_653 = arith.constant 2 : i32
      %get3A_654 = arith.index_cast %get3A_653 : i32 to index
      %get3A_655 = arith.constant 96 : index
      %get3A_656 = tpu.vector_load %arg8[%get3A_654, %get3A_655] {strides = array<i32>} : memref<8x128xi32, #tpu.memory_space<vmem>>, vector<16xi32>,
      %shift_right_logical3A_657 = arith.constant 4 : i32
      %shift_right_logical3A_658 = vector.broadcast %shift_right_logical3A_657 : i32 to vector<16xi32>
      %shift_right_logical3A_659 = arith.shrui %get3A_656, %shift_right_logical3A_658 : vector<16xi32>
      %and3A_660 = arith.constant 15 : i32
      %and3A_661 = vector.broadcast %and3A_660 : i32 to vector<16xi32>
      %and3A_662 = arith.andi %get3A_656, %and3A_661 : vector<16xi32>
      tpu.vector_store_idx %arg11[%shift_right_logical3A_659, %and3A_662], %broadcast_in_dim3A_3 {add = true} : memref<640x16xf32, #tpu.memory_space<vmem>>[vector<16xi32>, vector<16xi32>], vector<16xf32>,
      %get3A_663 = arith.constant 2 : i32
      %get3A_664 = arith.index_cast %get3A_663 : i32 to index
      %get3A_665 = arith.constant 112 : index
      %get3A_666 = tpu.vector_load %arg8[%get3A_664, %get3A_665] {strides = array<i32>} : memref<8x128xi32, #tpu.memory_space<vmem>>, vector<16xi32>,
      %shift_right_logical3A_667 = arith.constant 4 : i32
      %shift_right_logical3A_668 = vector.broadcast %shift_right_logical3A_667 : i32 to vector<16xi32>
      %shift_right_logical3A_669 = arith.shrui %get3A_666, %shift_right_logical3A_668 : vector<16xi32>
      %and3A_670 = arith.constant 15 : i32
      %and3A_671 = vector.broadcast %and3A_670 : i32 to vector<16xi32>
      %and3A_672 = arith.andi %get3A_666, %and3A_671 : vector<16xi32>
      tpu.vector_store_idx %arg11[%shift_right_logical3A_669, %and3A_672], %broadcast_in_dim3A_3 {add = true} : memref<640x16xf32, #tpu.memory_space<vmem>>[vector<16xi32>, vector<16xi32>], vector<16xf32>,
      %get3A_673 = arith.constant 3 : i32
      %get3A_674 = arith.index_cast %get3A_673 : i32 to index
      %get3A_675 = arith.constant 0 : index
      %get3A_676 = tpu.vector_load %arg8[%get3A_674, %get3A_675] {strides = array<i32>} : memref<8x128xi32, #tpu.memory_space<vmem>>, vector<16xi32>,
      %shift_right_logical3A_677 = arith.constant 4 : i32
      %shift_right_logical3A_678 = vector.broadcast %shift_right_logical3A_677 : i32 to vector<16xi32>
      %shift_right_logical3A_679 = arith.shrui %get3A_676, %shift_right_logical3A_678 : vector<16xi32>
      %and3A_680 = arith.constant 15 : i32
      %and3A_681 = vector.broadcast %and3A_680 : i32 to vector<16xi32>
      %and3A_682 = arith.andi %get3A_676, %and3A_681 : vector<16xi32>
      tpu.vector_store_idx %arg11[%shift_right_logical3A_679, %and3A_682], %broadcast_in_dim3A_3 {add = true} : memref<640x16xf32, #tpu.memory_space<vmem>>[vector<16xi32>, vector<16xi32>], vector<16xf32>,
      %get3A_683 = arith.constant 3 : i32
      %get3A_684 = arith.index_cast %get3A_683 : i32 to index
      %get3A_685 = arith.constant 16 : index
      %get3A_686 = tpu.vector_load %arg8[%get3A_684, %get3A_685] {strides = array<i32>} : memref<8x128xi32, #tpu.memory_space<vmem>>, vector<16xi32>,
      %shift_right_logical3A_687 = arith.constant 4 : i32
      %shift_right_logical3A_688 = vector.broadcast %shift_right_logical3A_687 : i32 to vector<16xi32>
      %shift_right_logical3A_689 = arith.shrui %get3A_686, %shift_right_logical3A_688 : vector<16xi32>
      %and3A_690 = arith.constant 15 : i32
      %and3A_691 = vector.broadcast %and3A_690 : i32 to vector<16xi32>
      %and3A_692 = arith.andi %get3A_686, %and3A_691 : vector<16xi32>
      tpu.vector_store_idx %arg11[%shift_right_logical3A_689, %and3A_692], %broadcast_in_dim3A_3 {add = true} : memref<640x16xf32, #tpu.memory_space<vmem>>[vector<16xi32>, vector<16xi32>], vector<16xf32>,
      %get3A_693 = arith.constant 3 : i32
      %get3A_694 = arith.index_cast %get3A_693 : i32 to index
      %get3A_695 = arith.constant 32 : index
      %get3A_696 = tpu.vector_load %arg8[%get3A_694, %get3A_695] {strides = array<i32>} : memref<8x128xi32, #tpu.memory_space<vmem>>, vector<16xi32>,
      %shift_right_logical3A_697 = arith.constant 4 : i32
      %shift_right_logical3A_698 = vector.broadcast %shift_right_logical3A_697 : i32 to vector<16xi32>
      %shift_right_logical3A_699 = arith.shrui %get3A_696, %shift_right_logical3A_698 : vector<16xi32>
      %and3A_700 = arith.constant 15 : i32
      %and3A_701 = vector.broadcast %and3A_700 : i32 to vector<16xi32>
      %and3A_702 = arith.andi %get3A_696, %and3A_701 : vector<16xi32>
      tpu.vector_store_idx %arg11[%shift_right_logical3A_699, %and3A_702], %broadcast_in_dim3A_3 {add = true} : memref<640x16xf32, #tpu.memory_space<vmem>>[vector<16xi32>, vector<16xi32>], vector<16xf32>,
      %get3A_703 = arith.constant 3 : i32
      %get3A_704 = arith.index_cast %get3A_703 : i32 to index
      %get3A_705 = arith.constant 48 : index
      %get3A_706 = tpu.vector_load %arg8[%get3A_704, %get3A_705] {strides = array<i32>} : memref<8x128xi32, #tpu.memory_space<vmem>>, vector<16xi32>,
      %shift_right_logical3A_707 = arith.constant 4 : i32
      %shift_right_logical3A_708 = vector.broadcast %shift_right_logical3A_707 : i32 to vector<16xi32>
      %shift_right_logical3A_709 = arith.shrui %get3A_706, %shift_right_logical3A_708 : vector<16xi32>
      %and3A_710 = arith.constant 15 : i32
      %and3A_711 = vector.broadcast %and3A_710 : i32 to vector<16xi32>
      %and3A_712 = arith.andi %get3A_706, %and3A_711 : vector<16xi32>
      tpu.vector_store_idx %arg11[%shift_right_logical3A_709, %and3A_712], %broadcast_in_dim3A_3 {add = true} : memref<640x16xf32, #tpu.memory_space<vmem>>[vector<16xi32>, vector<16xi32>], vector<16xf32>,
      %get3A_713 = arith.constant 3 : i32
      %get3A_714 = arith.index_cast %get3A_713 : i32 to index
      %get3A_715 = arith.constant 64 : index
      %get3A_716 = tpu.vector_load %arg8[%get3A_714, %get3A_715] {strides = array<i32>} : memref<8x128xi32, #tpu.memory_space<vmem>>, vector<16xi32>,
      %shift_right_logical3A_717 = arith.constant 4 : i32
      %shift_right_logical3A_718 = vector.broadcast %shift_right_logical3A_717 : i32 to vector<16xi32>
      %shift_right_logical3A_719 = arith.shrui %get3A_716, %shift_right_logical3A_718 : vector<16xi32>
      %and3A_720 = arith.constant 15 : i32
      %and3A_721 = vector.broadcast %and3A_720 : i32 to vector<16xi32>
      %and3A_722 = arith.andi %get3A_716, %and3A_721 : vector<16xi32>
      tpu.vector_store_idx %arg11[%shift_right_logical3A_719, %and3A_722], %broadcast_in_dim3A_3 {add = true} : memref<640x16xf32, #tpu.memory_space<vmem>>[vector<16xi32>, vector<16xi32>], vector<16xf32>,
      %get3A_723 = arith.constant 3 : i32
      %get3A_724 = arith.index_cast %get3A_723 : i32 to index
      %get3A_725 = arith.constant 80 : index
      %get3A_726 = tpu.vector_load %arg8[%get3A_724, %get3A_725] {strides = array<i32>} : memref<8x128xi32, #tpu.memory_space<vmem>>, vector<16xi32>,
      %shift_right_logical3A_727 = arith.constant 4 : i32
      %shift_right_logical3A_728 = vector.broadcast %shift_right_logical3A_727 : i32 to vector<16xi32>
      %shift_right_logical3A_729 = arith.shrui %get3A_726, %shift_right_logical3A_728 : vector<16xi32>
      %and3A_730 = arith.constant 15 : i32
      %and3A_731 = vector.broadcast %and3A_730 : i32 to vector<16xi32>
      %and3A_732 = arith.andi %get3A_726, %and3A_731 : vector<16xi32>
      tpu.vector_store_idx %arg11[%shift_right_logical3A_729, %and3A_732], %broadcast_in_dim3A_3 {add = true} : memref<640x16xf32, #tpu.memory_space<vmem>>[vector<16xi32>, vector<16xi32>], vector<16xf32>,
      %get3A_733 = arith.constant 3 : i32
      %get3A_734 = arith.index_cast %get3A_733 : i32 to index
      %get3A_735 = arith.constant 96 : index
      %get3A_736 = tpu.vector_load %arg8[%get3A_734, %get3A_735] {strides = array<i32>} : memref<8x128xi32, #tpu.memory_space<vmem>>, vector<16xi32>,
      %shift_right_logical3A_737 = arith.constant 4 : i32
      %shift_right_logical3A_738 = vector.broadcast %shift_right_logical3A_737 : i32 to vector<16xi32>
      %shift_right_logical3A_739 = arith.shrui %get3A_736, %shift_right_logical3A_738 : vector<16xi32>
      %and3A_740 = arith.constant 15 : i32
      %and3A_741 = vector.broadcast %and3A_740 : i32 to vector<16xi32>
      %and3A_742 = arith.andi %get3A_736, %and3A_741 : vector<16xi32>
      tpu.vector_store_idx %arg11[%shift_right_logical3A_739, %and3A_742], %broadcast_in_dim3A_3 {add = true} : memref<640x16xf32, #tpu.memory_space<vmem>>[vector<16xi32>, vector<16xi32>], vector<16xf32>,
      %get3A_743 = arith.constant 3 : i32
      %get3A_744 = arith.index_cast %get3A_743 : i32 to index
      %get3A_745 = arith.constant 112 : index
      %get3A_746 = tpu.vector_load %arg8[%get3A_744, %get3A_745] {strides = array<i32>} : memref<8x128xi32, #tpu.memory_space<vmem>>, vector<16xi32>,
      %shift_right_logical3A_747 = arith.constant 4 : i32
      %shift_right_logical3A_748 = vector.broadcast %shift_right_logical3A_747 : i32 to vector<16xi32>
      %shift_right_logical3A_749 = arith.shrui %get3A_746, %shift_right_logical3A_748 : vector<16xi32>
      %and3A_750 = arith.constant 15 : i32
      %and3A_751 = vector.broadcast %and3A_750 : i32 to vector<16xi32>
      %and3A_752 = arith.andi %get3A_746, %and3A_751 : vector<16xi32>
      tpu.vector_store_idx %arg11[%shift_right_logical3A_749, %and3A_752], %broadcast_in_dim3A_3 {add = true} : memref<640x16xf32, #tpu.memory_space<vmem>>[vector<16xi32>, vector<16xi32>], vector<16xf32>,
      %get3A_753 = arith.constant 4 : i32
      %get3A_754 = arith.index_cast %get3A_753 : i32 to index
      %get3A_755 = arith.constant 0 : index
      %get3A_756 = tpu.vector_load %arg8[%get3A_754, %get3A_755] {strides = array<i32>} : memref<8x128xi32, #tpu.memory_space<vmem>>, vector<16xi32>,
      %shift_right_logical3A_757 = arith.constant 4 : i32
      %shift_right_logical3A_758 = vector.broadcast %shift_right_logical3A_757 : i32 to vector<16xi32>
      %shift_right_logical3A_759 = arith.shrui %get3A_756, %shift_right_logical3A_758 : vector<16xi32>
      %and3A_760 = arith.constant 15 : i32
      %and3A_761 = vector.broadcast %and3A_760 : i32 to vector<16xi32>
      %and3A_762 = arith.andi %get3A_756, %and3A_761 : vector<16xi32>
      tpu.vector_store_idx %arg11[%shift_right_logical3A_759, %and3A_762], %broadcast_in_dim3A_3 {add = true} : memref<640x16xf32, #tpu.memory_space<vmem>>[vector<16xi32>, vector<16xi32>], vector<16xf32>,
      %get3A_763 = arith.constant 4 : i32
      %get3A_764 = arith.index_cast %get3A_763 : i32 to index
      %get3A_765 = arith.constant 16 : index
      %get3A_766 = tpu.vector_load %arg8[%get3A_764, %get3A_765] {strides = array<i32>} : memref<8x128xi32, #tpu.memory_space<vmem>>, vector<16xi32>,
      %shift_right_logical3A_767 = arith.constant 4 : i32
      %shift_right_logical3A_768 = vector.broadcast %shift_right_logical3A_767 : i32 to vector<16xi32>
      %shift_right_logical3A_769 = arith.shrui %get3A_766, %shift_right_logical3A_768 : vector<16xi32>
      %and3A_770 = arith.constant 15 : i32
      %and3A_771 = vector.broadcast %and3A_770 : i32 to vector<16xi32>
      %and3A_772 = arith.andi %get3A_766, %and3A_771 : vector<16xi32>
      tpu.vector_store_idx %arg11[%shift_right_logical3A_769, %and3A_772], %broadcast_in_dim3A_3 {add = true} : memref<640x16xf32, #tpu.memory_space<vmem>>[vector<16xi32>, vector<16xi32>], vector<16xf32>,
      %get3A_773 = arith.constant 4 : i32
      %get3A_774 = arith.index_cast %get3A_773 : i32 to index
      %get3A_775 = arith.constant 32 : index
      %get3A_776 = tpu.vector_load %arg8[%get3A_774, %get3A_775] {strides = array<i32>} : memref<8x128xi32, #tpu.memory_space<vmem>>, vector<16xi32>,
      %shift_right_logical3A_777 = arith.constant 4 : i32
      %shift_right_logical3A_778 = vector.broadcast %shift_right_logical3A_777 : i32 to vector<16xi32>
      %shift_right_logical3A_779 = arith.shrui %get3A_776, %shift_right_logical3A_778 : vector<16xi32>
      %and3A_780 = arith.constant 15 : i32
      %and3A_781 = vector.broadcast %and3A_780 : i32 to vector<16xi32>
      %and3A_782 = arith.andi %get3A_776, %and3A_781 : vector<16xi32>
      tpu.vector_store_idx %arg11[%shift_right_logical3A_779, %and3A_782], %broadcast_in_dim3A_3 {add = true} : memref<640x16xf32, #tpu.memory_space<vmem>>[vector<16xi32>, vector<16xi32>], vector<16xf32>,
      %get3A_783 = arith.constant 4 : i32
      %get3A_784 = arith.index_cast %get3A_783 : i32 to index
      %get3A_785 = arith.constant 48 : index
      %get3A_786 = tpu.vector_load %arg8[%get3A_784, %get3A_785] {strides = array<i32>} : memref<8x128xi32, #tpu.memory_space<vmem>>, vector<16xi32>,
      %shift_right_logical3A_787 = arith.constant 4 : i32
      %shift_right_logical3A_788 = vector.broadcast %shift_right_logical3A_787 : i32 to vector<16xi32>
      %shift_right_logical3A_789 = arith.shrui %get3A_786, %shift_right_logical3A_788 : vector<16xi32>
      %and3A_790 = arith.constant 15 : i32
      %and3A_791 = vector.broadcast %and3A_790 : i32 to vector<16xi32>
      %and3A_792 = arith.andi %get3A_786, %and3A_791 : vector<16xi32>
      tpu.vector_store_idx %arg11[%shift_right_logical3A_789, %and3A_792], %broadcast_in_dim3A_3 {add = true} : memref<640x16xf32, #tpu.memory_space<vmem>>[vector<16xi32>, vector<16xi32>], vector<16xf32>,
      %get3A_793 = arith.constant 4 : i32
      %get3A_794 = arith.index_cast %get3A_793 : i32 to index
      %get3A_795 = arith.constant 64 : index
      %get3A_796 = tpu.vector_load %arg8[%get3A_794, %get3A_795] {strides = array<i32>} : memref<8x128xi32, #tpu.memory_space<vmem>>, vector<16xi32>,
      %shift_right_logical3A_797 = arith.constant 4 : i32
      %shift_right_logical3A_798 = vector.broadcast %shift_right_logical3A_797 : i32 to vector<16xi32>
      %shift_right_logical3A_799 = arith.shrui %get3A_796, %shift_right_logical3A_798 : vector<16xi32>
      %and3A_800 = arith.constant 15 : i32
      %and3A_801 = vector.broadcast %and3A_800 : i32 to vector<16xi32>
      %and3A_802 = arith.andi %get3A_796, %and3A_801 : vector<16xi32>
      tpu.vector_store_idx %arg11[%shift_right_logical3A_799, %and3A_802], %broadcast_in_dim3A_3 {add = true} : memref<640x16xf32, #tpu.memory_space<vmem>>[vector<16xi32>, vector<16xi32>], vector<16xf32>,
      %get3A_803 = arith.constant 4 : i32
      %get3A_804 = arith.index_cast %get3A_803 : i32 to index
      %get3A_805 = arith.constant 80 : index
      %get3A_806 = tpu.vector_load %arg8[%get3A_804, %get3A_805] {strides = array<i32>} : memref<8x128xi32, #tpu.memory_space<vmem>>, vector<16xi32>,
      %shift_right_logical3A_807 = arith.constant 4 : i32
      %shift_right_logical3A_808 = vector.broadcast %shift_right_logical3A_807 : i32 to vector<16xi32>
      %shift_right_logical3A_809 = arith.shrui %get3A_806, %shift_right_logical3A_808 : vector<16xi32>
      %and3A_810 = arith.constant 15 : i32
      %and3A_811 = vector.broadcast %and3A_810 : i32 to vector<16xi32>
      %and3A_812 = arith.andi %get3A_806, %and3A_811 : vector<16xi32>
      tpu.vector_store_idx %arg11[%shift_right_logical3A_809, %and3A_812], %broadcast_in_dim3A_3 {add = true} : memref<640x16xf32, #tpu.memory_space<vmem>>[vector<16xi32>, vector<16xi32>], vector<16xf32>,
      %get3A_813 = arith.constant 4 : i32
      %get3A_814 = arith.index_cast %get3A_813 : i32 to index
      %get3A_815 = arith.constant 96 : index
      %get3A_816 = tpu.vector_load %arg8[%get3A_814, %get3A_815] {strides = array<i32>} : memref<8x128xi32, #tpu.memory_space<vmem>>, vector<16xi32>,
      %shift_right_logical3A_817 = arith.constant 4 : i32
      %shift_right_logical3A_818 = vector.broadcast %shift_right_logical3A_817 : i32 to vector<16xi32>
      %shift_right_logical3A_819 = arith.shrui %get3A_816, %shift_right_logical3A_818 : vector<16xi32>
      %and3A_820 = arith.constant 15 : i32
      %and3A_821 = vector.broadcast %and3A_820 : i32 to vector<16xi32>
      %and3A_822 = arith.andi %get3A_816, %and3A_821 : vector<16xi32>
      tpu.vector_store_idx %arg11[%shift_right_logical3A_819, %and3A_822], %broadcast_in_dim3A_3 {add = true} : memref<640x16xf32, #tpu.memory_space<vmem>>[vector<16xi32>, vector<16xi32>], vector<16xf32>,
      %get3A_823 = arith.constant 4 : i32
      %get3A_824 = arith.index_cast %get3A_823 : i32 to index
      %get3A_825 = arith.constant 112 : index
      %get3A_826 = tpu.vector_load %arg8[%get3A_824, %get3A_825] {strides = array<i32>} : memref<8x128xi32, #tpu.memory_space<vmem>>, vector<16xi32>,
      %shift_right_logical3A_827 = arith.constant 4 : i32
      %shift_right_logical3A_828 = vector.broadcast %shift_right_logical3A_827 : i32 to vector<16xi32>
      %shift_right_logical3A_829 = arith.shrui %get3A_826, %shift_right_logical3A_828 : vector<16xi32>
      %and3A_830 = arith.constant 15 : i32
      %and3A_831 = vector.broadcast %and3A_830 : i32 to vector<16xi32>
      %and3A_832 = arith.andi %get3A_826, %and3A_831 : vector<16xi32>
      tpu.vector_store_idx %arg11[%shift_right_logical3A_829, %and3A_832], %broadcast_in_dim3A_3 {add = true} : memref<640x16xf32, #tpu.memory_space<vmem>>[vector<16xi32>, vector<16xi32>], vector<16xf32>,
      %get3A_833 = arith.constant 5 : i32
      %get3A_834 = arith.index_cast %get3A_833 : i32 to index
      %get3A_835 = arith.constant 0 : index
      %get3A_836 = tpu.vector_load %arg8[%get3A_834, %get3A_835] {strides = array<i32>} : memref<8x128xi32, #tpu.memory_space<vmem>>, vector<16xi32>,
      %shift_right_logical3A_837 = arith.constant 4 : i32
      %shift_right_logical3A_838 = vector.broadcast %shift_right_logical3A_837 : i32 to vector<16xi32>
      %shift_right_logical3A_839 = arith.shrui %get3A_836, %shift_right_logical3A_838 : vector<16xi32>
      %and3A_840 = arith.constant 15 : i32
      %and3A_841 = vector.broadcast %and3A_840 : i32 to vector<16xi32>
      %and3A_842 = arith.andi %get3A_836, %and3A_841 : vector<16xi32>
      tpu.vector_store_idx %arg11[%shift_right_logical3A_839, %and3A_842], %broadcast_in_dim3A_3 {add = true} : memref<640x16xf32, #tpu.memory_space<vmem>>[vector<16xi32>, vector<16xi32>], vector<16xf32>,
      %get3A_843 = arith.constant 5 : i32
      %get3A_844 = arith.index_cast %get3A_843 : i32 to index
      %get3A_845 = arith.constant 16 : index
      %get3A_846 = tpu.vector_load %arg8[%get3A_844, %get3A_845] {strides = array<i32>} : memref<8x128xi32, #tpu.memory_space<vmem>>, vector<16xi32>,
      %shift_right_logical3A_847 = arith.constant 4 : i32
      %shift_right_logical3A_848 = vector.broadcast %shift_right_logical3A_847 : i32 to vector<16xi32>
      %shift_right_logical3A_849 = arith.shrui %get3A_846, %shift_right_logical3A_848 : vector<16xi32>
      %and3A_850 = arith.constant 15 : i32
      %and3A_851 = vector.broadcast %and3A_850 : i32 to vector<16xi32>
      %and3A_852 = arith.andi %get3A_846, %and3A_851 : vector<16xi32>
      tpu.vector_store_idx %arg11[%shift_right_logical3A_849, %and3A_852], %broadcast_in_dim3A_3 {add = true} : memref<640x16xf32, #tpu.memory_space<vmem>>[vector<16xi32>, vector<16xi32>], vector<16xf32>,
      %get3A_853 = arith.constant 5 : i32
      %get3A_854 = arith.index_cast %get3A_853 : i32 to index
      %get3A_855 = arith.constant 32 : index
      %get3A_856 = tpu.vector_load %arg8[%get3A_854, %get3A_855] {strides = array<i32>} : memref<8x128xi32, #tpu.memory_space<vmem>>, vector<16xi32>,
      %shift_right_logical3A_857 = arith.constant 4 : i32
      %shift_right_logical3A_858 = vector.broadcast %shift_right_logical3A_857 : i32 to vector<16xi32>
      %shift_right_logical3A_859 = arith.shrui %get3A_856, %shift_right_logical3A_858 : vector<16xi32>
      %and3A_860 = arith.constant 15 : i32
      %and3A_861 = vector.broadcast %and3A_860 : i32 to vector<16xi32>
      %and3A_862 = arith.andi %get3A_856, %and3A_861 : vector<16xi32>
      tpu.vector_store_idx %arg11[%shift_right_logical3A_859, %and3A_862], %broadcast_in_dim3A_3 {add = true} : memref<640x16xf32, #tpu.memory_space<vmem>>[vector<16xi32>, vector<16xi32>], vector<16xf32>,
      %get3A_863 = arith.constant 5 : i32
      %get3A_864 = arith.index_cast %get3A_863 : i32 to index
      %get3A_865 = arith.constant 48 : index
      %get3A_866 = tpu.vector_load %arg8[%get3A_864, %get3A_865] {strides = array<i32>} : memref<8x128xi32, #tpu.memory_space<vmem>>, vector<16xi32>,
      %shift_right_logical3A_867 = arith.constant 4 : i32
      %shift_right_logical3A_868 = vector.broadcast %shift_right_logical3A_867 : i32 to vector<16xi32>
      %shift_right_logical3A_869 = arith.shrui %get3A_866, %shift_right_logical3A_868 : vector<16xi32>
      %and3A_870 = arith.constant 15 : i32
      %and3A_871 = vector.broadcast %and3A_870 : i32 to vector<16xi32>
      %and3A_872 = arith.andi %get3A_866, %and3A_871 : vector<16xi32>
      tpu.vector_store_idx %arg11[%shift_right_logical3A_869, %and3A_872], %broadcast_in_dim3A_3 {add = true} : memref<640x16xf32, #tpu.memory_space<vmem>>[vector<16xi32>, vector<16xi32>], vector<16xf32>,
      %get3A_873 = arith.constant 5 : i32
      %get3A_874 = arith.index_cast %get3A_873 : i32 to index
      %get3A_875 = arith.constant 64 : index
      %get3A_876 = tpu.vector_load %arg8[%get3A_874, %get3A_875] {strides = array<i32>} : memref<8x128xi32, #tpu.memory_space<vmem>>, vector<16xi32>,
      %shift_right_logical3A_877 = arith.constant 4 : i32
      %shift_right_logical3A_878 = vector.broadcast %shift_right_logical3A_877 : i32 to vector<16xi32>
      %shift_right_logical3A_879 = arith.shrui %get3A_876, %shift_right_logical3A_878 : vector<16xi32>
      %and3A_880 = arith.constant 15 : i32
      %and3A_881 = vector.broadcast %and3A_880 : i32 to vector<16xi32>
      %and3A_882 = arith.andi %get3A_876, %and3A_881 : vector<16xi32>
      tpu.vector_store_idx %arg11[%shift_right_logical3A_879, %and3A_882], %broadcast_in_dim3A_3 {add = true} : memref<640x16xf32, #tpu.memory_space<vmem>>[vector<16xi32>, vector<16xi32>], vector<16xf32>,
      %get3A_883 = arith.constant 5 : i32
      %get3A_884 = arith.index_cast %get3A_883 : i32 to index
      %get3A_885 = arith.constant 80 : index
      %get3A_886 = tpu.vector_load %arg8[%get3A_884, %get3A_885] {strides = array<i32>} : memref<8x128xi32, #tpu.memory_space<vmem>>, vector<16xi32>,
      %shift_right_logical3A_887 = arith.constant 4 : i32
      %shift_right_logical3A_888 = vector.broadcast %shift_right_logical3A_887 : i32 to vector<16xi32>
      %shift_right_logical3A_889 = arith.shrui %get3A_886, %shift_right_logical3A_888 : vector<16xi32>
      %and3A_890 = arith.constant 15 : i32
      %and3A_891 = vector.broadcast %and3A_890 : i32 to vector<16xi32>
      %and3A_892 = arith.andi %get3A_886, %and3A_891 : vector<16xi32>
      tpu.vector_store_idx %arg11[%shift_right_logical3A_889, %and3A_892], %broadcast_in_dim3A_3 {add = true} : memref<640x16xf32, #tpu.memory_space<vmem>>[vector<16xi32>, vector<16xi32>], vector<16xf32>,
      %get3A_893 = arith.constant 5 : i32
      %get3A_894 = arith.index_cast %get3A_893 : i32 to index
      %get3A_895 = arith.constant 96 : index
      %get3A_896 = tpu.vector_load %arg8[%get3A_894, %get3A_895] {strides = array<i32>} : memref<8x128xi32, #tpu.memory_space<vmem>>, vector<16xi32>,
      %shift_right_logical3A_897 = arith.constant 4 : i32
      %shift_right_logical3A_898 = vector.broadcast %shift_right_logical3A_897 : i32 to vector<16xi32>
      %shift_right_logical3A_899 = arith.shrui %get3A_896, %shift_right_logical3A_898 : vector<16xi32>
      %and3A_900 = arith.constant 15 : i32
      %and3A_901 = vector.broadcast %and3A_900 : i32 to vector<16xi32>
      %and3A_902 = arith.andi %get3A_896, %and3A_901 : vector<16xi32>
      tpu.vector_store_idx %arg11[%shift_right_logical3A_899, %and3A_902], %broadcast_in_dim3A_3 {add = true} : memref<640x16xf32, #tpu.memory_space<vmem>>[vector<16xi32>, vector<16xi32>], vector<16xf32>,
      %get3A_903 = arith.constant 5 : i32
      %get3A_904 = arith.index_cast %get3A_903 : i32 to index
      %get3A_905 = arith.constant 112 : index
      %get3A_906 = tpu.vector_load %arg8[%get3A_904, %get3A_905] {strides = array<i32>} : memref<8x128xi32, #tpu.memory_space<vmem>>, vector<16xi32>,
      %shift_right_logical3A_907 = arith.constant 4 : i32
      %shift_right_logical3A_908 = vector.broadcast %shift_right_logical3A_907 : i32 to vector<16xi32>
      %shift_right_logical3A_909 = arith.shrui %get3A_906, %shift_right_logical3A_908 : vector<16xi32>
      %and3A_910 = arith.constant 15 : i32
      %and3A_911 = vector.broadcast %and3A_910 : i32 to vector<16xi32>
      %and3A_912 = arith.andi %get3A_906, %and3A_911 : vector<16xi32>
      tpu.vector_store_idx %arg11[%shift_right_logical3A_909, %and3A_912], %broadcast_in_dim3A_3 {add = true} : memref<640x16xf32, #tpu.memory_space<vmem>>[vector<16xi32>, vector<16xi32>], vector<16xf32>,
      %get3A_913 = arith.constant 6 : i32
      %get3A_914 = arith.index_cast %get3A_913 : i32 to index
      %get3A_915 = arith.constant 0 : index
      %get3A_916 = tpu.vector_load %arg8[%get3A_914, %get3A_915] {strides = array<i32>} : memref<8x128xi32, #tpu.memory_space<vmem>>, vector<16xi32>,
      %shift_right_logical3A_917 = arith.constant 4 : i32
      %shift_right_logical3A_918 = vector.broadcast %shift_right_logical3A_917 : i32 to vector<16xi32>
      %shift_right_logical3A_919 = arith.shrui %get3A_916, %shift_right_logical3A_918 : vector<16xi32>
      %and3A_920 = arith.constant 15 : i32
      %and3A_921 = vector.broadcast %and3A_920 : i32 to vector<16xi32>
      %and3A_922 = arith.andi %get3A_916, %and3A_921 : vector<16xi32>
      tpu.vector_store_idx %arg11[%shift_right_logical3A_919, %and3A_922], %broadcast_in_dim3A_3 {add = true} : memref<640x16xf32, #tpu.memory_space<vmem>>[vector<16xi32>, vector<16xi32>], vector<16xf32>,
      %get3A_923 = arith.constant 6 : i32
      %get3A_924 = arith.index_cast %get3A_923 : i32 to index
      %get3A_925 = arith.constant 16 : index
      %get3A_926 = tpu.vector_load %arg8[%get3A_924, %get3A_925] {strides = array<i32>} : memref<8x128xi32, #tpu.memory_space<vmem>>, vector<16xi32>,
      %shift_right_logical3A_927 = arith.constant 4 : i32
      %shift_right_logical3A_928 = vector.broadcast %shift_right_logical3A_927 : i32 to vector<16xi32>
      %shift_right_logical3A_929 = arith.shrui %get3A_926, %shift_right_logical3A_928 : vector<16xi32>
      %and3A_930 = arith.constant 15 : i32
      %and3A_931 = vector.broadcast %and3A_930 : i32 to vector<16xi32>
      %and3A_932 = arith.andi %get3A_926, %and3A_931 : vector<16xi32>
      tpu.vector_store_idx %arg11[%shift_right_logical3A_929, %and3A_932], %broadcast_in_dim3A_3 {add = true} : memref<640x16xf32, #tpu.memory_space<vmem>>[vector<16xi32>, vector<16xi32>], vector<16xf32>,
      %get3A_933 = arith.constant 6 : i32
      %get3A_934 = arith.index_cast %get3A_933 : i32 to index
      %get3A_935 = arith.constant 32 : index
      %get3A_936 = tpu.vector_load %arg8[%get3A_934, %get3A_935] {strides = array<i32>} : memref<8x128xi32, #tpu.memory_space<vmem>>, vector<16xi32>,
      %shift_right_logical3A_937 = arith.constant 4 : i32
      %shift_right_logical3A_938 = vector.broadcast %shift_right_logical3A_937 : i32 to vector<16xi32>
      %shift_right_logical3A_939 = arith.shrui %get3A_936, %shift_right_logical3A_938 : vector<16xi32>
      %and3A_940 = arith.constant 15 : i32
      %and3A_941 = vector.broadcast %and3A_940 : i32 to vector<16xi32>
      %and3A_942 = arith.andi %get3A_936, %and3A_941 : vector<16xi32>
      tpu.vector_store_idx %arg11[%shift_right_logical3A_939, %and3A_942], %broadcast_in_dim3A_3 {add = true} : memref<640x16xf32, #tpu.memory_space<vmem>>[vector<16xi32>, vector<16xi32>], vector<16xf32>,
      %get3A_943 = arith.constant 6 : i32
      %get3A_944 = arith.index_cast %get3A_943 : i32 to index
      %get3A_945 = arith.constant 48 : index
      %get3A_946 = tpu.vector_load %arg8[%get3A_944, %get3A_945] {strides = array<i32>} : memref<8x128xi32, #tpu.memory_space<vmem>>, vector<16xi32>,
      %shift_right_logical3A_947 = arith.constant 4 : i32
      %shift_right_logical3A_948 = vector.broadcast %shift_right_logical3A_947 : i32 to vector<16xi32>
      %shift_right_logical3A_949 = arith.shrui %get3A_946, %shift_right_logical3A_948 : vector<16xi32>
      %and3A_950 = arith.constant 15 : i32
      %and3A_951 = vector.broadcast %and3A_950 : i32 to vector<16xi32>
      %and3A_952 = arith.andi %get3A_946, %and3A_951 : vector<16xi32>
      tpu.vector_store_idx %arg11[%shift_right_logical3A_949, %and3A_952], %broadcast_in_dim3A_3 {add = true} : memref<640x16xf32, #tpu.memory_space<vmem>>[vector<16xi32>, vector<16xi32>], vector<16xf32>,
      %get3A_953 = arith.constant 6 : i32
      %get3A_954 = arith.index_cast %get3A_953 : i32 to index
      %get3A_955 = arith.constant 64 : index
      %get3A_956 = tpu.vector_load %arg8[%get3A_954, %get3A_955] {strides = array<i32>} : memref<8x128xi32, #tpu.memory_space<vmem>>, vector<16xi32>,
      %shift_right_logical3A_957 = arith.constant 4 : i32
      %shift_right_logical3A_958 = vector.broadcast %shift_right_logical3A_957 : i32 to vector<16xi32>
      %shift_right_logical3A_959 = arith.shrui %get3A_956, %shift_right_logical3A_958 : vector<16xi32>
      %and3A_960 = arith.constant 15 : i32
      %and3A_961 = vector.broadcast %and3A_960 : i32 to vector<16xi32>
      %and3A_962 = arith.andi %get3A_956, %and3A_961 : vector<16xi32>
      tpu.vector_store_idx %arg11[%shift_right_logical3A_959, %and3A_962], %broadcast_in_dim3A_3 {add = true} : memref<640x16xf32, #tpu.memory_space<vmem>>[vector<16xi32>, vector<16xi32>], vector<16xf32>,
      %get3A_963 = arith.constant 6 : i32
      %get3A_964 = arith.index_cast %get3A_963 : i32 to index
      %get3A_965 = arith.constant 80 : index
      %get3A_966 = tpu.vector_load %arg8[%get3A_964, %get3A_965] {strides = array<i32>} : memref<8x128xi32, #tpu.memory_space<vmem>>, vector<16xi32>,
      %shift_right_logical3A_967 = arith.constant 4 : i32
      %shift_right_logical3A_968 = vector.broadcast %shift_right_logical3A_967 : i32 to vector<16xi32>
      %shift_right_logical3A_969 = arith.shrui %get3A_966, %shift_right_logical3A_968 : vector<16xi32>
      %and3A_970 = arith.constant 15 : i32
      %and3A_971 = vector.broadcast %and3A_970 : i32 to vector<16xi32>
      %and3A_972 = arith.andi %get3A_966, %and3A_971 : vector<16xi32>
      tpu.vector_store_idx %arg11[%shift_right_logical3A_969, %and3A_972], %broadcast_in_dim3A_3 {add = true} : memref<640x16xf32, #tpu.memory_space<vmem>>[vector<16xi32>, vector<16xi32>], vector<16xf32>,
      %get3A_973 = arith.constant 6 : i32
      %get3A_974 = arith.index_cast %get3A_973 : i32 to index
      %get3A_975 = arith.constant 96 : index
      %get3A_976 = tpu.vector_load %arg8[%get3A_974, %get3A_975] {strides = array<i32>} : memref<8x128xi32, #tpu.memory_space<vmem>>, vector<16xi32>,
      %shift_right_logical3A_977 = arith.constant 4 : i32
      %shift_right_logical3A_978 = vector.broadcast %shift_right_logical3A_977 : i32 to vector<16xi32>
      %shift_right_logical3A_979 = arith.shrui %get3A_976, %shift_right_logical3A_978 : vector<16xi32>
      %and3A_980 = arith.constant 15 : i32
      %and3A_981 = vector.broadcast %and3A_980 : i32 to vector<16xi32>
      %and3A_982 = arith.andi %get3A_976, %and3A_981 : vector<16xi32>
      tpu.vector_store_idx %arg11[%shift_right_logical3A_979, %and3A_982], %broadcast_in_dim3A_3 {add = true} : memref<640x16xf32, #tpu.memory_space<vmem>>[vector<16xi32>, vector<16xi32>], vector<16xf32>,
      %get3A_983 = arith.constant 6 : i32
      %get3A_984 = arith.index_cast %get3A_983 : i32 to index
      %get3A_985 = arith.constant 112 : index
      %get3A_986 = tpu.vector_load %arg8[%get3A_984, %get3A_985] {strides = array<i32>} : memref<8x128xi32, #tpu.memory_space<vmem>>, vector<16xi32>,
      %shift_right_logical3A_987 = arith.constant 4 : i32
      %shift_right_logical3A_988 = vector.broadcast %shift_right_logical3A_987 : i32 to vector<16xi32>
      %shift_right_logical3A_989 = arith.shrui %get3A_986, %shift_right_logical3A_988 : vector<16xi32>
      %and3A_990 = arith.constant 15 : i32
      %and3A_991 = vector.broadcast %and3A_990 : i32 to vector<16xi32>
      %and3A_992 = arith.andi %get3A_986, %and3A_991 : vector<16xi32>
      tpu.vector_store_idx %arg11[%shift_right_logical3A_989, %and3A_992], %broadcast_in_dim3A_3 {add = true} : memref<640x16xf32, #tpu.memory_space<vmem>>[vector<16xi32>, vector<16xi32>], vector<16xf32>,
      %get3A_993 = arith.constant 7 : i32
      %get3A_994 = arith.index_cast %get3A_993 : i32 to index
      %get3A_995 = arith.constant 0 : index
      %get3A_996 = tpu.vector_load %arg8[%get3A_994, %get3A_995] {strides = array<i32>} : memref<8x128xi32, #tpu.memory_space<vmem>>, vector<16xi32>,
      %shift_right_logical3A_997 = arith.constant 4 : i32
      %shift_right_logical3A_998 = vector.broadcast %shift_right_logical3A_997 : i32 to vector<16xi32>
      %shift_right_logical3A_999 = arith.shrui %get3A_996, %shift_right_logical3A_998 : vector<16xi32>
      %and3A_1000 = arith.constant 15 : i32
      %and3A_1001 = vector.broadcast %and3A_1000 : i32 to vector<16xi32>
      %and3A_1002 = arith.andi %get3A_996, %and3A_1001 : vector<16xi32>
      tpu.vector_store_idx %arg11[%shift_right_logical3A_999, %and3A_1002], %broadcast_in_dim3A_3 {add = true} : memref<640x16xf32, #tpu.memory_space<vmem>>[vector<16xi32>, vector<16xi32>], vector<16xf32>,
      %get3A_1003 = arith.constant 7 : i32
      %get3A_1004 = arith.index_cast %get3A_1003 : i32 to index
      %get3A_1005 = arith.constant 16 : index
      %get3A_1006 = tpu.vector_load %arg8[%get3A_1004, %get3A_1005] {strides = array<i32>} : memref<8x128xi32, #tpu.memory_space<vmem>>, vector<16xi32>,
      %shift_right_logical3A_1007 = arith.constant 4 : i32
      %shift_right_logical3A_1008 = vector.broadcast %shift_right_logical3A_1007 : i32 to vector<16xi32>
      %shift_right_logical3A_1009 = arith.shrui %get3A_1006, %shift_right_logical3A_1008 : vector<16xi32>
      %and3A_1010 = arith.constant 15 : i32
      %and3A_1011 = vector.broadcast %and3A_1010 : i32 to vector<16xi32>
      %and3A_1012 = arith.andi %get3A_1006, %and3A_1011 : vector<16xi32>
      tpu.vector_store_idx %arg11[%shift_right_logical3A_1009, %and3A_1012], %broadcast_in_dim3A_3 {add = true} : memref<640x16xf32, #tpu.memory_space<vmem>>[vector<16xi32>, vector<16xi32>], vector<16xf32>,
      %get3A_1013 = arith.constant 7 : i32
      %get3A_1014 = arith.index_cast %get3A_1013 : i32 to index
      %get3A_1015 = arith.constant 32 : index
      %get3A_1016 = tpu.vector_load %arg8[%get3A_1014, %get3A_1015] {strides = array<i32>} : memref<8x128xi32, #tpu.memory_space<vmem>>, vector<16xi32>,
      %shift_right_logical3A_1017 = arith.constant 4 : i32
      %shift_right_logical3A_1018 = vector.broadcast %shift_right_logical3A_1017 : i32 to vector<16xi32>
      %shift_right_logical3A_1019 = arith.shrui %get3A_1016, %shift_right_logical3A_1018 : vector<16xi32>
      %and3A_1020 = arith.constant 15 : i32
      %and3A_1021 = vector.broadcast %and3A_1020 : i32 to vector<16xi32>
      %and3A_1022 = arith.andi %get3A_1016, %and3A_1021 : vector<16xi32>
      tpu.vector_store_idx %arg11[%shift_right_logical3A_1019, %and3A_1022], %broadcast_in_dim3A_3 {add = true} : memref<640x16xf32, #tpu.memory_space<vmem>>[vector<16xi32>, vector<16xi32>], vector<16xf32>,
      %get3A_1023 = arith.constant 7 : i32
      %get3A_1024 = arith.index_cast %get3A_1023 : i32 to index
      %get3A_1025 = arith.constant 48 : index
      %get3A_1026 = tpu.vector_load %arg8[%get3A_1024, %get3A_1025] {strides = array<i32>} : memref<8x128xi32, #tpu.memory_space<vmem>>, vector<16xi32>,
      %shift_right_logical3A_1027 = arith.constant 4 : i32
      %shift_right_logical3A_1028 = vector.broadcast %shift_right_logical3A_1027 : i32 to vector<16xi32>
      %shift_right_logical3A_1029 = arith.shrui %get3A_1026, %shift_right_logical3A_1028 : vector<16xi32>
      %and3A_1030 = arith.constant 15 : i32
      %and3A_1031 = vector.broadcast %and3A_1030 : i32 to vector<16xi32>
      %and3A_1032 = arith.andi %get3A_1026, %and3A_1031 : vector<16xi32>
      tpu.vector_store_idx %arg11[%shift_right_logical3A_1029, %and3A_1032], %broadcast_in_dim3A_3 {add = true} : memref<640x16xf32, #tpu.memory_space<vmem>>[vector<16xi32>, vector<16xi32>], vector<16xf32>,
      %get3A_1033 = arith.constant 7 : i32
      %get3A_1034 = arith.index_cast %get3A_1033 : i32 to index
      %get3A_1035 = arith.constant 64 : index
      %get3A_1036 = tpu.vector_load %arg8[%get3A_1034, %get3A_1035] {strides = array<i32>} : memref<8x128xi32, #tpu.memory_space<vmem>>, vector<16xi32>,
      %shift_right_logical3A_1037 = arith.constant 4 : i32
      %shift_right_logical3A_1038 = vector.broadcast %shift_right_logical3A_1037 : i32 to vector<16xi32>
      %shift_right_logical3A_1039 = arith.shrui %get3A_1036, %shift_right_logical3A_1038 : vector<16xi32>
      %and3A_1040 = arith.constant 15 : i32
      %and3A_1041 = vector.broadcast %and3A_1040 : i32 to vector<16xi32>
      %and3A_1042 = arith.andi %get3A_1036, %and3A_1041 : vector<16xi32>
      tpu.vector_store_idx %arg11[%shift_right_logical3A_1039, %and3A_1042], %broadcast_in_dim3A_3 {add = true} : memref<640x16xf32, #tpu.memory_space<vmem>>[vector<16xi32>, vector<16xi32>], vector<16xf32>,
      %get3A_1043 = arith.constant 7 : i32
      %get3A_1044 = arith.index_cast %get3A_1043 : i32 to index
      %get3A_1045 = arith.constant 80 : index
      %get3A_1046 = tpu.vector_load %arg8[%get3A_1044, %get3A_1045] {strides = array<i32>} : memref<8x128xi32, #tpu.memory_space<vmem>>, vector<16xi32>,
      %shift_right_logical3A_1047 = arith.constant 4 : i32
      %shift_right_logical3A_1048 = vector.broadcast %shift_right_logical3A_1047 : i32 to vector<16xi32>
      %shift_right_logical3A_1049 = arith.shrui %get3A_1046, %shift_right_logical3A_1048 : vector<16xi32>
      %and3A_1050 = arith.constant 15 : i32
      %and3A_1051 = vector.broadcast %and3A_1050 : i32 to vector<16xi32>
      %and3A_1052 = arith.andi %get3A_1046, %and3A_1051 : vector<16xi32>
      tpu.vector_store_idx %arg11[%shift_right_logical3A_1049, %and3A_1052], %broadcast_in_dim3A_3 {add = true} : memref<640x16xf32, #tpu.memory_space<vmem>>[vector<16xi32>, vector<16xi32>], vector<16xf32>,
      %get3A_1053 = arith.constant 7 : i32
      %get3A_1054 = arith.index_cast %get3A_1053 : i32 to index
      %get3A_1055 = arith.constant 96 : index
      %get3A_1056 = tpu.vector_load %arg8[%get3A_1054, %get3A_1055] {strides = array<i32>} : memref<8x128xi32, #tpu.memory_space<vmem>>, vector<16xi32>,
      %shift_right_logical3A_1057 = arith.constant 4 : i32
      %shift_right_logical3A_1058 = vector.broadcast %shift_right_logical3A_1057 : i32 to vector<16xi32>
      %shift_right_logical3A_1059 = arith.shrui %get3A_1056, %shift_right_logical3A_1058 : vector<16xi32>
      %and3A_1060 = arith.constant 15 : i32
      %and3A_1061 = vector.broadcast %and3A_1060 : i32 to vector<16xi32>
      %and3A_1062 = arith.andi %get3A_1056, %and3A_1061 : vector<16xi32>
      tpu.vector_store_idx %arg11[%shift_right_logical3A_1059, %and3A_1062], %broadcast_in_dim3A_3 {add = true} : memref<640x16xf32, #tpu.memory_space<vmem>>[vector<16xi32>, vector<16xi32>], vector<16xf32>,
      %get3A_1063 = arith.constant 7 : i32
      %get3A_1064 = arith.index_cast %get3A_1063 : i32 to index
      %get3A_1065 = arith.constant 112 : index
      %get3A_1066 = tpu.vector_load %arg8[%get3A_1064, %get3A_1065] {strides = array<i32>} : memref<8x128xi32, #tpu.memory_space<vmem>>, vector<16xi32>,
      %shift_right_logical3A_1067 = arith.constant 4 : i32
      %shift_right_logical3A_1068 = vector.broadcast %shift_right_logical3A_1067 : i32 to vector<16xi32>
      %shift_right_logical3A_1069 = arith.shrui %get3A_1066, %shift_right_logical3A_1068 : vector<16xi32>
      %and3A_1070 = arith.constant 15 : i32
      %and3A_1071 = vector.broadcast %and3A_1070 : i32 to vector<16xi32>
      %and3A_1072 = arith.andi %get3A_1066, %and3A_1071 : vector<16xi32>
      tpu.vector_store_idx %arg11[%shift_right_logical3A_1069, %and3A_1072], %broadcast_in_dim3A_3 {add = true} : memref<640x16xf32, #tpu.memory_space<vmem>>[vector<16xi32>, vector<16xi32>], vector<16xf32>,
      %dma_wait3A_1073 = arith.constant 0 : i32
      %dma_wait3A_1074 = arith.constant 0 : i32
      %dma_wait3A_1075 = tpu.memref_slice %arg7[%dma_wait3A_1073, %dma_wait3A_1074] : memref<8x128xi32, #tpu.memory_space<vmem>> -> memref<1x128xi32, #tpu.memory_space<vmem>>
      %dma_wait3A_1076 = tpu.memref_squeeze %dma_wait3A_1075 : memref<1x128xi32, #tpu.memory_space<vmem>> -> memref<128xi32, #tpu.memory_space<vmem>>
      %dma_wait3A_1077 = arith.constant 0 : i32
      %dma_wait3A_1078 = arith.constant 0 : i32
      %dma_wait3A_1079 = tpu.memref_slice %arg2[%dma_wait3A_1077, %dma_wait3A_1078] : memref<50000x128xf32, #tpu.memory_space<hbm>> -> memref<50000x128xf32, #tpu.memory_space<hbm>>
      tpu.wait_indirect_dma semaphore(%arg15 : memref<!tpu.dma_semaphore, #tpu.memory_space<semaphore_mem>>) src(%dma_wait3A_1079 : memref<50000x128xf32, #tpu.memory_space<hbm>>) dst(%arg9 : memref<128x128xf32, #tpu.memory_space<vmem>>)
      %dma_start3A_1080 = arith.constant 0 : i32
      %dma_start3A_1081 = arith.constant 0 : i32
      %dma_start3A_1082 = tpu.memref_slice %arg8[%dma_start3A_1080, %dma_start3A_1081] : memref<8x128xi32, #tpu.memory_space<vmem>> -> memref<1x128xi32, #tpu.memory_space<vmem>>
      %dma_start3A_1083 = tpu.memref_squeeze %dma_start3A_1082 : memref<1x128xi32, #tpu.memory_space<vmem>> -> memref<128xi32, #tpu.memory_space<vmem>>
      %dma_start3A_1084 = arith.constant 0 : i32
      %dma_start3A_1085 = arith.constant 0 : i32
      %dma_start3A_1086 = tpu.memref_slice %arg13[%dma_start3A_1084, %dma_start3A_1085] : memref<10240x128xf32, #tpu.memory_space<vmem_shared>> -> memref<10240x128xf32, #tpu.memory_space<vmem_shared>>
      tpu.enqueue_indirect_dma source(%arg9 : memref<128x128xf32, #tpu.memory_space<vmem>>) target(%dma_start3A_1086 : memref<10240x128xf32, #tpu.memory_space<vmem_shared>>) offsets(%dma_start3A_1083 : memref<128xi32, #tpu.memory_space<vmem>>) semaphore(%arg17 : memref<!tpu.dma_semaphore, #tpu.memory_space<semaphore_mem>>) {add = true}
      %dma_wait3A_1087 = arith.constant 0 : i32
      %dma_wait3A_1088 = arith.constant 0 : i32
      %dma_wait3A_1089 = tpu.memref_slice %arg8[%dma_wait3A_1087, %dma_wait3A_1088] : memref<8x128xi32, #tpu.memory_space<vmem>> -> memref<1x128xi32, #tpu.memory_space<vmem>>
      %dma_wait3A_1090 = tpu.memref_squeeze %dma_wait3A_1089 : memref<1x128xi32, #tpu.memory_space<vmem>> -> memref<128xi32, #tpu.memory_space<vmem>>
      %dma_wait3A_1091 = arith.constant 0 : i32
      %dma_wait3A_1092 = arith.constant 0 : i32
      %dma_wait3A_1093 = tpu.memref_slice %arg13[%dma_wait3A_1091, %dma_wait3A_1092] : memref<10240x128xf32, #tpu.memory_space<vmem_shared>> -> memref<10240x128xf32, #tpu.memory_space<vmem_shared>>
      tpu.wait_indirect_dma semaphore(%arg17 : memref<!tpu.dma_semaphore, #tpu.memory_space<semaphore_mem>>) src(%arg9 : memref<128x128xf32, #tpu.memory_space<vmem>>) dst(%dma_wait3A_1093 : memref<10240x128xf32, #tpu.memory_space<vmem_shared>>)
      %dma_start3A_1094 = arith.constant 2 : i32
      %dma_start3A_1095 = arith.constant 0 : i32
      %dma_start3A_1096 = tpu.memref_slice %arg7[%dma_start3A_1094, %dma_start3A_1095] : memref<8x128xi32, #tpu.memory_space<vmem>> -> memref<1x128xi32, #tpu.memory_space<vmem>>
      %dma_start3A_1097 = tpu.memref_squeeze %dma_start3A_1096 : memref<1x128xi32, #tpu.memory_space<vmem>> -> memref<128xi32, #tpu.memory_space<vmem>>
      %dma_start3A_1098 = arith.constant 0 : i32
      %dma_start3A_1099 = arith.constant 0 : i32
      %dma_start3A_1100 = tpu.memref_slice %arg2[%dma_start3A_1098, %dma_start3A_1099] : memref<50000x128xf32, #tpu.memory_space<hbm>> -> memref<50000x128xf32, #tpu.memory_space<hbm>>
      tpu.enqueue_indirect_dma source(%dma_start3A_1100 : memref<50000x128xf32, #tpu.memory_space<hbm>>) target(%arg9 : memref<128x128xf32, #tpu.memory_space<vmem>>) offsets(%dma_start3A_1097 : memref<128xi32, #tpu.memory_space<vmem>>) semaphore(%arg15 : memref<!tpu.dma_semaphore, #tpu.memory_space<semaphore_mem>>)
      %dma_wait3A_1101 = arith.constant 1 : i32
      %dma_wait3A_1102 = arith.constant 0 : i32
      %dma_wait3A_1103 = tpu.memref_slice %arg7[%dma_wait3A_1101, %dma_wait3A_1102] : memref<8x128xi32, #tpu.memory_space<vmem>> -> memref<1x128xi32, #tpu.memory_space<vmem>>
      %dma_wait3A_1104 = tpu.memref_squeeze %dma_wait3A_1103 : memref<1x128xi32, #tpu.memory_space<vmem>> -> memref<128xi32, #tpu.memory_space<vmem>>
      %dma_wait3A_1105 = arith.constant 0 : i32
      %dma_wait3A_1106 = arith.constant 0 : i32
      %dma_wait3A_1107 = tpu.memref_slice %arg2[%dma_wait3A_1105, %dma_wait3A_1106] : memref<50000x128xf32, #tpu.memory_space<hbm>> -> memref<50000x128xf32, #tpu.memory_space<hbm>>
      tpu.wait_indirect_dma semaphore(%arg16 : memref<!tpu.dma_semaphore, #tpu.memory_space<semaphore_mem>>) src(%dma_wait3A_1107 : memref<50000x128xf32, #tpu.memory_space<hbm>>) dst(%arg10 : memref<128x128xf32, #tpu.memory_space<vmem>>)
      %dma_start3A_1108 = arith.constant 1 : i32
      %dma_start3A_1109 = arith.constant 0 : i32
      %dma_start3A_1110 = tpu.memref_slice %arg8[%dma_start3A_1108, %dma_start3A_1109] : memref<8x128xi32, #tpu.memory_space<vmem>> -> memref<1x128xi32, #tpu.memory_space<vmem>>
      %dma_start3A_1111 = tpu.memref_squeeze %dma_start3A_1110 : memref<1x128xi32, #tpu.memory_space<vmem>> -> memref<128xi32, #tpu.memory_space<vmem>>
      %dma_start3A_1112 = arith.constant 0 : i32
      %dma_start3A_1113 = arith.constant 0 : i32
      %dma_start3A_1114 = tpu.memref_slice %arg13[%dma_start3A_1112, %dma_start3A_1113] : memref<10240x128xf32, #tpu.memory_space<vmem_shared>> -> memref<10240x128xf32, #tpu.memory_space<vmem_shared>>
      tpu.enqueue_indirect_dma source(%arg10 : memref<128x128xf32, #tpu.memory_space<vmem>>) target(%dma_start3A_1114 : memref<10240x128xf32, #tpu.memory_space<vmem_shared>>) offsets(%dma_start3A_1111 : memref<128xi32, #tpu.memory_space<vmem>>) semaphore(%arg17 : memref<!tpu.dma_semaphore, #tpu.memory_space<semaphore_mem>>) {add = true}
      %dma_wait3A_1115 = arith.constant 1 : i32
      %dma_wait3A_1116 = arith.constant 0 : i32
      %dma_wait3A_1117 = tpu.memref_slice %arg8[%dma_wait3A_1115, %dma_wait3A_1116] : memref<8x128xi32, #tpu.memory_space<vmem>> -> memref<1x128xi32, #tpu.memory_space<vmem>>
      %dma_wait3A_1118 = tpu.memref_squeeze %dma_wait3A_1117 : memref<1x128xi32, #tpu.memory_space<vmem>> -> memref<128xi32, #tpu.memory_space<vmem>>
      %dma_wait3A_1119 = arith.constant 0 : i32
      %dma_wait3A_1120 = arith.constant 0 : i32
      %dma_wait3A_1121 = tpu.memref_slice %arg13[%dma_wait3A_1119, %dma_wait3A_1120] : memref<10240x128xf32, #tpu.memory_space<vmem_shared>> -> memref<10240x128xf32, #tpu.memory_space<vmem_shared>>
      tpu.wait_indirect_dma semaphore(%arg17 : memref<!tpu.dma_semaphore, #tpu.memory_space<semaphore_mem>>) src(%arg10 : memref<128x128xf32, #tpu.memory_space<vmem>>) dst(%dma_wait3A_1121 : memref<10240x128xf32, #tpu.memory_space<vmem_shared>>)
      %dma_start3A_1122 = arith.constant 3 : i32
      %dma_start3A_1123 = arith.constant 0 : i32
      %dma_start3A_1124 = tpu.memref_slice %arg7[%dma_start3A_1122, %dma_start3A_1123] : memref<8x128xi32, #tpu.memory_space<vmem>> -> memref<1x128xi32, #tpu.memory_space<vmem>>
      %dma_start3A_1125 = tpu.memref_squeeze %dma_start3A_1124 : memref<1x128xi32, #tpu.memory_space<vmem>> -> memref<128xi32, #tpu.memory_space<vmem>>
      %dma_start3A_1126 = arith.constant 0 : i32
      %dma_start3A_1127 = arith.constant 0 : i32
      %dma_start3A_1128 = tpu.memref_slice %arg2[%dma_start3A_1126, %dma_start3A_1127] : memref<50000x128xf32, #tpu.memory_space<hbm>> -> memref<50000x128xf32, #tpu.memory_space<hbm>>
      tpu.enqueue_indirect_dma source(%dma_start3A_1128 : memref<50000x128xf32, #tpu.memory_space<hbm>>) target(%arg10 : memref<128x128xf32, #tpu.memory_space<vmem>>) offsets(%dma_start3A_1125 : memref<128xi32, #tpu.memory_space<vmem>>) semaphore(%arg16 : memref<!tpu.dma_semaphore, #tpu.memory_space<semaphore_mem>>)
      %dma_wait3A_1129 = arith.constant 2 : i32
      %dma_wait3A_1130 = arith.constant 0 : i32
      %dma_wait3A_1131 = tpu.memref_slice %arg7[%dma_wait3A_1129, %dma_wait3A_1130] : memref<8x128xi32, #tpu.memory_space<vmem>> -> memref<1x128xi32, #tpu.memory_space<vmem>>
      %dma_wait3A_1132 = tpu.memref_squeeze %dma_wait3A_1131 : memref<1x128xi32, #tpu.memory_space<vmem>> -> memref<128xi32, #tpu.memory_space<vmem>>
      %dma_wait3A_1133 = arith.constant 0 : i32
      %dma_wait3A_1134 = arith.constant 0 : i32
      %dma_wait3A_1135 = tpu.memref_slice %arg2[%dma_wait3A_1133, %dma_wait3A_1134] : memref<50000x128xf32, #tpu.memory_space<hbm>> -> memref<50000x128xf32, #tpu.memory_space<hbm>>
      tpu.wait_indirect_dma semaphore(%arg15 : memref<!tpu.dma_semaphore, #tpu.memory_space<semaphore_mem>>) src(%dma_wait3A_1135 : memref<50000x128xf32, #tpu.memory_space<hbm>>) dst(%arg9 : memref<128x128xf32, #tpu.memory_space<vmem>>)
      %dma_start3A_1136 = arith.constant 2 : i32
      %dma_start3A_1137 = arith.constant 0 : i32
      %dma_start3A_1138 = tpu.memref_slice %arg8[%dma_start3A_1136, %dma_start3A_1137] : memref<8x128xi32, #tpu.memory_space<vmem>> -> memref<1x128xi32, #tpu.memory_space<vmem>>
      %dma_start3A_1139 = tpu.memref_squeeze %dma_start3A_1138 : memref<1x128xi32, #tpu.memory_space<vmem>> -> memref<128xi32, #tpu.memory_space<vmem>>
      %dma_start3A_1140 = arith.constant 0 : i32
      %dma_start3A_1141 = arith.constant 0 : i32
      %dma_start3A_1142 = tpu.memref_slice %arg13[%dma_start3A_1140, %dma_start3A_1141] : memref<10240x128xf32, #tpu.memory_space<vmem_shared>> -> memref<10240x128xf32, #tpu.memory_space<vmem_shared>>
      tpu.enqueue_indirect_dma source(%arg9 : memref<128x128xf32, #tpu.memory_space<vmem>>) target(%dma_start3A_1142 : memref<10240x128xf32, #tpu.memory_space<vmem_shared>>) offsets(%dma_start3A_1139 : memref<128xi32, #tpu.memory_space<vmem>>) semaphore(%arg17 : memref<!tpu.dma_semaphore, #tpu.memory_space<semaphore_mem>>) {add = true}
      %dma_wait3A_1143 = arith.constant 2 : i32
      %dma_wait3A_1144 = arith.constant 0 : i32
      %dma_wait3A_1145 = tpu.memref_slice %arg8[%dma_wait3A_1143, %dma_wait3A_1144] : memref<8x128xi32, #tpu.memory_space<vmem>> -> memref<1x128xi32, #tpu.memory_space<vmem>>
      %dma_wait3A_1146 = tpu.memref_squeeze %dma_wait3A_1145 : memref<1x128xi32, #tpu.memory_space<vmem>> -> memref<128xi32, #tpu.memory_space<vmem>>
      %dma_wait3A_1147 = arith.constant 0 : i32
      %dma_wait3A_1148 = arith.constant 0 : i32
      %dma_wait3A_1149 = tpu.memref_slice %arg13[%dma_wait3A_1147, %dma_wait3A_1148] : memref<10240x128xf32, #tpu.memory_space<vmem_shared>> -> memref<10240x128xf32, #tpu.memory_space<vmem_shared>>
      tpu.wait_indirect_dma semaphore(%arg17 : memref<!tpu.dma_semaphore, #tpu.memory_space<semaphore_mem>>) src(%arg9 : memref<128x128xf32, #tpu.memory_space<vmem>>) dst(%dma_wait3A_1149 : memref<10240x128xf32, #tpu.memory_space<vmem_shared>>)
      %dma_start3A_1150 = arith.constant 4 : i32
      %dma_start3A_1151 = arith.constant 0 : i32
      %dma_start3A_1152 = tpu.memref_slice %arg7[%dma_start3A_1150, %dma_start3A_1151] : memref<8x128xi32, #tpu.memory_space<vmem>> -> memref<1x128xi32, #tpu.memory_space<vmem>>
      %dma_start3A_1153 = tpu.memref_squeeze %dma_start3A_1152 : memref<1x128xi32, #tpu.memory_space<vmem>> -> memref<128xi32, #tpu.memory_space<vmem>>
      %dma_start3A_1154 = arith.constant 0 : i32
      %dma_start3A_1155 = arith.constant 0 : i32
      %dma_start3A_1156 = tpu.memref_slice %arg2[%dma_start3A_1154, %dma_start3A_1155] : memref<50000x128xf32, #tpu.memory_space<hbm>> -> memref<50000x128xf32, #tpu.memory_space<hbm>>
      tpu.enqueue_indirect_dma source(%dma_start3A_1156 : memref<50000x128xf32, #tpu.memory_space<hbm>>) target(%arg9 : memref<128x128xf32, #tpu.memory_space<vmem>>) offsets(%dma_start3A_1153 : memref<128xi32, #tpu.memory_space<vmem>>) semaphore(%arg15 : memref<!tpu.dma_semaphore, #tpu.memory_space<semaphore_mem>>)
      %dma_wait3A_1157 = arith.constant 3 : i32
      %dma_wait3A_1158 = arith.constant 0 : i32
      %dma_wait3A_1159 = tpu.memref_slice %arg7[%dma_wait3A_1157, %dma_wait3A_1158] : memref<8x128xi32, #tpu.memory_space<vmem>> -> memref<1x128xi32, #tpu.memory_space<vmem>>
      %dma_wait3A_1160 = tpu.memref_squeeze %dma_wait3A_1159 : memref<1x128xi32, #tpu.memory_space<vmem>> -> memref<128xi32, #tpu.memory_space<vmem>>
      %dma_wait3A_1161 = arith.constant 0 : i32
      %dma_wait3A_1162 = arith.constant 0 : i32
      %dma_wait3A_1163 = tpu.memref_slice %arg2[%dma_wait3A_1161, %dma_wait3A_1162] : memref<50000x128xf32, #tpu.memory_space<hbm>> -> memref<50000x128xf32, #tpu.memory_space<hbm>>
      tpu.wait_indirect_dma semaphore(%arg16 : memref<!tpu.dma_semaphore, #tpu.memory_space<semaphore_mem>>) src(%dma_wait3A_1163 : memref<50000x128xf32, #tpu.memory_space<hbm>>) dst(%arg10 : memref<128x128xf32, #tpu.memory_space<vmem>>)
      %dma_start3A_1164 = arith.constant 3 : i32
      %dma_start3A_1165 = arith.constant 0 : i32
      %dma_start3A_1166 = tpu.memref_slice %arg8[%dma_start3A_1164, %dma_start3A_1165] : memref<8x128xi32, #tpu.memory_space<vmem>> -> memref<1x128xi32, #tpu.memory_space<vmem>>
      %dma_start3A_1167 = tpu.memref_squeeze %dma_start3A_1166 : memref<1x128xi32, #tpu.memory_space<vmem>> -> memref<128xi32, #tpu.memory_space<vmem>>
      %dma_start3A_1168 = arith.constant 0 : i32
      %dma_start3A_1169 = arith.constant 0 : i32
      %dma_start3A_1170 = tpu.memref_slice %arg13[%dma_start3A_1168, %dma_start3A_1169] : memref<10240x128xf32, #tpu.memory_space<vmem_shared>> -> memref<10240x128xf32, #tpu.memory_space<vmem_shared>>
      tpu.enqueue_indirect_dma source(%arg10 : memref<128x128xf32, #tpu.memory_space<vmem>>) target(%dma_start3A_1170 : memref<10240x128xf32, #tpu.memory_space<vmem_shared>>) offsets(%dma_start3A_1167 : memref<128xi32, #tpu.memory_space<vmem>>) semaphore(%arg17 : memref<!tpu.dma_semaphore, #tpu.memory_space<semaphore_mem>>) {add = true}
      %dma_wait3A_1171 = arith.constant 3 : i32
      %dma_wait3A_1172 = arith.constant 0 : i32
      %dma_wait3A_1173 = tpu.memref_slice %arg8[%dma_wait3A_1171, %dma_wait3A_1172] : memref<8x128xi32, #tpu.memory_space<vmem>> -> memref<1x128xi32, #tpu.memory_space<vmem>>
      %dma_wait3A_1174 = tpu.memref_squeeze %dma_wait3A_1173 : memref<1x128xi32, #tpu.memory_space<vmem>> -> memref<128xi32, #tpu.memory_space<vmem>>
      %dma_wait3A_1175 = arith.constant 0 : i32
      %dma_wait3A_1176 = arith.constant 0 : i32
      %dma_wait3A_1177 = tpu.memref_slice %arg13[%dma_wait3A_1175, %dma_wait3A_1176] : memref<10240x128xf32, #tpu.memory_space<vmem_shared>> -> memref<10240x128xf32, #tpu.memory_space<vmem_shared>>
      tpu.wait_indirect_dma semaphore(%arg17 : memref<!tpu.dma_semaphore, #tpu.memory_space<semaphore_mem>>) src(%arg10 : memref<128x128xf32, #tpu.memory_space<vmem>>) dst(%dma_wait3A_1177 : memref<10240x128xf32, #tpu.memory_space<vmem_shared>>)
      %dma_start3A_1178 = arith.constant 5 : i32
      %dma_start3A_1179 = arith.constant 0 : i32
      %dma_start3A_1180 = tpu.memref_slice %arg7[%dma_start3A_1178, %dma_start3A_1179] : memref<8x128xi32, #tpu.memory_space<vmem>> -> memref<1x128xi32, #tpu.memory_space<vmem>>
      %dma_start3A_1181 = tpu.memref_squeeze %dma_start3A_1180 : memref<1x128xi32, #tpu.memory_space<vmem>> -> memref<128xi32, #tpu.memory_space<vmem>>
      %dma_start3A_1182 = arith.constant 0 : i32
      %dma_start3A_1183 = arith.constant 0 : i32
      %dma_start3A_1184 = tpu.memref_slice %arg2[%dma_start3A_1182, %dma_start3A_1183] : memref<50000x128xf32, #tpu.memory_space<hbm>> -> memref<50000x128xf32, #tpu.memory_space<hbm>>
      tpu.enqueue_indirect_dma source(%dma_start3A_1184 : memref<50000x128xf32, #tpu.memory_space<hbm>>) target(%arg10 : memref<128x128xf32, #tpu.memory_space<vmem>>) offsets(%dma_start3A_1181 : memref<128xi32, #tpu.memory_space<vmem>>) semaphore(%arg16 : memref<!tpu.dma_semaphore, #tpu.memory_space<semaphore_mem>>)
      %dma_wait3A_1185 = arith.constant 4 : i32
      %dma_wait3A_1186 = arith.constant 0 : i32
      %dma_wait3A_1187 = tpu.memref_slice %arg7[%dma_wait3A_1185, %dma_wait3A_1186] : memref<8x128xi32, #tpu.memory_space<vmem>> -> memref<1x128xi32, #tpu.memory_space<vmem>>
      %dma_wait3A_1188 = tpu.memref_squeeze %dma_wait3A_1187 : memref<1x128xi32, #tpu.memory_space<vmem>> -> memref<128xi32, #tpu.memory_space<vmem>>
      %dma_wait3A_1189 = arith.constant 0 : i32
      %dma_wait3A_1190 = arith.constant 0 : i32
      %dma_wait3A_1191 = tpu.memref_slice %arg2[%dma_wait3A_1189, %dma_wait3A_1190] : memref<50000x128xf32, #tpu.memory_space<hbm>> -> memref<50000x128xf32, #tpu.memory_space<hbm>>
      tpu.wait_indirect_dma semaphore(%arg15 : memref<!tpu.dma_semaphore, #tpu.memory_space<semaphore_mem>>) src(%dma_wait3A_1191 : memref<50000x128xf32, #tpu.memory_space<hbm>>) dst(%arg9 : memref<128x128xf32, #tpu.memory_space<vmem>>)
      %dma_start3A_1192 = arith.constant 4 : i32
      %dma_start3A_1193 = arith.constant 0 : i32
      %dma_start3A_1194 = tpu.memref_slice %arg8[%dma_start3A_1192, %dma_start3A_1193] : memref<8x128xi32, #tpu.memory_space<vmem>> -> memref<1x128xi32, #tpu.memory_space<vmem>>
      %dma_start3A_1195 = tpu.memref_squeeze %dma_start3A_1194 : memref<1x128xi32, #tpu.memory_space<vmem>> -> memref<128xi32, #tpu.memory_space<vmem>>
      %dma_start3A_1196 = arith.constant 0 : i32
      %dma_start3A_1197 = arith.constant 0 : i32
      %dma_start3A_1198 = tpu.memref_slice %arg13[%dma_start3A_1196, %dma_start3A_1197] : memref<10240x128xf32, #tpu.memory_space<vmem_shared>> -> memref<10240x128xf32, #tpu.memory_space<vmem_shared>>
      tpu.enqueue_indirect_dma source(%arg9 : memref<128x128xf32, #tpu.memory_space<vmem>>) target(%dma_start3A_1198 : memref<10240x128xf32, #tpu.memory_space<vmem_shared>>) offsets(%dma_start3A_1195 : memref<128xi32, #tpu.memory_space<vmem>>) semaphore(%arg17 : memref<!tpu.dma_semaphore, #tpu.memory_space<semaphore_mem>>) {add = true}
      %dma_wait3A_1199 = arith.constant 4 : i32
      %dma_wait3A_1200 = arith.constant 0 : i32
      %dma_wait3A_1201 = tpu.memref_slice %arg8[%dma_wait3A_1199, %dma_wait3A_1200] : memref<8x128xi32, #tpu.memory_space<vmem>> -> memref<1x128xi32, #tpu.memory_space<vmem>>
      %dma_wait3A_1202 = tpu.memref_squeeze %dma_wait3A_1201 : memref<1x128xi32, #tpu.memory_space<vmem>> -> memref<128xi32, #tpu.memory_space<vmem>>
      %dma_wait3A_1203 = arith.constant 0 : i32
      %dma_wait3A_1204 = arith.constant 0 : i32
      %dma_wait3A_1205 = tpu.memref_slice %arg13[%dma_wait3A_1203, %dma_wait3A_1204] : memref<10240x128xf32, #tpu.memory_space<vmem_shared>> -> memref<10240x128xf32, #tpu.memory_space<vmem_shared>>
      tpu.wait_indirect_dma semaphore(%arg17 : memref<!tpu.dma_semaphore, #tpu.memory_space<semaphore_mem>>) src(%arg9 : memref<128x128xf32, #tpu.memory_space<vmem>>) dst(%dma_wait3A_1205 : memref<10240x128xf32, #tpu.memory_space<vmem_shared>>)
      %dma_start3A_1206 = arith.constant 6 : i32
      %dma_start3A_1207 = arith.constant 0 : i32
      %dma_start3A_1208 = tpu.memref_slice %arg7[%dma_start3A_1206, %dma_start3A_1207] : memref<8x128xi32, #tpu.memory_space<vmem>> -> memref<1x128xi32, #tpu.memory_space<vmem>>
      %dma_start3A_1209 = tpu.memref_squeeze %dma_start3A_1208 : memref<1x128xi32, #tpu.memory_space<vmem>> -> memref<128xi32, #tpu.memory_space<vmem>>
      %dma_start3A_1210 = arith.constant 0 : i32
      %dma_start3A_1211 = arith.constant 0 : i32
      %dma_start3A_1212 = tpu.memref_slice %arg2[%dma_start3A_1210, %dma_start3A_1211] : memref<50000x128xf32, #tpu.memory_space<hbm>> -> memref<50000x128xf32, #tpu.memory_space<hbm>>
      tpu.enqueue_indirect_dma source(%dma_start3A_1212 : memref<50000x128xf32, #tpu.memory_space<hbm>>) target(%arg9 : memref<128x128xf32, #tpu.memory_space<vmem>>) offsets(%dma_start3A_1209 : memref<128xi32, #tpu.memory_space<vmem>>) semaphore(%arg15 : memref<!tpu.dma_semaphore, #tpu.memory_space<semaphore_mem>>)
      %dma_wait3A_1213 = arith.constant 5 : i32
      %dma_wait3A_1214 = arith.constant 0 : i32
      %dma_wait3A_1215 = tpu.memref_slice %arg7[%dma_wait3A_1213, %dma_wait3A_1214] : memref<8x128xi32, #tpu.memory_space<vmem>> -> memref<1x128xi32, #tpu.memory_space<vmem>>
      %dma_wait3A_1216 = tpu.memref_squeeze %dma_wait3A_1215 : memref<1x128xi32, #tpu.memory_space<vmem>> -> memref<128xi32, #tpu.memory_space<vmem>>
      %dma_wait3A_1217 = arith.constant 0 : i32
      %dma_wait3A_1218 = arith.constant 0 : i32
      %dma_wait3A_1219 = tpu.memref_slice %arg2[%dma_wait3A_1217, %dma_wait3A_1218] : memref<50000x128xf32, #tpu.memory_space<hbm>> -> memref<50000x128xf32, #tpu.memory_space<hbm>>
      tpu.wait_indirect_dma semaphore(%arg16 : memref<!tpu.dma_semaphore, #tpu.memory_space<semaphore_mem>>) src(%dma_wait3A_1219 : memref<50000x128xf32, #tpu.memory_space<hbm>>) dst(%arg10 : memref<128x128xf32, #tpu.memory_space<vmem>>)
      %dma_start3A_1220 = arith.constant 5 : i32
      %dma_start3A_1221 = arith.constant 0 : i32
      %dma_start3A_1222 = tpu.memref_slice %arg8[%dma_start3A_1220, %dma_start3A_1221] : memref<8x128xi32, #tpu.memory_space<vmem>> -> memref<1x128xi32, #tpu.memory_space<vmem>>
      %dma_start3A_1223 = tpu.memref_squeeze %dma_start3A_1222 : memref<1x128xi32, #tpu.memory_space<vmem>> -> memref<128xi32, #tpu.memory_space<vmem>>
      %dma_start3A_1224 = arith.constant 0 : i32
      %dma_start3A_1225 = arith.constant 0 : i32
      %dma_start3A_1226 = tpu.memref_slice %arg13[%dma_start3A_1224, %dma_start3A_1225] : memref<10240x128xf32, #tpu.memory_space<vmem_shared>> -> memref<10240x128xf32, #tpu.memory_space<vmem_shared>>
      tpu.enqueue_indirect_dma source(%arg10 : memref<128x128xf32, #tpu.memory_space<vmem>>) target(%dma_start3A_1226 : memref<10240x128xf32, #tpu.memory_space<vmem_shared>>) offsets(%dma_start3A_1223 : memref<128xi32, #tpu.memory_space<vmem>>) semaphore(%arg17 : memref<!tpu.dma_semaphore, #tpu.memory_space<semaphore_mem>>) {add = true}
      %dma_wait3A_1227 = arith.constant 5 : i32
      %dma_wait3A_1228 = arith.constant 0 : i32
      %dma_wait3A_1229 = tpu.memref_slice %arg8[%dma_wait3A_1227, %dma_wait3A_1228] : memref<8x128xi32, #tpu.memory_space<vmem>> -> memref<1x128xi32, #tpu.memory_space<vmem>>
      %dma_wait3A_1230 = tpu.memref_squeeze %dma_wait3A_1229 : memref<1x128xi32, #tpu.memory_space<vmem>> -> memref<128xi32, #tpu.memory_space<vmem>>
      %dma_wait3A_1231 = arith.constant 0 : i32
      %dma_wait3A_1232 = arith.constant 0 : i32
      %dma_wait3A_1233 = tpu.memref_slice %arg13[%dma_wait3A_1231, %dma_wait3A_1232] : memref<10240x128xf32, #tpu.memory_space<vmem_shared>> -> memref<10240x128xf32, #tpu.memory_space<vmem_shared>>
      tpu.wait_indirect_dma semaphore(%arg17 : memref<!tpu.dma_semaphore, #tpu.memory_space<semaphore_mem>>) src(%arg10 : memref<128x128xf32, #tpu.memory_space<vmem>>) dst(%dma_wait3A_1233 : memref<10240x128xf32, #tpu.memory_space<vmem_shared>>)
      %dma_start3A_1234 = arith.constant 7 : i32
      %dma_start3A_1235 = arith.constant 0 : i32
      %dma_start3A_1236 = tpu.memref_slice %arg7[%dma_start3A_1234, %dma_start3A_1235] : memref<8x128xi32, #tpu.memory_space<vmem>> -> memref<1x128xi32, #tpu.memory_space<vmem>>
      %dma_start3A_1237 = tpu.memref_squeeze %dma_start3A_1236 : memref<1x128xi32, #tpu.memory_space<vmem>> -> memref<128xi32, #tpu.memory_space<vmem>>
      %dma_start3A_1238 = arith.constant 0 : i32
      %dma_start3A_1239 = arith.constant 0 : i32
      %dma_start3A_1240 = tpu.memref_slice %arg2[%dma_start3A_1238, %dma_start3A_1239] : memref<50000x128xf32, #tpu.memory_space<hbm>> -> memref<50000x128xf32, #tpu.memory_space<hbm>>
      tpu.enqueue_indirect_dma source(%dma_start3A_1240 : memref<50000x128xf32, #tpu.memory_space<hbm>>) target(%arg10 : memref<128x128xf32, #tpu.memory_space<vmem>>) offsets(%dma_start3A_1237 : memref<128xi32, #tpu.memory_space<vmem>>) semaphore(%arg16 : memref<!tpu.dma_semaphore, #tpu.memory_space<semaphore_mem>>)
      %dma_wait3A_1241 = arith.constant 6 : i32
      %dma_wait3A_1242 = arith.constant 0 : i32
      %dma_wait3A_1243 = tpu.memref_slice %arg7[%dma_wait3A_1241, %dma_wait3A_1242] : memref<8x128xi32, #tpu.memory_space<vmem>> -> memref<1x128xi32, #tpu.memory_space<vmem>>
      %dma_wait3A_1244 = tpu.memref_squeeze %dma_wait3A_1243 : memref<1x128xi32, #tpu.memory_space<vmem>> -> memref<128xi32, #tpu.memory_space<vmem>>
      %dma_wait3A_1245 = arith.constant 0 : i32
      %dma_wait3A_1246 = arith.constant 0 : i32
      %dma_wait3A_1247 = tpu.memref_slice %arg2[%dma_wait3A_1245, %dma_wait3A_1246] : memref<50000x128xf32, #tpu.memory_space<hbm>> -> memref<50000x128xf32, #tpu.memory_space<hbm>>
      tpu.wait_indirect_dma semaphore(%arg15 : memref<!tpu.dma_semaphore, #tpu.memory_space<semaphore_mem>>) src(%dma_wait3A_1247 : memref<50000x128xf32, #tpu.memory_space<hbm>>) dst(%arg9 : memref<128x128xf32, #tpu.memory_space<vmem>>)
      %dma_start3A_1248 = arith.constant 6 : i32
      %dma_start3A_1249 = arith.constant 0 : i32
      %dma_start3A_1250 = tpu.memref_slice %arg8[%dma_start3A_1248, %dma_start3A_1249] : memref<8x128xi32, #tpu.memory_space<vmem>> -> memref<1x128xi32, #tpu.memory_space<vmem>>
      %dma_start3A_1251 = tpu.memref_squeeze %dma_start3A_1250 : memref<1x128xi32, #tpu.memory_space<vmem>> -> memref<128xi32, #tpu.memory_space<vmem>>
      %dma_start3A_1252 = arith.constant 0 : i32
      %dma_start3A_1253 = arith.constant 0 : i32
      %dma_start3A_1254 = tpu.memref_slice %arg13[%dma_start3A_1252, %dma_start3A_1253] : memref<10240x128xf32, #tpu.memory_space<vmem_shared>> -> memref<10240x128xf32, #tpu.memory_space<vmem_shared>>
      tpu.enqueue_indirect_dma source(%arg9 : memref<128x128xf32, #tpu.memory_space<vmem>>) target(%dma_start3A_1254 : memref<10240x128xf32, #tpu.memory_space<vmem_shared>>) offsets(%dma_start3A_1251 : memref<128xi32, #tpu.memory_space<vmem>>) semaphore(%arg17 : memref<!tpu.dma_semaphore, #tpu.memory_space<semaphore_mem>>) {add = true}
      %dma_wait3A_1255 = arith.constant 6 : i32
      %dma_wait3A_1256 = arith.constant 0 : i32
      %dma_wait3A_1257 = tpu.memref_slice %arg8[%dma_wait3A_1255, %dma_wait3A_1256] : memref<8x128xi32, #tpu.memory_space<vmem>> -> memref<1x128xi32, #tpu.memory_space<vmem>>
      %dma_wait3A_1258 = tpu.memref_squeeze %dma_wait3A_1257 : memref<1x128xi32, #tpu.memory_space<vmem>> -> memref<128xi32, #tpu.memory_space<vmem>>
      %dma_wait3A_1259 = arith.constant 0 : i32
      %dma_wait3A_1260 = arith.constant 0 : i32
      %dma_wait3A_1261 = tpu.memref_slice %arg13[%dma_wait3A_1259, %dma_wait3A_1260] : memref<10240x128xf32, #tpu.memory_space<vmem_shared>> -> memref<10240x128xf32, #tpu.memory_space<vmem_shared>>
      tpu.wait_indirect_dma semaphore(%arg17 : memref<!tpu.dma_semaphore, #tpu.memory_space<semaphore_mem>>) src(%arg9 : memref<128x128xf32, #tpu.memory_space<vmem>>) dst(%dma_wait3A_1261 : memref<10240x128xf32, #tpu.memory_space<vmem_shared>>)
      %dma_wait3A_1262 = arith.constant 7 : i32
      %dma_wait3A_1263 = arith.constant 0 : i32
      %dma_wait3A_1264 = tpu.memref_slice %arg7[%dma_wait3A_1262, %dma_wait3A_1263] : memref<8x128xi32, #tpu.memory_space<vmem>> -> memref<1x128xi32, #tpu.memory_space<vmem>>
      %dma_wait3A_1265 = tpu.memref_squeeze %dma_wait3A_1264 : memref<1x128xi32, #tpu.memory_space<vmem>> -> memref<128xi32, #tpu.memory_space<vmem>>
      %dma_wait3A_1266 = arith.constant 0 : i32
      %dma_wait3A_1267 = arith.constant 0 : i32
      %dma_wait3A_1268 = tpu.memref_slice %arg2[%dma_wait3A_1266, %dma_wait3A_1267] : memref<50000x128xf32, #tpu.memory_space<hbm>> -> memref<50000x128xf32, #tpu.memory_space<hbm>>
      tpu.wait_indirect_dma semaphore(%arg16 : memref<!tpu.dma_semaphore, #tpu.memory_space<semaphore_mem>>) src(%dma_wait3A_1268 : memref<50000x128xf32, #tpu.memory_space<hbm>>) dst(%arg10 : memref<128x128xf32, #tpu.memory_space<vmem>>)
      %dma_start3A_1269 = arith.constant 7 : i32
      %dma_start3A_1270 = arith.constant 0 : i32
      %dma_start3A_1271 = tpu.memref_slice %arg8[%dma_start3A_1269, %dma_start3A_1270] : memref<8x128xi32, #tpu.memory_space<vmem>> -> memref<1x128xi32, #tpu.memory_space<vmem>>
      %dma_start3A_1272 = tpu.memref_squeeze %dma_start3A_1271 : memref<1x128xi32, #tpu.memory_space<vmem>> -> memref<128xi32, #tpu.memory_space<vmem>>
      %dma_start3A_1273 = arith.constant 0 : i32
      %dma_start3A_1274 = arith.constant 0 : i32
      %dma_start3A_1275 = tpu.memref_slice %arg13[%dma_start3A_1273, %dma_start3A_1274] : memref<10240x128xf32, #tpu.memory_space<vmem_shared>> -> memref<10240x128xf32, #tpu.memory_space<vmem_shared>>
      tpu.enqueue_indirect_dma source(%arg10 : memref<128x128xf32, #tpu.memory_space<vmem>>) target(%dma_start3A_1275 : memref<10240x128xf32, #tpu.memory_space<vmem_shared>>) offsets(%dma_start3A_1272 : memref<128xi32, #tpu.memory_space<vmem>>) semaphore(%arg17 : memref<!tpu.dma_semaphore, #tpu.memory_space<semaphore_mem>>) {add = true}
      %dma_wait3A_1276 = arith.constant 7 : i32
      %dma_wait3A_1277 = arith.constant 0 : i32
      %dma_wait3A_1278 = tpu.memref_slice %arg8[%dma_wait3A_1276, %dma_wait3A_1277] : memref<8x128xi32, #tpu.memory_space<vmem>> -> memref<1x128xi32, #tpu.memory_space<vmem>>
      %dma_wait3A_1279 = tpu.memref_squeeze %dma_wait3A_1278 : memref<1x128xi32, #tpu.memory_space<vmem>> -> memref<128xi32, #tpu.memory_space<vmem>>
      %dma_wait3A_1280 = arith.constant 0 : i32
      %dma_wait3A_1281 = arith.constant 0 : i32
      %dma_wait3A_1282 = tpu.memref_slice %arg13[%dma_wait3A_1280, %dma_wait3A_1281] : memref<10240x128xf32, #tpu.memory_space<vmem_shared>> -> memref<10240x128xf32, #tpu.memory_space<vmem_shared>>
      tpu.wait_indirect_dma semaphore(%arg17 : memref<!tpu.dma_semaphore, #tpu.memory_space<semaphore_mem>>) src(%arg10 : memref<128x128xf32, #tpu.memory_space<vmem>>) dst(%dma_wait3A_1282 : memref<10240x128xf32, #tpu.memory_space<vmem_shared>>)
      %scan3A_1283 = arith.constant 0 : i32
      scf.yield %scan3A_1283 : i32
    }
    %scan3A_316 = arith.constant 10 : i32
    %dma_start3A = arith.constant 0 : i32
    %dma_start3A_317 = arith.constant 0 : i32
    %dma_start3A_318 = arith.constant 0 : i32
    %dma_start3A_319 = tpu.memref_slice %arg11[%dma_start3A_317, %dma_start3A_318] : memref<640x16xf32, #tpu.memory_space<vmem>> -> memref<128x16xf32, #tpu.memory_space<vmem>>
    %dma_start3A_320 = arith.constant 0 : i32
    %dma_start3A_321 = tpu.memref_slice %arg12[%dma_start3A, %dma_start3A_320] : memref<5x128xi32, #tpu.memory_space<vmem>> -> memref<1x128xi32, #tpu.memory_space<vmem>>
    %dma_start3A_322 = tpu.memref_squeeze %dma_start3A_321 : memref<1x128xi32, #tpu.memory_space<vmem>> -> memref<128xi32, #tpu.memory_space<vmem>>
    %dma_start3A_323 = arith.constant 0 : i32
    %dma_start3A_324 = arith.constant 0 : i32
    %dma_start3A_325 = tpu.memref_slice %arg14[%dma_start3A_323, %dma_start3A_324] : memref<640x16xf32, #tpu.memory_space<vmem_shared>> -> memref<640x16xf32, #tpu.memory_space<vmem_shared>>
    tpu.enqueue_indirect_dma source(%dma_start3A_319 : memref<128x16xf32, #tpu.memory_space<vmem>>) target(%dma_start3A_325 : memref<640x16xf32, #tpu.memory_space<vmem_shared>>) offsets(%dma_start3A_322 : memref<128xi32, #tpu.memory_space<vmem>>) semaphore(%arg17 : memref<!tpu.dma_semaphore, #tpu.memory_space<semaphore_mem>>) {add = true}
    %dma_start3A_326 = arith.constant 1 : i32
    %dma_start3A_327 = arith.constant 128 : i32
    %dma_start3A_328 = arith.constant 0 : i32
    %dma_start3A_329 = tpu.memref_slice %arg11[%dma_start3A_327, %dma_start3A_328] : memref<640x16xf32, #tpu.memory_space<vmem>> -> memref<128x16xf32, #tpu.memory_space<vmem>>
    %dma_start3A_330 = arith.constant 0 : i32
    %dma_start3A_331 = tpu.memref_slice %arg12[%dma_start3A_326, %dma_start3A_330] : memref<5x128xi32, #tpu.memory_space<vmem>> -> memref<1x128xi32, #tpu.memory_space<vmem>>
    %dma_start3A_332 = tpu.memref_squeeze %dma_start3A_331 : memref<1x128xi32, #tpu.memory_space<vmem>> -> memref<128xi32, #tpu.memory_space<vmem>>
    %dma_start3A_333 = arith.constant 0 : i32
    %dma_start3A_334 = arith.constant 0 : i32
    %dma_start3A_335 = tpu.memref_slice %arg14[%dma_start3A_333, %dma_start3A_334] : memref<640x16xf32, #tpu.memory_space<vmem_shared>> -> memref<640x16xf32, #tpu.memory_space<vmem_shared>>
    tpu.enqueue_indirect_dma source(%dma_start3A_329 : memref<128x16xf32, #tpu.memory_space<vmem>>) target(%dma_start3A_335 : memref<640x16xf32, #tpu.memory_space<vmem_shared>>) offsets(%dma_start3A_332 : memref<128xi32, #tpu.memory_space<vmem>>) semaphore(%arg17 : memref<!tpu.dma_semaphore, #tpu.memory_space<semaphore_mem>>) {add = true}
    %dma_start3A_336 = arith.constant 2 : i32
    %dma_start3A_337 = arith.constant 256 : i32
    %dma_start3A_338 = arith.constant 0 : i32
    %dma_start3A_339 = tpu.memref_slice %arg11[%dma_start3A_337, %dma_start3A_338] : memref<640x16xf32, #tpu.memory_space<vmem>> -> memref<128x16xf32, #tpu.memory_space<vmem>>
    %dma_start3A_340 = arith.constant 0 : i32
    %dma_start3A_341 = tpu.memref_slice %arg12[%dma_start3A_336, %dma_start3A_340] : memref<5x128xi32, #tpu.memory_space<vmem>> -> memref<1x128xi32, #tpu.memory_space<vmem>>
    %dma_start3A_342 = tpu.memref_squeeze %dma_start3A_341 : memref<1x128xi32, #tpu.memory_space<vmem>> -> memref<128xi32, #tpu.memory_space<vmem>>
    %dma_start3A_343 = arith.constant 0 : i32
    %dma_start3A_344 = arith.constant 0 : i32
    %dma_start3A_345 = tpu.memref_slice %arg14[%dma_start3A_343, %dma_start3A_344] : memref<640x16xf32, #tpu.memory_space<vmem_shared>> -> memref<640x16xf32, #tpu.memory_space<vmem_shared>>
    tpu.enqueue_indirect_dma source(%dma_start3A_339 : memref<128x16xf32, #tpu.memory_space<vmem>>) target(%dma_start3A_345 : memref<640x16xf32, #tpu.memory_space<vmem_shared>>) offsets(%dma_start3A_342 : memref<128xi32, #tpu.memory_space<vmem>>) semaphore(%arg17 : memref<!tpu.dma_semaphore, #tpu.memory_space<semaphore_mem>>) {add = true}
    %dma_start3A_346 = arith.constant 3 : i32
    %dma_start3A_347 = arith.constant 384 : i32
    %dma_start3A_348 = arith.constant 0 : i32
    %dma_start3A_349 = tpu.memref_slice %arg11[%dma_start3A_347, %dma_start3A_348] : memref<640x16xf32, #tpu.memory_space<vmem>> -> memref<128x16xf32, #tpu.memory_space<vmem>>
    %dma_start3A_350 = arith.constant 0 : i32
    %dma_start3A_351 = tpu.memref_slice %arg12[%dma_start3A_346, %dma_start3A_350] : memref<5x128xi32, #tpu.memory_space<vmem>> -> memref<1x128xi32, #tpu.memory_space<vmem>>
    %dma_start3A_352 = tpu.memref_squeeze %dma_start3A_351 : memref<1x128xi32, #tpu.memory_space<vmem>> -> memref<128xi32, #tpu.memory_space<vmem>>
    %dma_start3A_353 = arith.constant 0 : i32
    %dma_start3A_354 = arith.constant 0 : i32
    %dma_start3A_355 = tpu.memref_slice %arg14[%dma_start3A_353, %dma_start3A_354] : memref<640x16xf32, #tpu.memory_space<vmem_shared>> -> memref<640x16xf32, #tpu.memory_space<vmem_shared>>
    tpu.enqueue_indirect_dma source(%dma_start3A_349 : memref<128x16xf32, #tpu.memory_space<vmem>>) target(%dma_start3A_355 : memref<640x16xf32, #tpu.memory_space<vmem_shared>>) offsets(%dma_start3A_352 : memref<128xi32, #tpu.memory_space<vmem>>) semaphore(%arg17 : memref<!tpu.dma_semaphore, #tpu.memory_space<semaphore_mem>>) {add = true}
    %dma_start3A_356 = arith.constant 4 : i32
    %dma_start3A_357 = arith.constant 512 : i32
    %dma_start3A_358 = arith.constant 0 : i32
    %dma_start3A_359 = tpu.memref_slice %arg11[%dma_start3A_357, %dma_start3A_358] : memref<640x16xf32, #tpu.memory_space<vmem>> -> memref<128x16xf32, #tpu.memory_space<vmem>>
    %dma_start3A_360 = arith.constant 0 : i32
    %dma_start3A_361 = tpu.memref_slice %arg12[%dma_start3A_356, %dma_start3A_360] : memref<5x128xi32, #tpu.memory_space<vmem>> -> memref<1x128xi32, #tpu.memory_space<vmem>>
    %dma_start3A_362 = tpu.memref_squeeze %dma_start3A_361 : memref<1x128xi32, #tpu.memory_space<vmem>> -> memref<128xi32, #tpu.memory_space<vmem>>
    %dma_start3A_363 = arith.constant 0 : i32
    %dma_start3A_364 = arith.constant 0 : i32
    %dma_start3A_365 = tpu.memref_slice %arg14[%dma_start3A_363, %dma_start3A_364] : memref<640x16xf32, #tpu.memory_space<vmem_shared>> -> memref<640x16xf32, #tpu.memory_space<vmem_shared>>
    tpu.enqueue_indirect_dma source(%dma_start3A_359 : memref<128x16xf32, #tpu.memory_space<vmem>>) target(%dma_start3A_365 : memref<640x16xf32, #tpu.memory_space<vmem_shared>>) offsets(%dma_start3A_362 : memref<128xi32, #tpu.memory_space<vmem>>) semaphore(%arg17 : memref<!tpu.dma_semaphore, #tpu.memory_space<semaphore_mem>>) {add = true}
    %dma_wait3A = arith.constant 0 : i32
    %dma_wait3A_366 = arith.constant 0 : i32
    %dma_wait3A_367 = arith.constant 0 : i32
    %dma_wait3A_368 = tpu.memref_slice %arg11[%dma_wait3A_366, %dma_wait3A_367] : memref<640x16xf32, #tpu.memory_space<vmem>> -> memref<128x16xf32, #tpu.memory_space<vmem>>
    %dma_wait3A_369 = arith.constant 0 : i32
    %dma_wait3A_370 = tpu.memref_slice %arg12[%dma_wait3A, %dma_wait3A_369] : memref<5x128xi32, #tpu.memory_space<vmem>> -> memref<1x128xi32, #tpu.memory_space<vmem>>
    %dma_wait3A_371 = tpu.memref_squeeze %dma_wait3A_370 : memref<1x128xi32, #tpu.memory_space<vmem>> -> memref<128xi32, #tpu.memory_space<vmem>>
    %dma_wait3A_372 = arith.constant 0 : i32
    %dma_wait3A_373 = arith.constant 0 : i32
    %dma_wait3A_374 = tpu.memref_slice %arg14[%dma_wait3A_372, %dma_wait3A_373] : memref<640x16xf32, #tpu.memory_space<vmem_shared>> -> memref<640x16xf32, #tpu.memory_space<vmem_shared>>
    tpu.wait_indirect_dma semaphore(%arg17 : memref<!tpu.dma_semaphore, #tpu.memory_space<semaphore_mem>>) src(%dma_wait3A_368 : memref<128x16xf32, #tpu.memory_space<vmem>>) dst(%dma_wait3A_374 : memref<640x16xf32, #tpu.memory_space<vmem_shared>>)
    %dma_wait3A_375 = arith.constant 1 : i32
    %dma_wait3A_376 = arith.constant 128 : i32
    %dma_wait3A_377 = arith.constant 0 : i32
    %dma_wait3A_378 = tpu.memref_slice %arg11[%dma_wait3A_376, %dma_wait3A_377] : memref<640x16xf32, #tpu.memory_space<vmem>> -> memref<128x16xf32, #tpu.memory_space<vmem>>
    %dma_wait3A_379 = arith.constant 0 : i32
    %dma_wait3A_380 = tpu.memref_slice %arg12[%dma_wait3A_375, %dma_wait3A_379] : memref<5x128xi32, #tpu.memory_space<vmem>> -> memref<1x128xi32, #tpu.memory_space<vmem>>
    %dma_wait3A_381 = tpu.memref_squeeze %dma_wait3A_380 : memref<1x128xi32, #tpu.memory_space<vmem>> -> memref<128xi32, #tpu.memory_space<vmem>>
    %dma_wait3A_382 = arith.constant 0 : i32
    %dma_wait3A_383 = arith.constant 0 : i32
    %dma_wait3A_384 = tpu.memref_slice %arg14[%dma_wait3A_382, %dma_wait3A_383] : memref<640x16xf32, #tpu.memory_space<vmem_shared>> -> memref<640x16xf32, #tpu.memory_space<vmem_shared>>
    tpu.wait_indirect_dma semaphore(%arg17 : memref<!tpu.dma_semaphore, #tpu.memory_space<semaphore_mem>>) src(%dma_wait3A_378 : memref<128x16xf32, #tpu.memory_space<vmem>>) dst(%dma_wait3A_384 : memref<640x16xf32, #tpu.memory_space<vmem_shared>>)
    %dma_wait3A_385 = arith.constant 2 : i32
    %dma_wait3A_386 = arith.constant 256 : i32
    %dma_wait3A_387 = arith.constant 0 : i32
    %dma_wait3A_388 = tpu.memref_slice %arg11[%dma_wait3A_386, %dma_wait3A_387] : memref<640x16xf32, #tpu.memory_space<vmem>> -> memref<128x16xf32, #tpu.memory_space<vmem>>
    %dma_wait3A_389 = arith.constant 0 : i32
    %dma_wait3A_390 = tpu.memref_slice %arg12[%dma_wait3A_385, %dma_wait3A_389] : memref<5x128xi32, #tpu.memory_space<vmem>> -> memref<1x128xi32, #tpu.memory_space<vmem>>
    %dma_wait3A_391 = tpu.memref_squeeze %dma_wait3A_390 : memref<1x128xi32, #tpu.memory_space<vmem>> -> memref<128xi32, #tpu.memory_space<vmem>>
    %dma_wait3A_392 = arith.constant 0 : i32
    %dma_wait3A_393 = arith.constant 0 : i32
    %dma_wait3A_394 = tpu.memref_slice %arg14[%dma_wait3A_392, %dma_wait3A_393] : memref<640x16xf32, #tpu.memory_space<vmem_shared>> -> memref<640x16xf32, #tpu.memory_space<vmem_shared>>
    tpu.wait_indirect_dma semaphore(%arg17 : memref<!tpu.dma_semaphore, #tpu.memory_space<semaphore_mem>>) src(%dma_wait3A_388 : memref<128x16xf32, #tpu.memory_space<vmem>>) dst(%dma_wait3A_394 : memref<640x16xf32, #tpu.memory_space<vmem_shared>>)
    %dma_wait3A_395 = arith.constant 3 : i32
    %dma_wait3A_396 = arith.constant 384 : i32
    %dma_wait3A_397 = arith.constant 0 : i32
    %dma_wait3A_398 = tpu.memref_slice %arg11[%dma_wait3A_396, %dma_wait3A_397] : memref<640x16xf32, #tpu.memory_space<vmem>> -> memref<128x16xf32, #tpu.memory_space<vmem>>
    %dma_wait3A_399 = arith.constant 0 : i32
    %dma_wait3A_400 = tpu.memref_slice %arg12[%dma_wait3A_395, %dma_wait3A_399] : memref<5x128xi32, #tpu.memory_space<vmem>> -> memref<1x128xi32, #tpu.memory_space<vmem>>
    %dma_wait3A_401 = tpu.memref_squeeze %dma_wait3A_400 : memref<1x128xi32, #tpu.memory_space<vmem>> -> memref<128xi32, #tpu.memory_space<vmem>>
    %dma_wait3A_402 = arith.constant 0 : i32
    %dma_wait3A_403 = arith.constant 0 : i32
    %dma_wait3A_404 = tpu.memref_slice %arg14[%dma_wait3A_402, %dma_wait3A_403] : memref<640x16xf32, #tpu.memory_space<vmem_shared>> -> memref<640x16xf32, #tpu.memory_space<vmem_shared>>
    tpu.wait_indirect_dma semaphore(%arg17 : memref<!tpu.dma_semaphore, #tpu.memory_space<semaphore_mem>>) src(%dma_wait3A_398 : memref<128x16xf32, #tpu.memory_space<vmem>>) dst(%dma_wait3A_404 : memref<640x16xf32, #tpu.memory_space<vmem_shared>>)
    %dma_wait3A_405 = arith.constant 4 : i32
    %dma_wait3A_406 = arith.constant 512 : i32
    %dma_wait3A_407 = arith.constant 0 : i32
    %dma_wait3A_408 = tpu.memref_slice %arg11[%dma_wait3A_406, %dma_wait3A_407] : memref<640x16xf32, #tpu.memory_space<vmem>> -> memref<128x16xf32, #tpu.memory_space<vmem>>
    %dma_wait3A_409 = arith.constant 0 : i32
    %dma_wait3A_410 = tpu.memref_slice %arg12[%dma_wait3A_405, %dma_wait3A_409] : memref<5x128xi32, #tpu.memory_space<vmem>> -> memref<1x128xi32, #tpu.memory_space<vmem>>
    %dma_wait3A_411 = tpu.memref_squeeze %dma_wait3A_410 : memref<1x128xi32, #tpu.memory_space<vmem>> -> memref<128xi32, #tpu.memory_space<vmem>>
    %dma_wait3A_412 = arith.constant 0 : i32
    %dma_wait3A_413 = arith.constant 0 : i32
    %dma_wait3A_414 = tpu.memref_slice %arg14[%dma_wait3A_412, %dma_wait3A_413] : memref<640x16xf32, #tpu.memory_space<vmem_shared>> -> memref<640x16xf32, #tpu.memory_space<vmem_shared>>
    tpu.wait_indirect_dma semaphore(%arg17 : memref<!tpu.dma_semaphore, #tpu.memory_space<semaphore_mem>>) src(%dma_wait3A_408 : memref<128x16xf32, #tpu.memory_space<vmem>>) dst(%dma_wait3A_414 : memref<640x16xf32, #tpu.memory_space<vmem_shared>>)
    %barrier3A_415 = arith.constant 0 : index
    tpu.barrier barrier_id(%barrier3A_415)
    "tpu.region"() ({
      %run_scoped3A = tpu.sem_alloc : memref<!tpu.dma_semaphore, #tpu.memory_space<semaphore_mem>>
      %dma_start3A_420 = arith.constant 0 : i32
      %dma_start3A_421 = tpu.memref_slice %arg5[%arg0, %mul3A_297, %dma_start3A_420] : memref<2x10240x128xf32, #tpu.memory_space<hbm>> -> memref<1x640x128xf32, #tpu.memory_space<hbm>>
      %dma_start3A_422 = tpu.memref_squeeze %dma_start3A_421 : memref<1x640x128xf32, #tpu.memory_space<hbm>> -> memref<640x128xf32, #tpu.memory_space<hbm>>
      %dma_start3A_423 = arith.constant 0 : i32
      %dma_start3A_424 = tpu.memref_slice %arg13[%mul3A_297, %dma_start3A_423] : memref<10240x128xf32, #tpu.memory_space<vmem_shared>> -> memref<640x128xf32, #tpu.memory_space<vmem_shared>>
      tpu.enqueue_dma source(%dma_start3A_424 : memref<640x128xf32, #tpu.memory_space<vmem_shared>>) target(%dma_start3A_422 : memref<640x128xf32, #tpu.memory_space<hbm>>) target_semaphore(%run_scoped3A : memref<!tpu.dma_semaphore, #tpu.memory_space<semaphore_mem>>)
      %dma_wait3A_425 = arith.constant 0 : i32
      %dma_wait3A_426 = tpu.memref_slice %arg5[%arg0, %mul3A_297, %dma_wait3A_425] : memref<2x10240x128xf32, #tpu.memory_space<hbm>> -> memref<1x640x128xf32, #tpu.memory_space<hbm>>
      %dma_wait3A_427 = tpu.memref_squeeze %dma_wait3A_426 : memref<1x640x128xf32, #tpu.memory_space<hbm>> -> memref<640x128xf32, #tpu.memory_space<hbm>>
      %dma_wait3A_428 = arith.constant 0 : i32
      %dma_wait3A_429 = tpu.memref_slice %arg13[%mul3A_297, %dma_wait3A_428] : memref<10240x128xf32, #tpu.memory_space<vmem_shared>> -> memref<640x128xf32, #tpu.memory_space<vmem_shared>>
      tpu.wait_dma2 semaphore(%run_scoped3A : memref<!tpu.dma_semaphore, #tpu.memory_space<semaphore_mem>>) src(%dma_wait3A_429 : memref<640x128xf32, #tpu.memory_space<vmem_shared>>) dst(%dma_wait3A_427 : memref<640x128xf32, #tpu.memory_space<hbm>>)
      tpu.yield
    }) : () -> ()
    %mul3A_416 = arith.constant 40 : i32
    %mul3A_417 = arith.muli %arg1, %mul3A_416 : i32
    %mul3A_418 = arith.constant 40 : i32
    %mul3A_419 = arith.muli %arg1, %mul3A_418 : i32
    "tpu.region"() ({
      %run_scoped3A = tpu.sem_alloc : memref<!tpu.dma_semaphore, #tpu.memory_space<semaphore_mem>>
      %dma_start3A_420 = arith.constant 0 : i32
      %dma_start3A_421 = tpu.memref_slice %arg6[%arg0, %mul3A_419, %dma_start3A_420] : memref<2x640x16xf32, #tpu.memory_space<hbm>> -> memref<1x40x16xf32, #tpu.memory_space<hbm>>
      %dma_start3A_422 = tpu.memref_squeeze %dma_start3A_421 : memref<1x40x16xf32, #tpu.memory_space<hbm>> -> memref<40x16xf32, #tpu.memory_space<hbm>>
      %dma_start3A_423 = arith.constant 0 : i32
      %dma_start3A_424 = tpu.memref_slice %arg14[%mul3A_417, %dma_start3A_423] : memref<640x16xf32, #tpu.memory_space<vmem_shared>> -> memref<40x16xf32, #tpu.memory_space<vmem_shared>>
      tpu.enqueue_dma source(%dma_start3A_424 : memref<40x16xf32, #tpu.memory_space<vmem_shared>>) target(%dma_start3A_422 : memref<40x16xf32, #tpu.memory_space<hbm>>) target_semaphore(%run_scoped3A : memref<!tpu.dma_semaphore, #tpu.memory_space<semaphore_mem>>)
      %dma_wait3A_425 = arith.constant 0 : i32
      %dma_wait3A_426 = tpu.memref_slice %arg6[%arg0, %mul3A_419, %dma_wait3A_425] : memref<2x640x16xf32, #tpu.memory_space<hbm>> -> memref<1x40x16xf32, #tpu.memory_space<hbm>>
      %dma_wait3A_427 = tpu.memref_squeeze %dma_wait3A_426 : memref<1x40x16xf32, #tpu.memory_space<hbm>> -> memref<40x16xf32, #tpu.memory_space<hbm>>
      %dma_wait3A_428 = arith.constant 0 : i32
      %dma_wait3A_429 = tpu.memref_slice %arg14[%mul3A_417, %dma_wait3A_428] : memref<640x16xf32, #tpu.memory_space<vmem_shared>> -> memref<40x16xf32, #tpu.memory_space<vmem_shared>>
      tpu.wait_dma2 semaphore(%run_scoped3A : memref<!tpu.dma_semaphore, #tpu.memory_space<semaphore_mem>>) src(%dma_wait3A_429 : memref<40x16xf32, #tpu.memory_space<vmem_shared>>) dst(%dma_wait3A_427 : memref<40x16xf32, #tpu.memory_space<hbm>>)
      tpu.yield
    }) : () -> ()
    return
  }
}

module attributes {stable_mosaic.version = 14 : i64} {
  func.func @_prep(%arg0: i32, %arg1: memref<1000x128xf32, #tpu.memory_space<vmem>>, %arg2: memref<5x128xf32, #tpu.memory_space<vmem>>, %arg3: memref<8x4096xi32, #tpu.memory_space<vmem>>, %arg4: memref<8x4096xi32, #tpu.memory_space<vmem>>, %arg5: memref<5x1000x128xf32, #tpu.memory_space<vmem>>, %arg6: memref<8x4096xi32, #tpu.memory_space<vmem>>) attributes {dimension_semantics = [#tpu.dimension_semantics<arbitrary>], iteration_bounds = array<i64: 10>, scalar_prefetch = 0 : i64, scratch_operands = 0 : i64, tpu.core_type = #tpu.core_type<tc>, window_params = [{transform_indices = @transform_0, window_bounds = array<i64: 1000, 128>}, {pipeline_mode = #tpu.pipeline_mode<synchronous>, transform_indices = @transform_1, window_bounds = array<i64: 5, 128>}, {transform_indices = @transform_2, window_bounds = array<i64: 8, 4096>}, {transform_indices = @transform_3, window_bounds = array<i64: 8, 4096>}, {transform_indices = @transform_4, window_bounds = array<i64: 5, 1000, 128>}, {transform_indices = @transform_5, window_bounds = array<i64: 8, 4096>}]} {
    %get3A = arith.constant 0 : index
    %get3A_0 = arith.constant 0 : index
    %get3A_1 = vector.load %arg1[%get3A, %get3A_0] : memref<1000x128xf32, #tpu.memory_space<vmem>>, vector<1000x128xf32>
    %get3A_2 = arith.constant 0 : index
    %get3A_3 = arith.constant 0 : index
    %get3A_4 = vector.load %arg2[%get3A_2, %get3A_3] : memref<5x128xf32, #tpu.memory_space<vmem>>, vector<1x128xf32>
    %get3A_5 = vector.shape_cast %get3A_4 : vector<1x128xf32> to vector<128xf32>
    %broadcast_in_dim3A = vector.shape_cast %get3A_5 : vector<128xf32> to vector<1x128xf32>
    %add3A = vector.broadcast %broadcast_in_dim3A : vector<1x128xf32> to vector<1000x128xf32>
    %add3A_6 = arith.addf %get3A_1, %add3A : vector<1000x128xf32>
    %max3A = arith.constant 0.000000e+00 : f32
    %max3A_7 = vector.broadcast %max3A : f32 to vector<1000x128xf32>
    %max3A_8 = arith.maximumf %add3A_6, %max3A_7 : vector<1000x128xf32>
    %swap3A = arith.constant 0 : index
    %swap3A_9 = arith.constant 0 : index
    %swap3A_10 = arith.constant 0 : index
    %swap3A_11 = vector.load %arg5[%swap3A, %swap3A_9, %swap3A_10] : memref<5x1000x128xf32, #tpu.memory_space<vmem>>, vector<1x1000x128xf32>
    %swap3A_12 = vector.shape_cast %swap3A_11 : vector<1x1000x128xf32> to vector<1000x128xf32>
    %swap3A_13 = vector.shape_cast %max3A_8 : vector<1000x128xf32> to vector<1x1000x128xf32>
    tpu.vector_store %arg5[%swap3A, %swap3A_9, %swap3A_10], %swap3A_13 {strides = array<i32>} : memref<5x1000x128xf32, #tpu.memory_space<vmem>>, vector<1x1000x128xf32>,
    %get3A_14 = arith.constant 1 : index
    %get3A_15 = arith.constant 0 : index
    %get3A_16 = vector.load %arg2[%get3A_14, %get3A_15] : memref<5x128xf32, #tpu.memory_space<vmem>>, vector<1x128xf32>
    %get3A_17 = vector.shape_cast %get3A_16 : vector<1x128xf32> to vector<128xf32>
    %broadcast_in_dim3A_18 = vector.shape_cast %get3A_17 : vector<128xf32> to vector<1x128xf32>
    %add3A_19 = vector.broadcast %broadcast_in_dim3A_18 : vector<1x128xf32> to vector<1000x128xf32>
    %add3A_20 = arith.addf %get3A_1, %add3A_19 : vector<1000x128xf32>
    %max3A_21 = arith.constant 0.000000e+00 : f32
    %max3A_22 = vector.broadcast %max3A_21 : f32 to vector<1000x128xf32>
    %max3A_23 = arith.maximumf %add3A_20, %max3A_22 : vector<1000x128xf32>
    %swap3A_24 = arith.constant 1 : index
    %swap3A_25 = arith.constant 0 : index
    %swap3A_26 = arith.constant 0 : index
    %swap3A_27 = vector.load %arg5[%swap3A_24, %swap3A_25, %swap3A_26] : memref<5x1000x128xf32, #tpu.memory_space<vmem>>, vector<1x1000x128xf32>
    %swap3A_28 = vector.shape_cast %swap3A_27 : vector<1x1000x128xf32> to vector<1000x128xf32>
    %swap3A_29 = vector.shape_cast %max3A_23 : vector<1000x128xf32> to vector<1x1000x128xf32>
    tpu.vector_store %arg5[%swap3A_24, %swap3A_25, %swap3A_26], %swap3A_29 {strides = array<i32>} : memref<5x1000x128xf32, #tpu.memory_space<vmem>>, vector<1x1000x128xf32>,
    %get3A_30 = arith.constant 2 : index
    %get3A_31 = arith.constant 0 : index
    %get3A_32 = vector.load %arg2[%get3A_30, %get3A_31] : memref<5x128xf32, #tpu.memory_space<vmem>>, vector<1x128xf32>
    %get3A_33 = vector.shape_cast %get3A_32 : vector<1x128xf32> to vector<128xf32>
    %broadcast_in_dim3A_34 = vector.shape_cast %get3A_33 : vector<128xf32> to vector<1x128xf32>
    %add3A_35 = vector.broadcast %broadcast_in_dim3A_34 : vector<1x128xf32> to vector<1000x128xf32>
    %add3A_36 = arith.addf %get3A_1, %add3A_35 : vector<1000x128xf32>
    %max3A_37 = arith.constant 0.000000e+00 : f32
    %max3A_38 = vector.broadcast %max3A_37 : f32 to vector<1000x128xf32>
    %max3A_39 = arith.maximumf %add3A_36, %max3A_38 : vector<1000x128xf32>
    %swap3A_40 = arith.constant 2 : index
    %swap3A_41 = arith.constant 0 : index
    %swap3A_42 = arith.constant 0 : index
    %swap3A_43 = vector.load %arg5[%swap3A_40, %swap3A_41, %swap3A_42] : memref<5x1000x128xf32, #tpu.memory_space<vmem>>, vector<1x1000x128xf32>
    %swap3A_44 = vector.shape_cast %swap3A_43 : vector<1x1000x128xf32> to vector<1000x128xf32>
    %swap3A_45 = vector.shape_cast %max3A_39 : vector<1000x128xf32> to vector<1x1000x128xf32>
    tpu.vector_store %arg5[%swap3A_40, %swap3A_41, %swap3A_42], %swap3A_45 {strides = array<i32>} : memref<5x1000x128xf32, #tpu.memory_space<vmem>>, vector<1x1000x128xf32>,
    %get3A_46 = arith.constant 3 : index
    %get3A_47 = arith.constant 0 : index
    %get3A_48 = vector.load %arg2[%get3A_46, %get3A_47] : memref<5x128xf32, #tpu.memory_space<vmem>>, vector<1x128xf32>
    %get3A_49 = vector.shape_cast %get3A_48 : vector<1x128xf32> to vector<128xf32>
    %broadcast_in_dim3A_50 = vector.shape_cast %get3A_49 : vector<128xf32> to vector<1x128xf32>
    %add3A_51 = vector.broadcast %broadcast_in_dim3A_50 : vector<1x128xf32> to vector<1000x128xf32>
    %add3A_52 = arith.addf %get3A_1, %add3A_51 : vector<1000x128xf32>
    %max3A_53 = arith.constant 0.000000e+00 : f32
    %max3A_54 = vector.broadcast %max3A_53 : f32 to vector<1000x128xf32>
    %max3A_55 = arith.maximumf %add3A_52, %max3A_54 : vector<1000x128xf32>
    %swap3A_56 = arith.constant 3 : index
    %swap3A_57 = arith.constant 0 : index
    %swap3A_58 = arith.constant 0 : index
    %swap3A_59 = vector.load %arg5[%swap3A_56, %swap3A_57, %swap3A_58] : memref<5x1000x128xf32, #tpu.memory_space<vmem>>, vector<1x1000x128xf32>
    %swap3A_60 = vector.shape_cast %swap3A_59 : vector<1x1000x128xf32> to vector<1000x128xf32>
    %swap3A_61 = vector.shape_cast %max3A_55 : vector<1000x128xf32> to vector<1x1000x128xf32>
    tpu.vector_store %arg5[%swap3A_56, %swap3A_57, %swap3A_58], %swap3A_61 {strides = array<i32>} : memref<5x1000x128xf32, #tpu.memory_space<vmem>>, vector<1x1000x128xf32>,
    %get3A_62 = arith.constant 4 : index
    %get3A_63 = arith.constant 0 : index
    %get3A_64 = vector.load %arg2[%get3A_62, %get3A_63] : memref<5x128xf32, #tpu.memory_space<vmem>>, vector<1x128xf32>
    %get3A_65 = vector.shape_cast %get3A_64 : vector<1x128xf32> to vector<128xf32>
    %broadcast_in_dim3A_66 = vector.shape_cast %get3A_65 : vector<128xf32> to vector<1x128xf32>
    %add3A_67 = vector.broadcast %broadcast_in_dim3A_66 : vector<1x128xf32> to vector<1000x128xf32>
    %add3A_68 = arith.addf %get3A_1, %add3A_67 : vector<1000x128xf32>
    %max3A_69 = arith.constant 0.000000e+00 : f32
    %max3A_70 = vector.broadcast %max3A_69 : f32 to vector<1000x128xf32>
    %max3A_71 = arith.maximumf %add3A_68, %max3A_70 : vector<1000x128xf32>
    %swap3A_72 = arith.constant 4 : index
    %swap3A_73 = arith.constant 0 : index
    %swap3A_74 = arith.constant 0 : index
    %swap3A_75 = vector.load %arg5[%swap3A_72, %swap3A_73, %swap3A_74] : memref<5x1000x128xf32, #tpu.memory_space<vmem>>, vector<1x1000x128xf32>
    %swap3A_76 = vector.shape_cast %swap3A_75 : vector<1x1000x128xf32> to vector<1000x128xf32>
    %swap3A_77 = vector.shape_cast %max3A_71 : vector<1000x128xf32> to vector<1x1000x128xf32>
    tpu.vector_store %arg5[%swap3A_72, %swap3A_73, %swap3A_74], %swap3A_77 {strides = array<i32>} : memref<5x1000x128xf32, #tpu.memory_space<vmem>>, vector<1x1000x128xf32>,
    %get3A_78 = arith.constant 0 : index
    %get3A_79 = arith.constant 0 : index
    %get3A_80 = vector.load %arg4[%get3A_78, %get3A_79] : memref<8x4096xi32, #tpu.memory_space<vmem>>, vector<8x4096xi32>
    %mul3A = arith.constant 10000 : i32
    %mul3A_81 = vector.broadcast %mul3A : i32 to vector<8x4096xi32>
    %mul3A_82 = arith.muli %get3A_80, %mul3A_81 : vector<8x4096xi32>
    %get3A_83 = arith.constant 0 : index
    %get3A_84 = arith.constant 0 : index
    %get3A_85 = vector.load %arg3[%get3A_83, %get3A_84] : memref<8x4096xi32, #tpu.memory_space<vmem>>, vector<8x4096xi32>
    %add3A_86 = arith.addi %mul3A_82, %get3A_85 : vector<8x4096xi32>
    %swap3A_87 = arith.constant 0 : index
    %swap3A_88 = arith.constant 0 : index
    %swap3A_89 = vector.load %arg6[%swap3A_87, %swap3A_88] : memref<8x4096xi32, #tpu.memory_space<vmem>>, vector<8x4096xi32>
    tpu.vector_store %arg6[%swap3A_87, %swap3A_88], %add3A_86 {strides = array<i32>} : memref<8x4096xi32, #tpu.memory_space<vmem>>, vector<8x4096xi32>,
    return
  }
  func.func @transform_0(%arg0: i32) -> (i32, i32) {
    %c0_i32 = arith.constant 0 : i32
    %c0_i32_0 = arith.constant 0 : i32
    return %arg0, %c0_i32 : i32, i32
  }
  func.func @transform_1(%arg0: i32) -> (i32, i32) {
    %c0_i32 = arith.constant 0 : i32
    %c0_i32_0 = arith.constant 0 : i32
    %c0_i32_1 = arith.constant 0 : i32
    return %c0_i32, %c0_i32_0 : i32, i32
  }
  func.func @transform_2(%arg0: i32) -> (i32, i32) {
    %c0_i32 = arith.constant 0 : i32
    %c0_i32_0 = arith.constant 0 : i32
    return %arg0, %c0_i32 : i32, i32
  }
  func.func @transform_3(%arg0: i32) -> (i32, i32) {
    %c0_i32 = arith.constant 0 : i32
    %c0_i32_0 = arith.constant 0 : i32
    return %arg0, %c0_i32 : i32, i32
  }
  func.func @transform_4(%arg0: i32) -> (i32, i32, i32) {
    %c0_i32 = arith.constant 0 : i32
    %c0_i32_0 = arith.constant 0 : i32
    %c0_i32_1 = arith.constant 0 : i32
    return %c0_i32, %arg0, %c0_i32_0 : i32, i32, i32
  }
  func.func @transform_5(%arg0: i32) -> (i32, i32) {
    %c0_i32 = arith.constant 0 : i32
    %c0_i32_0 = arith.constant 0 : i32
    return %arg0, %c0_i32 : i32, i32
  }
}

module attributes {stable_mosaic.version = 14 : i64} {
  func.func @_finish(%arg0: i32, %arg1: memref<2x1280x128xf32, #tpu.memory_space<vmem>>, %arg2: memref<2x1280x1xf32, #tpu.memory_space<vmem>>, %arg3: memref<128x128xf32, #tpu.memory_space<vmem>>, %arg4: memref<1x128xf32, #tpu.memory_space<vmem>>, %arg5: memref<1280x128xf32, #tpu.memory_space<vmem>>) attributes {dimension_semantics = [#tpu.dimension_semantics<arbitrary>], iteration_bounds = array<i64: 8>, scalar_prefetch = 0 : i64, scratch_operands = 0 : i64, tpu.core_type = #tpu.core_type<tc>, window_params = [{transform_indices = @transform_0, window_bounds = array<i64: 2, 1280, 128>}, {transform_indices = @transform_1, window_bounds = array<i64: 2, 1280, 1>}, {pipeline_mode = #tpu.pipeline_mode<synchronous>, transform_indices = @transform_2, window_bounds = array<i64: 128, 128>}, {pipeline_mode = #tpu.pipeline_mode<synchronous>, transform_indices = @transform_3, window_bounds = array<i64: 1, 128>}, {transform_indices = @transform_4, window_bounds = array<i64: 1280, 128>}]} {
    %get3A = arith.constant 0 : index
    %get3A_0 = arith.constant 0 : index
    %get3A_1 = arith.constant 0 : index
    %get3A_2 = vector.load %arg1[%get3A, %get3A_0, %get3A_1] : memref<2x1280x128xf32, #tpu.memory_space<vmem>>, vector<1x1280x128xf32>
    %get3A_3 = vector.shape_cast %get3A_2 : vector<1x1280x128xf32> to vector<1280x128xf32>
    %get3A_4 = arith.constant 1 : index
    %get3A_5 = arith.constant 0 : index
    %get3A_6 = arith.constant 0 : index
    %get3A_7 = vector.load %arg1[%get3A_4, %get3A_5, %get3A_6] : memref<2x1280x128xf32, #tpu.memory_space<vmem>>, vector<1x1280x128xf32>
    %get3A_8 = vector.shape_cast %get3A_7 : vector<1x1280x128xf32> to vector<1280x128xf32>
    %add3A = arith.addf %get3A_3, %get3A_8 : vector<1280x128xf32>
    %get3A_9 = arith.constant 0 : index
    %get3A_10 = arith.constant 0 : index
    %get3A_11 = arith.constant 0 : index
    %get3A_12 = vector.load %arg2[%get3A_9, %get3A_10, %get3A_11] : memref<2x1280x1xf32, #tpu.memory_space<vmem>>, vector<1x1280x1xf32>
    %get3A_13 = vector.shape_cast %get3A_12 : vector<1x1280x1xf32> to vector<1280x1xf32>
    %get3A_14 = arith.constant 1 : index
    %get3A_15 = arith.constant 0 : index
    %get3A_16 = arith.constant 0 : index
    %get3A_17 = vector.load %arg2[%get3A_14, %get3A_15, %get3A_16] : memref<2x1280x1xf32, #tpu.memory_space<vmem>>, vector<1x1280x1xf32>
    %get3A_18 = vector.shape_cast %get3A_17 : vector<1x1280x1xf32> to vector<1280x1xf32>
    %add3A_19 = arith.addf %get3A_13, %get3A_18 : vector<1280x1xf32>
    %max3A = arith.constant 1.000000e+00 : f32
    %max3A_20 = vector.broadcast %max3A : f32 to vector<1280x1xf32>
    %max3A_21 = arith.maximumf %add3A_19, %max3A_20 : vector<1280x1xf32>
    %div3A = vector.broadcast %max3A_21 : vector<1280x1xf32> to vector<1280x128xf32>
    %div3A_22 = arith.divf %add3A, %div3A : vector<1280x128xf32>
    %get3A_23 = arith.constant 0 : index
    %get3A_24 = arith.constant 0 : index
    %get3A_25 = vector.load %arg3[%get3A_23, %get3A_24] : memref<128x128xf32, #tpu.memory_space<vmem>>, vector<128x128xf32>
    %dot_general3A = arith.constant dense<0.000000e+00> : vector<1280x128xf32>
    %dot_general3A_26 = tpu.matmul %div3A_22, %get3A_25, %dot_general3A {dimension_numbers = #tpu.dot_dimension_numbers<[1], [1], [0], [0], [0, 0, 1, 0], [], []>, transpose_lhs_hint = false} : vector<1280x128xf32>, vector<128x128xf32>, vector<1280x128xf32> -> vector<1280x128xf32>
    %get3A_27 = arith.constant 0 : index
    %get3A_28 = arith.constant 0 : index
    %get3A_29 = vector.load %arg4[%get3A_27, %get3A_28] : memref<1x128xf32, #tpu.memory_space<vmem>>, vector<1x128xf32>
    %add3A_30 = vector.broadcast %get3A_29 : vector<1x128xf32> to vector<1280x128xf32>
    %add3A_31 = arith.addf %dot_general3A_26, %add3A_30 : vector<1280x128xf32>
    %swap3A = arith.constant 0 : index
    %swap3A_32 = arith.constant 0 : index
    %swap3A_33 = vector.load %arg5[%swap3A, %swap3A_32] : memref<1280x128xf32, #tpu.memory_space<vmem>>, vector<1280x128xf32>
    tpu.vector_store %arg5[%swap3A, %swap3A_32], %add3A_31 {strides = array<i32>} : memref<1280x128xf32, #tpu.memory_space<vmem>>, vector<1280x128xf32>,
    return
  }
  func.func @transform_0(%arg0: i32) -> (i32, i32, i32) {
    %c0_i32 = arith.constant 0 : i32
    %c0_i32_0 = arith.constant 0 : i32
    %c0_i32_1 = arith.constant 0 : i32
    return %c0_i32, %arg0, %c0_i32_0 : i32, i32, i32
  }
  func.func @transform_1(%arg0: i32) -> (i32, i32, i32) {
    %c0_i32 = arith.constant 0 : i32
    %c0_i32_0 = arith.constant 0 : i32
    %c0_i32_1 = arith.constant 0 : i32
    return %c0_i32, %arg0, %c0_i32_0 : i32, i32, i32
  }
  func.func @transform_2(%arg0: i32) -> (i32, i32) {
    %c0_i32 = arith.constant 0 : i32
    %c0_i32_0 = arith.constant 0 : i32
    %c0_i32_1 = arith.constant 0 : i32
    return %c0_i32, %c0_i32_0 : i32, i32
  }
  func.func @transform_3(%arg0: i32) -> (i32, i32) {
    %c0_i32 = arith.constant 0 : i32
    %c0_i32_0 = arith.constant 0 : i32
    %c0_i32_1 = arith.constant 0 : i32
    return %c0_i32, %c0_i32_0 : i32, i32
  }
  func.func @transform_4(%arg0: i32) -> (i32, i32) {
    %c0_i32 = arith.constant 0 : i32
    %c0_i32_0 = arith.constant 0 : i32
    return %arg0, %c0_i32 : i32, i32
  }
}

</mosaic_0001>

<sc_bundles>
// kernel: kernel.5.cloned.1.call-start
scs
__scs_entry_jumppad:
0x0: {  	(pc) =	sbr.rel $0x88, $3  }
0x1: {  	(tag) =	ssettag $0x0;
	lr =	simm.s32 $0x1  }
0x2: {  	[smem:$0x3F9B] =	sst lr;
	_ =	strace $0xD0000000  }
0x3: {  	_ = 	snop  }
0x4: {  	_ = 	snop  }
0x5: {  	_ = 	snop  }
0x6: {  	_ = 	snop  }
0x7: {  	_ = 	snop  }
__scs_overlays_trampoline_lowered:
0x8: {  	[smem:$0x3FAA] =	sst s0  }
0x9: {  	[smem:$0x3FAB] =	sst s1  }
0xa: {  	[smem:$0x3FAC] =	sst s2  }
0xb: {  	[smem:$0x3FAD] =	sst s3  }
0xc: {  	[smem:$0x3FAE] =	sst s4  }
0xd: {  	[smem:$0x3FAF] =	sst s5  }
0xe: {  	[smem:$0x3FB0] =	sst s6  }
0xf: {  	[smem:$0x3FB1] =	sst s7  }
0x10: {  	[smem:$0x3FB2] =	sst s8  }
0x11: {  	[smem:$0x3FB3] =	sst s9;
	s0 =	simm.s32 @!p0 $0x0  }
0x12: {  	s1 =	sld [smem:$0x3F99];
	s0 =	simm.s32 @p0 $0x1  }
0x13: {  	[smem:$0x3FB4] =	sst s0;
	s0 =	simm.s32 @!p1 $0x0  }
0x14: {  	s2 =	sld [smem:$0x3F98];
	s0 =	simm.s32 @p1 $0x1  }
0x15: {  	[smem:$0x3FB5] =	sst s0;
	s0 =	simm.s32 @!p2 $0x0  }
0x16: {  	s3 =	sld [smem:$0x3FDB];
	s0 =	simm.s32 @p2 $0x1  }
0x17: {  	s4 =	simm.s32 $0x1BF5;
	[smem:$0x3FB7] =	sst s0  }
0x18: {  	s0 =	sld [smem:$0x3F9A];
	_ =	swait.ge [sflag:s4], $0x0  }
0x19: {  	s7 =	sld [smem:$0x3F9B]  }
0x1a: {  	s8 =	sadd.s32 $0xFFFFE003, lr  }
0x1b: {  	s9 =	sadd.s32 $0xFFFFFEF7, lr;
	s5 =	simm.s32 $0xFFFFFFFF;
	p2 =	slt.u32 s8, $0xFFFFF086  }
0x1c: {  	p1 =	slt.u32 s9, $0xF7A;
	s5 =	simm.s32 @!p2 $0x0  }
0x1d: {  	s5 =	simm.s32 @p1 $0x1;
	p0 =	seq.s32 s7, s2  }
0x1e: {  	s7 =	smul.u32 @!p0 $0xF7A, s2;
	p2 =	seq.s32 @!p0 s5, $0x0  }
0x1f: {  	s9 =	smul.u32 $0xF7A, s1;
	s8 =	simm.s32 @!p0 $0x1BF5;
	p2 =	por !p2, p0  }
0x20: {  	[sflag:s8] =	ssyncset.s32 @!p0 $0xFFFFF086;
	s6 =	sadd.s32 @!p0 s3, s7;
	s7 =	simm.s32 @!p0 $0x108  }
0x21: {  	s3 =	sadd.s32 s3, s9;
	s6 =	sadd.s32 @!p0 $0x88, s6;
	s7 =	simm.s32 @p2 $0x1082  }
0x22: {  	[simem:s7], [sflag:s8] =	dma.local @!p0 [hbm:s6], $0xF7A  }
0x23: {  	s9 =	sor.u32 $0xD0000000, s2;
	s6 =	simm.s32 $0x108;
	_ =	swait.ge @!p0 [sflag:s8], $0x0  }
0x24: {  	s3 =	sadd.s32 $0x88, s3;
	s6 =	simm.s32 @!p1 $0x1082;
	[sflag:s4] =	ssyncset.s32 $0xFFFFF086  }
0x25: {  	[simem:s6], [sflag:s4] =	dma.local [hbm:s3], $0xF7A  }
0x26: {  	[smem:$0x3F9B] =	sst s1;
	(tag) =	ssettag s2;
	_ =	strace s9  }
0x27: {  	s1 =	sld [smem:$0x3FAB]  }
0x28: {  	s2 =	sld [smem:$0x3FAC]  }
0x29: {  	s4 =	sld [smem:$0x3FAE]  }
0x2a: {  	p0 =	seq.s32 s5, $0x0;
	s5 =	sld [smem:$0x3FAF]  }
0x2b: {  	s6 =	sld [smem:$0x3FB0]  }
0x2c: {  	s7 =	sld [smem:$0x3FB1]  }
0x2d: {  	s3 =	simm.s32 $0x108;
	s8 =	sld [smem:$0x3FB2]  }
0x2e: {  	s3 =	simm.s32 @!p0 $0x1082;
	s9 =	sld [smem:$0x3FB3]  }
0x2f: {  	lr =	sadd.s32 s0, s3;
	s0 =	sld [smem:$0x3FAA]  }
0x30: {  	s3 =	sld [smem:$0x3FAD]  }
0x31: {  	[smem:$0x3FB6] =	sst s10  }
0x32: {  	s10 =	sld [smem:$0x3FB4];
	_ =	sdelay $0x3  }
0x33: {  	p0 =	seq.s32 s10, $0x1;
	s10 =	sld [smem:$0x3FB6];
	_ =	sdelay $0x3  }
0x34: {  	[smem:$0x3FB6] =	sst s10  }
0x35: {  	s10 =	sld [smem:$0x3FB5];
	_ =	sdelay $0x3  }
0x36: {  	p1 =	seq.s32 s10, $0x1;
	s10 =	sld [smem:$0x3FB6];
	_ =	sdelay $0x3  }
0x37: {  	[smem:$0x3FB6] =	sst s10  }
0x38: {  	s10 =	sld [smem:$0x3FB7]  }
0x39: {  	_ = 	snop;
	(pc) =	sbr.ind lr, $3  }
0x3a: {  	_ = 	snop  }
0x3b: {  	_ = 	snop  }
0x3c: {  	p2 =	seq.s32 s10, $0x1;
	s10 =	sld [smem:$0x3FB6]  }
0x3d: {  	_ =	shalt  }
0x3e: {  	_ =	shalt  }
0x3f: {  	_ =	shalt  }
0x40: {  	_ =	shalt  }
0x41: {  	_ =	shalt  }
0x42: {  	_ =	shalt  }
0x43: {  	_ =	shalt  }
0x44: {  	_ =	shalt  }
0x45: {  	_ =	shalt  }
0x46: {  	_ =	shalt  }
0x47: {  	_ =	shalt  }
0x48: {  	_ =	shalt  }
0x49: {  	_ =	shalt  }
0x4a: {  	_ =	shalt  }
0x4b: {  	_ =	shalt  }
0x4c: {  	_ =	shalt  }
0x4d: {  	_ =	shalt  }
0x4e: {  	_ =	shalt  }
0x4f: {  	_ =	shalt  }
0x50: {  	_ =	shalt  }
0x51: {  	_ =	shalt  }
0x52: {  	_ =	shalt  }
0x53: {  	_ =	shalt  }
0x54: {  	_ =	shalt  }
0x55: {  	_ =	shalt  }
0x56: {  	_ =	shalt  }
0x57: {  	_ =	shalt  }
0x58: {  	_ =	shalt  }
0x59: {  	_ =	shalt  }
0x5a: {  	_ =	shalt  }
0x5b: {  	_ =	shalt  }
0x5c: {  	_ =	shalt  }
0x5d: {  	_ =	shalt  }
0x5e: {  	_ =	shalt  }
0x5f: {  	_ =	shalt  }
0x60: {  	_ =	shalt  }
0x61: {  	_ =	shalt  }
0x62: {  	_ =	shalt  }
0x63: {  	_ =	shalt  }
0x64: {  	_ =	shalt  }
0x65: {  	_ =	shalt  }
0x66: {  	_ =	shalt  }
0x67: {  	_ =	shalt  }
0x68: {  	_ =	shalt  }
0x69: {  	_ =	shalt  }
0x6a: {  	_ =	shalt  }
0x6b: {  	_ =	shalt  }
0x6c: {  	_ =	shalt  }
0x6d: {  	_ =	shalt  }
0x6e: {  	_ =	shalt  }
0x6f: {  	_ =	shalt  }
0x70: {  	_ =	shalt  }
0x71: {  	_ =	shalt  }
0x72: {  	_ =	shalt  }
0x73: {  	_ =	shalt  }
0x74: {  	_ =	shalt  }
0x75: {  	_ =	shalt  }
0x76: {  	_ =	shalt  }
0x77: {  	_ =	shalt  }
0x78: {  	_ =	shalt  }
0x79: {  	_ =	shalt  }
0x7a: {  	_ =	shalt  }
0x7b: {  	_ =	shalt  }
0x7c: {  	_ =	shalt  }
0x7d: {  	_ =	shalt  }
0x7e: {  	_ =	shalt  }
0x7f: {  	_ =	shalt  }
0x80: {  	_ =	shalt  }
0x81: {  	_ =	shalt  }
0x82: {  	_ =	shalt  }
0x83: {  	_ =	shalt  }
0x84: {  	_ =	shalt  }
0x85: {  	_ =	shalt  }
0x86: {  	_ =	shalt  }
0x87: {  	_ =	shalt  }
.Lfunc_end0:
.L_simem_size_0:
called_computation_lowered:
.L_overlay_start_0:
0x88: {  	s2 =	sld [smem:$0x3FD9]  }
0x89: {  	s3 =	sld [smem:$0x3FFE];
	_ =	sdelay $0x1  }
0x8a: {  	s1 =	srdreg.scid  }
0x8b: {  	s0 =	sand.u32 $0x1, s1  }
0x8c: {  	s17 =	sshll.u32 s0, $0xA;
	s2 =	sadd.s32 s3, s2  }
0x8d: {  	s2 =	sadd.s32 s2, s17  }
0x8e: {  	[smem:$0x3FC2] =	sst s2  }
0x8f: {  	_ = 	snop  }
0x90: {  	s2 =	sld [smem:$0x3FD0];
	(tm) =	ssettm $0x1  }
0x91: {  	s18 =	sld [smem:$0x3FFB];
	_ =	sdelay $0x3  }
0x92: {  	_ =	strace s18  }
0x93: {  	s3 =	sld [smem:$0x3FFC];
	_ =	sdelay $0x3  }
0x94: {  	_ =	strace s3  }
0x95: {  	s3 =	sld [smem:$0x3FFD];
	_ =	sdelay $0x3  }
0x96: {  	_ =	strace s3  }
0x97: {  	_ =	strace $0x8FFFFFFF  }
0x98: {  	s19 =	sld [smem:$0x3FDB];
	_ =	sdelay $0x1  }
0x99: {  	s4 =	simm.s32 $_scs_section_size  }
0x9a: {  	s5 =	simm.s32 $_size__tile_overlayer_lowered;
	s6 =	simm.s32 $_tile_overlayer_lowered  }
0x9b: {  	s22 =	simm.s32 $0x1BFF;
	s21 =	sshll.u32 s6, $0x1;
	s3 =	sadd.s32 s4, s19  }
0x9c: {  	s7 =	simm.s32 $0x0;
	s20 =	sshll.u32 s5, $0x1;
	s5 =	sadd.s32 s21, s3  }
0x9d: {  	[timem:s7], [sflag:s22] =	dma.local [hbm:s5], s20  }
0x9e: {  	_ =	swait.ge [sflag:s22], s20  }
0x9f: {  	s4 =	ssub.s32 $0x0, s20;
	[sflag:s22] =	ssyncset.done $0x0  }
0xa0: {  	[sflag:s22] =	ssyncadd.s32 s4;
	_ =	sdelay $0x1  }
0xa1: {  	s23 =	simm.s32 $0x1B8B  }
0xa2: {  	_ =	swait.ge [sflag:s23], $0x1  }
0xa3: {  	[sflag:s23] =	ssyncset.done $0x0  }
0xa4: {  	s25 =	simm.s32 $0x1B8E;
	s24 =	sld [smem:$0x3FFE];
	[sflag:s23] =	ssyncadd.s32 $0xFFFFFFFF  }
0xa5: {  	s26 =	simm.s32 $execute0_lowered;
	[smem:$0x3FD2] =	sst s25  }
0xa6: {  	s5 =	sshll.u32 s26, $0x1;
	_ =	strace $0x80000046;
	[dreg:$0x1] =	wrdreg $0xFFFFFFFF  }
0xa7: {  	s28 =	simm.s32 $_size_execute0_lowered;
	s3 =	sadd.s32 s3, s5;
	[dreg:$0x0] =	wrdreg $0x0  }
0xa8: {  	s5 =	sshll.u32 s28, $0x1;
	[dreg:$0x2] =	wrdreg s3  }
0xa9: {  	[dreg:$0x3] =	wrdreg s5  }
0xaa: {  	[dreg:$0x4] =	wrdreg $0xC0  }
0xab: {  	_ =	task [dreg:s7], $0x5FFFF  }
0xac: {  	[dreg:$0x1] =	wrdreg $0xFFFFFFFF  }
0xad: {  	[dreg:$0x0] =	wrdreg $0x60  }
0xae: {  	[dreg:$0x2] =	wrdreg s24  }
0xaf: {  	[dreg:$0x3] =	wrdreg s2  }
0xb0: {  	[dreg:$0x4] =	wrdreg $0xB2800  }
0xb1: {  	[dreg:$0x5] =	wrdreg $0x1F2800  }
0xb2: {  	[dreg:$0x6] =	wrdreg $0x9  }
0xb3: {  	_ =	task.clear_ibuf [dreg:s7], $0x7FFFF;
	_ =	strace $0x90000046  }
0xb4: {  	s29 =	simm.s32 $0x9;
	_ =	strace $0x80000048  }
0xb5: {  	_ =	swait.ge [sflag:s29], $0x1  }
0xb6: {  	[sflag:s29] =	ssyncadd.s32 $0xFFFFFFFF  }
0xb7: {  	_ =	strace $0x90000048  }
0xb8: {  	_ =	sfence  }
0xb9: {  	s30 =	sld [smem:$0x0];
	_ =	sdelay $0x2  }
0xba: {  	s31 =	sshll.u32 s1, $0xD;
	s1 =	sshrl.u32 s1, $0x2  }
0xbb: {  	s3 =	sand.u32 $0x4000, s31;
	s1 =	sadd.s32 s1, s30  }
0xbc: {  	s0 =	sor.u32 s3, s0;
	s1 =	sshll.u32 s1, $0x11  }
0xbd: {  	s0 =	sor.u32 s1, s0  }
0xbe: {  	s0 =	sadd.s32 $0x8F2B, s0  }
0xbf: {  	[sflag:s0] =	ssyncadd.remote.s32 $0x1  }
0xc0: {  	_ =	sfence.sel $0xFFFF  }
0xc1: {  	[dreg:$0x0] =	wrdreg $0xFFFFFFFF;
	(pc) =	sbr.abs _section_cstart, $3  }
0xc2: {  	[dreg:$0x1] =	wrdreg $0xFFFFFFFF  }
0xc3: {  	_ =	task.clear_ibuf [dreg:s7], $0x2FFFF;
	_ =	strace $0x9FFFFFFF  }
0xc4: {  	(tm) =	ssettm $0x7FFFFFFF  }
0xc5: {  	_ =	shalt  }
tec
execute0_lowered:
.L_overlay_start_1:
0x0: {  	(tag) =	ssettag $0x1  }
0x1: {  	s0 =	rddreg [dreg:$0x0]  }
0x2: {  	s1 =	rddreg [dreg:$0x1];
	s3 =	srdreg.scid  }
0x3: {  	s2 =	rddreg [dreg:$0x2];
	s12 =	stileid.u32  }
0x4: {  	s18 =	rddreg [dreg:$0x3];
	s4 =	simm.s32 $0x0;
	s8 =	smul.u32 $0x5000, s12  }
0x5: {  	s16 =	simm.s32 $0x800;
	s17 =	simm.s32 $0x4;
	s9 =	smul.u32 $0x14000, s12  }
0x6: {  	s28 =	simm.s32 $0x180;
	s29 =	simm.s32 $0x500;
	s11 =	smul.u32 $0x280, s12  }
0x7: {  	s30 =	simm.s32 $0x200;
	s6 =	sand.u32 $0x1, s3;
	s12 =	smul.u32 $0x50000, s12  }
0x8: {  	s31 =	simm.s32 $0x580;
	[smem:$0x7FF] =	sst s4;
	s7 =	smul.u32 $0x2800, s6  }
0x9: {  	s5 =	sadd.s32 $0x1600, s0;
	s10 =	smul.u32 $0x140000, s6;
	s6 =	ssub.s32 $0x2, s6  }
0xa: {  	_ =	strace $0x80000047;
	s12 =	sshrl.u32 s12, $0x2;
	s19 =	sshrl.u32 s6, $0x1  }
0xb: {  	s20 =	sadd.s32 s9, s2;
	s8 =	sadd.s32 s7, s8;
	s10 =	sadd.s32 s9, s10  }
0xc: {  	s7 =	sadd.s32 s11, s7;
	s12 =	sadd.s32 s12, s2;
	s6 =	ssub.s32 s6, s19  }
0xd: {  	v0 =	vlaneseq.u32;
	v1 =	vimm.f32 $0.0e+00;
	v41 =	vimm.f32 $1.000000000e+00;
	[dreg:$0x6] =	wrdreg s20;
	s11 =	sadd.s32 s11, s18;
	s18 =	simm.s32 $0x8800  }
0xe: {  	v2 =	vor.u32 $0x10, v0;
	v3 =	vor.u32 $0x20, v0;
	v4 =	vor.u32 $0x30, v0;
	s19 =	simm.s32 $0x400;
	s20 =	simm.s32 $0x80;
	s9 =	simm.s32 $0x380  }
0xf: {  	v5 =	vor.u32 $0x40, v0;
	v6 =	vor.u32 $0x50, v0;
	v7 =	vor.u32 $0x60, v0;
	s8 =	sshrl.u32 s8, $0x3;
	s10 =	sshrl.u32 s10, $0x3;
	s21 =	sadd.s32 $0x4000, s12  }
0x10: {  	v8 =	vor.u32 $0x70, v0;
	v9 =	vor.u32 $0x80, v0;
	v10 =	vor.u32 $0x90, v0;
	s7 =	sshrl.u32 s7, $0x3;
	s22 =	sadd.s32 $0x8000, s12;
	[dreg:$0x7] =	wrdreg s21  }
0x11: {  	v11 =	vor.u32 $0xA0, v0;
	v12 =	vor.u32 $0xB0, v0;
	v13 =	vor.u32 $0xC0, v0;
	s23 =	sadd.s32 $0xC000, s12;
	s24 =	sadd.s32 $0x10000, s12;
	[dreg:$0x8] =	wrdreg s22  }
0x12: {  	v14 =	vor.u32 $0xD0, v0;
	v15 =	vor.u32 $0xE0, v0;
	v16 =	vor.u32 $0xF0, v0;
	s26 =	smax.u32 s6, $0x1;
	s12 =	simm.s32 $0x780;
	[dreg:$0x9] =	wrdreg s23  }
0x13: {  	v17 =	vor.u32 $0x100, v0;
	v18 =	vor.u32 $0x110, v0;
	v19 =	vor.u32 $0x120, v0;
	s13 =	sadd.s32 s8, s0;
	s10 =	sadd.s32 s10, s0;
	[dreg:$0xa] =	wrdreg s24  }
0x14: {  	v20 =	vor.u32 $0x130, v0;
	v21 =	vor.u32 $0x140, v0;
	v22 =	vor.u32 $0x150, v0;
	s0 =	sadd.s32 s7, s0;
	s1 =	sadd.s32 s8, s1;
	[dreg:$0xd] =	wrdreg s26  }
0x15: {  	v23 =	vor.u32 $0x160, v0;
	v24 =	vor.u32 $0x170, v0;
	v25 =	vor.u32 $0x180, v0;
	s21 =	simm.s32 $0x4800;
	s22 =	simm.s32 $0x1;
	s23 =	simm.s32 $0x3  }
0x16: {  	v26 =	vor.u32 $0x190, v0;
	v27 =	vor.u32 $0x1A0, v0;
	v28 =	vor.u32 $0x1B0, v0;
	s24 =	simm.s32 $0x100;
	s26 =	simm.s32 $0x480;
	s7 =	simm.s32 $0x300  }
0x17: {  	v29 =	vor.u32 $0x1C0, v0;
	v30 =	vor.u32 $0x1D0, v0;
	v31 =	vor.u32 $0x1E0, v0;
	s8 =	simm.s32 $0x680;
	s25 =	sadd.s32 $0xCF600, s10;
	s0 =	sadd.s32 $0xCEC00, s0  }
0x18: {  	v32 =	vor.u32 $0x1F0, v0;
	v33 =	vor.u32 $0x200, v0;
	v34 =	vor.u32 $0x210, v0;
	[dreg:$0x5] =	wrdreg s1;
	s15 =	sadd.s32 $0xC4C00, s13;
	s1 =	simm.s32 $0x280  }
0x19: {  	v35 =	vor.u32 $0x220, v0;
	v36 =	vor.u32 $0x230, v0;
	v37 =	vor.u32 $0x240, v0;
	s10 =	simm.s32 $0x700;
	s13 =	simm.s32 $0x0;
	[dreg:$0xb] =	wrdreg s25  }
0x1a: {  	v38 =	vor.u32 $0x250, v0;
	v39 =	vor.u32 $0x260, v0;
	v40 =	vor.u32 $0x270, v0;
	[dreg:$0xc] =	wrdreg s0;
	s25 =	simm.s32 $0x2;
	s0 =	simm.s32 $0x600  }
.LBB2_1:
0x1b: {  	s14 =	simm.s32 $0x0;
	s6 =	simm.s32 $0x200  }
.LBB2_2:
0x1c: {  	p0 =	sne.s32 s6, $0xFE00;
	[tilespmem:s14+$0x870] =	vst v1  }
0x1d: {  	[tilespmem:s14+$0x800] =	vst v1  }
0x1e: {  	[tilespmem:s14+$0x810] =	vst v1  }
.Ltmp0:
0x1f: {  	[tilespmem:s14+$0x820] =	vst v1;
	(pc) =	sbr.rel @p0 .LBB2_2-.Ltmp0, $4  }
0x20: {  	[tilespmem:s14+$0x830] =	vst v1  }
0x21: {  	[tilespmem:s14+$0x840] =	vst v1  }
0x22: {  	[tilespmem:s14+$0x850] =	vst v1  }
0x23: {  	[tilespmem:s14+$0x860] =	vst v1;
	s14 =	sshra.s32 s6, $0x2;
	s6 =	sadd.s32 $0x200, s6  }
0x24: {  	[tilespmem:s14+$0x870] =	vst v1  }
0x25: {  	[tilespmem:s14+$0x800] =	vst v1  }
0x26: {  	[tilespmem:s14+$0x810] =	vst v1  }
0x27: {  	[tilespmem:s14+$0x820] =	vst v1  }
0x28: {  	[tilespmem:s14+$0x830] =	vst v1  }
0x29: {  	[tilespmem:s14+$0x840] =	vst v1  }
0x2a: {  	[tilespmem:s14+$0x850] =	vst v1  }
0x2b: {  	[tilespmem:s14+$0x860] =	vst v1;
	s14 =	simm.s32 $0x0;
	s6 =	simm.s32 $0x200  }
.LBB2_4:
0x2c: {  	p0 =	sne.s32 s6, $0x9E00;
	[tilespmem:s14+$0x8870] =	vst v1  }
0x2d: {  	[tilespmem:s14+$0x8800] =	vst v1  }
0x2e: {  	[tilespmem:s14+$0x8810] =	vst v1  }
.Ltmp1:
0x2f: {  	[tilespmem:s14+$0x8820] =	vst v1;
	(pc) =	sbr.rel @p0 .LBB2_4-.Ltmp1, $4  }
0x30: {  	[tilespmem:s14+$0x8830] =	vst v1  }
0x31: {  	[tilespmem:s14+$0x8840] =	vst v1  }
0x32: {  	[tilespmem:s14+$0x8850] =	vst v1  }
0x33: {  	[tilespmem:s14+$0x8860] =	vst v1;
	s14 =	sshra.s32 s6, $0x2;
	s6 =	sadd.s32 $0x200, s6  }
0x34: {  	[tilespmem:s14+$0x8870] =	vst v1  }
0x35: {  	[tilespmem:s14+$0x8800] =	vst v1  }
0x36: {  	[tilespmem:s14+$0x8810] =	vst v1  }
0x37: {  	[tilespmem:s14+$0x8820] =	vst v1  }
0x38: {  	[tilespmem:s14+$0x8830] =	vst v1  }
0x39: {  	[tilespmem:s14+$0x8840] =	vst v1  }
0x3a: {  	[tilespmem:s14+$0x8850] =	vst v1  }
0x3b: {  	[tilespmem:s14+$0x8860] =	vst v1  }
0x3c: {  	[tilespmem:$0xB000] =	vst v0  }
0x3d: {  	[tilespmem:$0xB010] =	vst v2  }
0x3e: {  	[tilespmem:$0xB020] =	vst v3  }
0x3f: {  	[tilespmem:$0xB030] =	vst v4  }
0x40: {  	[tilespmem:$0xB040] =	vst v5  }
0x41: {  	[tilespmem:$0xB050] =	vst v6  }
0x42: {  	[tilespmem:$0xB060] =	vst v7  }
0x43: {  	[tilespmem:$0xB070] =	vst v8  }
0x44: {  	[tilespmem:$0xB080] =	vst v9  }
0x45: {  	[tilespmem:$0xB090] =	vst v10  }
0x46: {  	[tilespmem:$0xB0A0] =	vst v11  }
0x47: {  	[tilespmem:$0xB0B0] =	vst v12  }
0x48: {  	[tilespmem:$0xB0C0] =	vst v13  }
0x49: {  	[tilespmem:$0xB0D0] =	vst v14  }
0x4a: {  	[tilespmem:$0xB0E0] =	vst v15  }
0x4b: {  	[tilespmem:$0xB0F0] =	vst v16  }
0x4c: {  	[tilespmem:$0xB100] =	vst v17  }
0x4d: {  	[tilespmem:$0xB110] =	vst v18  }
0x4e: {  	[tilespmem:$0xB120] =	vst v19  }
0x4f: {  	[tilespmem:$0xB130] =	vst v20  }
0x50: {  	[tilespmem:$0xB140] =	vst v21  }
0x51: {  	[tilespmem:$0xB150] =	vst v22  }
0x52: {  	[tilespmem:$0xB160] =	vst v23  }
0x53: {  	[tilespmem:$0xB170] =	vst v24  }
0x54: {  	[tilespmem:$0xB180] =	vst v25  }
0x55: {  	[tilespmem:$0xB190] =	vst v26  }
0x56: {  	[tilespmem:$0xB1A0] =	vst v27  }
0x57: {  	[tilespmem:$0xB1B0] =	vst v28  }
0x58: {  	[tilespmem:$0xB1C0] =	vst v29  }
0x59: {  	[tilespmem:$0xB1D0] =	vst v30  }
0x5a: {  	[tilespmem:$0xB1E0] =	vst v31  }
0x5b: {  	[tilespmem:$0xB1F0] =	vst v32  }
0x5c: {  	[tilespmem:$0xB200] =	vst v33  }
0x5d: {  	[tilespmem:$0xB210] =	vst v34  }
0x5e: {  	[tilespmem:$0xB220] =	vst v35  }
0x5f: {  	[tilespmem:$0xB230] =	vst v36  }
0x60: {  	[tilespmem:$0xB240] =	vst v37  }
0x61: {  	[tilespmem:$0xB250] =	vst v38  }
0x62: {  	[tilespmem:$0xB260] =	vst v39  }
0x63: {  	s6 =	rddreg [dreg:$0x6];
	[tilespmem:$0xB270] =	vst v40  }
0x64: {  	[spmem:s6] =	stream.linear.scatter [tilespmem:s16], [sflag:$0x4], $0x4000, $0x38;
	[tilespmem:$0x1F500] =	vst v63  }
0x65: {  	_ =	swait.ge [sflag:s17], $0x4000  }
0x66: {  	[sflag:s17] =	ssyncset.done $0x0  }
0x67: {  	s3 =	rddreg [dreg:$0x7];
	[sflag:s17] =	ssyncadd.s32 $0xFFFFC000  }
0x68: {  	[spmem:s3] =	stream.linear.scatter [tilespmem:s16], [sflag:$0x4], $0x4000, $0x38;
	[tilespmem:$0x1F500] =	vst v63  }
0x69: {  	_ =	swait.ge [sflag:s17], $0x4000  }
0x6a: {  	[sflag:s17] =	ssyncset.done $0x0  }
0x6b: {  	s14 =	rddreg [dreg:$0x8];
	[sflag:s17] =	ssyncadd.s32 $0xFFFFC000  }
0x6c: {  	[spmem:s14] =	stream.linear.scatter [tilespmem:s16], [sflag:$0x4], $0x4000, $0x38;
	[tilespmem:$0x1F500] =	vst v63  }
0x6d: {  	_ =	swait.ge [sflag:s17], $0x4000  }
0x6e: {  	[sflag:s17] =	ssyncset.done $0x0  }
0x6f: {  	s3 =	rddreg [dreg:$0x9];
	[sflag:s17] =	ssyncadd.s32 $0xFFFFC000  }
0x70: {  	[spmem:s3] =	stream.linear.scatter [tilespmem:s16], [sflag:$0x4], $0x4000, $0x38;
	[tilespmem:$0x1F500] =	vst v63  }
0x71: {  	_ =	swait.ge [sflag:s17], $0x4000  }
0x72: {  	[sflag:s17] =	ssyncset.done $0x0  }
0x73: {  	s14 =	rddreg [dreg:$0xa];
	[sflag:s17] =	ssyncadd.s32 $0xFFFFC000  }
0x74: {  	[spmem:s14] =	stream.linear.scatter [tilespmem:s16], [sflag:$0x4], $0x4000, $0x38;
	[tilespmem:$0x1F500] =	vst v63  }
0x75: {  	_ =	swait.ge [sflag:s17], $0x4000  }
0x76: {  	[sflag:s17] =	ssyncset.done $0x0  }
0x77: {  	[sflag:s17] =	ssyncadd.s32 $0xFFFFC000  }
0x78: {  	[spmem:s11] =	stream.linear.scatter [tilespmem:s18], [sflag:$0x4], $0x280, $0x38;
	[tilespmem:$0x1F500] =	vst v63  }
0x79: {  	_ =	swait.ge [sflag:s17], $0x280  }
0x7a: {  	[sflag:s17] =	ssyncset.done $0x0  }
0x7b: {  	[sflag:s17] =	ssyncadd.s32 $0xFFFFFD80  }
0x7c: {  	s3 =	smov.u32 s11;
	s14 =	simm.s32 $0x0;
	[bflag:$0x0] =	sbarrier.arrive $0xFFFF  }
.LBB2_6:
0x7d: {  	s6 =	sadd.s32 s14, s15  }
0x7e: {  	[tilespmem:s4], [sflag:$0x4] =	stream.linear.gather [hbm4b:s6+s4], $0x400, $0x38;
	[tilespmem:$0x1F500] =	vst v63  }
0x7f: {  	_ =	swait.ge [sflag:s17], $0x400  }
0x80: {  	s11 =	rddreg [dreg:$0x5];
	[sflag:s17] =	ssyncset.done $0x0  }
0x81: {  	[sflag:s17] =	ssyncadd.s32 $0xFFFFFC00;
	s6 =	sadd.s32 s14, s11  }
0x82: {  	[tilespmem:s19], [sflag:$0x4] =	stream.linear.gather [hbm4b:s6+s4], $0x400, $0x38;
	[tilespmem:$0x1F500] =	vst v63  }
0x83: {  	_ =	swait.ge [sflag:s17], $0x400  }
0x84: {  	[sflag:s17] =	ssyncset.done $0x0  }
0x85: {  	[sflag:s17] =	ssyncadd.s32 $0xFFFFFC00  }
0x86: {  	[tilespmem:s16], [sflag:$0x1] =	stream.indirect.gather [hbm4b:s5+s20], $0x80, s4, s20, $0xb8;
	[tilespmem:$0x1F500] =	vst v63  }
0x87: {  	_ = 	snop  }
0x88: {  	[tilespmem:s21], [sflag:$0x2] =	stream.indirect.gather [hbm4b:s5+s20], $0x80, s20, s20, $0xb8;
	[tilespmem:$0x1F500] =	vst v63  }
0x89: {  	v42 =	vld [tilespmem:$0x400];
	_ =	sdelay $0x7  }
0x8a: {  	[tilespmem:v42+s18+$0x0] =	vst.idx.add.f32.msk $0xffff, v41  }
0x8b: {  	v42 =	vld [tilespmem:$0x410];
	_ =	sdelay $0x7  }
0x8c: {  	[tilespmem:v42+s18+$0x0] =	vst.idx.add.f32.msk $0xffff, v41  }
0x8d: {  	v42 =	vld [tilespmem:$0x420];
	_ =	sdelay $0x7  }
0x8e: {  	[tilespmem:v42+s18+$0x0] =	vst.idx.add.f32.msk $0xffff, v41  }
0x8f: {  	v42 =	vld [tilespmem:$0x430];
	_ =	sdelay $0x7  }
0x90: {  	[tilespmem:v42+s18+$0x0] =	vst.idx.add.f32.msk $0xffff, v41  }
0x91: {  	v42 =	vld [tilespmem:$0x440];
	_ =	sdelay $0x7  }
0x92: {  	[tilespmem:v42+s18+$0x0] =	vst.idx.add.f32.msk $0xffff, v41  }
0x93: {  	v42 =	vld [tilespmem:$0x450];
	_ =	sdelay $0x7  }
0x94: {  	[tilespmem:v42+s18+$0x0] =	vst.idx.add.f32.msk $0xffff, v41  }
0x95: {  	v42 =	vld [tilespmem:$0x460];
	_ =	sdelay $0x7  }
0x96: {  	[tilespmem:v42+s18+$0x0] =	vst.idx.add.f32.msk $0xffff, v41  }
0x97: {  	v42 =	vld [tilespmem:$0x470];
	_ =	sdelay $0x7  }
0x98: {  	[tilespmem:v42+s18+$0x0] =	vst.idx.add.f32.msk $0xffff, v41  }
0x99: {  	v42 =	vld [tilespmem:$0x480];
	_ =	sdelay $0x7  }
0x9a: {  	[tilespmem:v42+s18+$0x0] =	vst.idx.add.f32.msk $0xffff, v41  }
0x9b: {  	v42 =	vld [tilespmem:$0x490];
	_ =	sdelay $0x7  }
0x9c: {  	[tilespmem:v42+s18+$0x0] =	vst.idx.add.f32.msk $0xffff, v41  }
0x9d: {  	v42 =	vld [tilespmem:$0x4A0];
	_ =	sdelay $0x7  }
0x9e: {  	[tilespmem:v42+s18+$0x0] =	vst.idx.add.f32.msk $0xffff, v41  }
0x9f: {  	v42 =	vld [tilespmem:$0x4B0];
	_ =	sdelay $0x7  }
0xa0: {  	[tilespmem:v42+s18+$0x0] =	vst.idx.add.f32.msk $0xffff, v41  }
0xa1: {  	v42 =	vld [tilespmem:$0x4C0];
	_ =	sdelay $0x7  }
0xa2: {  	[tilespmem:v42+s18+$0x0] =	vst.idx.add.f32.msk $0xffff, v41  }
0xa3: {  	v42 =	vld [tilespmem:$0x4D0];
	_ =	sdelay $0x7  }
0xa4: {  	[tilespmem:v42+s18+$0x0] =	vst.idx.add.f32.msk $0xffff, v41  }
0xa5: {  	v42 =	vld [tilespmem:$0x4E0];
	_ =	sdelay $0x7  }
0xa6: {  	[tilespmem:v42+s18+$0x0] =	vst.idx.add.f32.msk $0xffff, v41  }
0xa7: {  	v42 =	vld [tilespmem:$0x4F0];
	_ =	sdelay $0x7  }
0xa8: {  	[tilespmem:v42+s18+$0x0] =	vst.idx.add.f32.msk $0xffff, v41  }
0xa9: {  	v42 =	vld [tilespmem:$0x500];
	_ =	sdelay $0x7  }
0xaa: {  	[tilespmem:v42+s18+$0x0] =	vst.idx.add.f32.msk $0xffff, v41  }
0xab: {  	v42 =	vld [tilespmem:$0x510];
	_ =	sdelay $0x7  }
0xac: {  	[tilespmem:v42+s18+$0x0] =	vst.idx.add.f32.msk $0xffff, v41  }
0xad: {  	v42 =	vld [tilespmem:$0x520];
	_ =	sdelay $0x7  }
0xae: {  	[tilespmem:v42+s18+$0x0] =	vst.idx.add.f32.msk $0xffff, v41  }
0xaf: {  	v42 =	vld [tilespmem:$0x530];
	_ =	sdelay $0x7  }
0xb0: {  	[tilespmem:v42+s18+$0x0] =	vst.idx.add.f32.msk $0xffff, v41  }
0xb1: {  	v42 =	vld [tilespmem:$0x540];
	_ =	sdelay $0x7  }
0xb2: {  	[tilespmem:v42+s18+$0x0] =	vst.idx.add.f32.msk $0xffff, v41  }
0xb3: {  	v42 =	vld [tilespmem:$0x550];
	_ =	sdelay $0x7  }
0xb4: {  	[tilespmem:v42+s18+$0x0] =	vst.idx.add.f32.msk $0xffff, v41  }
0xb5: {  	v42 =	vld [tilespmem:$0x560];
	_ =	sdelay $0x7  }
0xb6: {  	[tilespmem:v42+s18+$0x0] =	vst.idx.add.f32.msk $0xffff, v41  }
0xb7: {  	v42 =	vld [tilespmem:$0x570];
	_ =	sdelay $0x7  }
0xb8: {  	[tilespmem:v42+s18+$0x0] =	vst.idx.add.f32.msk $0xffff, v41  }
0xb9: {  	v42 =	vld [tilespmem:$0x580];
	_ =	sdelay $0x7  }
0xba: {  	[tilespmem:v42+s18+$0x0] =	vst.idx.add.f32.msk $0xffff, v41  }
0xbb: {  	v42 =	vld [tilespmem:$0x590];
	_ =	sdelay $0x7  }
0xbc: {  	[tilespmem:v42+s18+$0x0] =	vst.idx.add.f32.msk $0xffff, v41  }
0xbd: {  	v42 =	vld [tilespmem:$0x5A0];
	_ =	sdelay $0x7  }
0xbe: {  	[tilespmem:v42+s18+$0x0] =	vst.idx.add.f32.msk $0xffff, v41  }
0xbf: {  	v42 =	vld [tilespmem:$0x5B0];
	_ =	sdelay $0x7  }
0xc0: {  	[tilespmem:v42+s18+$0x0] =	vst.idx.add.f32.msk $0xffff, v41  }
0xc1: {  	v42 =	vld [tilespmem:$0x5C0];
	_ =	sdelay $0x7  }
0xc2: {  	[tilespmem:v42+s18+$0x0] =	vst.idx.add.f32.msk $0xffff, v41  }
0xc3: {  	v42 =	vld [tilespmem:$0x5D0];
	_ =	sdelay $0x7  }
0xc4: {  	[tilespmem:v42+s18+$0x0] =	vst.idx.add.f32.msk $0xffff, v41  }
0xc5: {  	v42 =	vld [tilespmem:$0x5E0];
	_ =	sdelay $0x7  }
0xc6: {  	[tilespmem:v42+s18+$0x0] =	vst.idx.add.f32.msk $0xffff, v41  }
0xc7: {  	v42 =	vld [tilespmem:$0x5F0];
	_ =	sdelay $0x7  }
0xc8: {  	[tilespmem:v42+s18+$0x0] =	vst.idx.add.f32.msk $0xffff, v41  }
0xc9: {  	v42 =	vld [tilespmem:$0x600];
	_ =	sdelay $0x7  }
0xca: {  	[tilespmem:v42+s18+$0x0] =	vst.idx.add.f32.msk $0xffff, v41  }
0xcb: {  	v42 =	vld [tilespmem:$0x610];
	_ =	sdelay $0x7  }
0xcc: {  	[tilespmem:v42+s18+$0x0] =	vst.idx.add.f32.msk $0xffff, v41  }
0xcd: {  	v42 =	vld [tilespmem:$0x620];
	_ =	sdelay $0x7  }
0xce: {  	[tilespmem:v42+s18+$0x0] =	vst.idx.add.f32.msk $0xffff, v41  }
0xcf: {  	v42 =	vld [tilespmem:$0x630];
	_ =	sdelay $0x7  }
0xd0: {  	[tilespmem:v42+s18+$0x0] =	vst.idx.add.f32.msk $0xffff, v41  }
0xd1: {  	v42 =	vld [tilespmem:$0x640];
	_ =	sdelay $0x7  }
0xd2: {  	[tilespmem:v42+s18+$0x0] =	vst.idx.add.f32.msk $0xffff, v41  }
0xd3: {  	v42 =	vld [tilespmem:$0x650];
	_ =	sdelay $0x7  }
0xd4: {  	[tilespmem:v42+s18+$0x0] =	vst.idx.add.f32.msk $0xffff, v41  }
0xd5: {  	v42 =	vld [tilespmem:$0x660];
	_ =	sdelay $0x7  }
0xd6: {  	[tilespmem:v42+s18+$0x0] =	vst.idx.add.f32.msk $0xffff, v41  }
0xd7: {  	v42 =	vld [tilespmem:$0x670];
	_ =	sdelay $0x7  }
0xd8: {  	[tilespmem:v42+s18+$0x0] =	vst.idx.add.f32.msk $0xffff, v41  }
0xd9: {  	v42 =	vld [tilespmem:$0x680];
	_ =	sdelay $0x7  }
0xda: {  	[tilespmem:v42+s18+$0x0] =	vst.idx.add.f32.msk $0xffff, v41  }
0xdb: {  	v42 =	vld [tilespmem:$0x690];
	_ =	sdelay $0x7  }
0xdc: {  	[tilespmem:v42+s18+$0x0] =	vst.idx.add.f32.msk $0xffff, v41  }
0xdd: {  	v42 =	vld [tilespmem:$0x6A0];
	_ =	sdelay $0x7  }
0xde: {  	[tilespmem:v42+s18+$0x0] =	vst.idx.add.f32.msk $0xffff, v41  }
0xdf: {  	v42 =	vld [tilespmem:$0x6B0];
	_ =	sdelay $0x7  }
0xe0: {  	[tilespmem:v42+s18+$0x0] =	vst.idx.add.f32.msk $0xffff, v41  }
0xe1: {  	v42 =	vld [tilespmem:$0x6C0];
	_ =	sdelay $0x7  }
0xe2: {  	[tilespmem:v42+s18+$0x0] =	vst.idx.add.f32.msk $0xffff, v41  }
0xe3: {  	v42 =	vld [tilespmem:$0x6D0];
	_ =	sdelay $0x7  }
0xe4: {  	[tilespmem:v42+s18+$0x0] =	vst.idx.add.f32.msk $0xffff, v41  }
0xe5: {  	v42 =	vld [tilespmem:$0x6E0];
	_ =	sdelay $0x7  }
0xe6: {  	[tilespmem:v42+s18+$0x0] =	vst.idx.add.f32.msk $0xffff, v41  }
0xe7: {  	v42 =	vld [tilespmem:$0x6F0];
	_ =	sdelay $0x7  }
0xe8: {  	[tilespmem:v42+s18+$0x0] =	vst.idx.add.f32.msk $0xffff, v41  }
0xe9: {  	v42 =	vld [tilespmem:$0x700];
	_ =	sdelay $0x7  }
0xea: {  	[tilespmem:v42+s18+$0x0] =	vst.idx.add.f32.msk $0xffff, v41  }
0xeb: {  	v42 =	vld [tilespmem:$0x710];
	_ =	sdelay $0x7  }
0xec: {  	[tilespmem:v42+s18+$0x0] =	vst.idx.add.f32.msk $0xffff, v41  }
0xed: {  	v42 =	vld [tilespmem:$0x720];
	_ =	sdelay $0x7  }
0xee: {  	[tilespmem:v42+s18+$0x0] =	vst.idx.add.f32.msk $0xffff, v41  }
0xef: {  	v42 =	vld [tilespmem:$0x730];
	_ =	sdelay $0x7  }
0xf0: {  	[tilespmem:v42+s18+$0x0] =	vst.idx.add.f32.msk $0xffff, v41  }
0xf1: {  	v42 =	vld [tilespmem:$0x740];
	_ =	sdelay $0x7  }
0xf2: {  	[tilespmem:v42+s18+$0x0] =	vst.idx.add.f32.msk $0xffff, v41  }
0xf3: {  	v42 =	vld [tilespmem:$0x750];
	_ =	sdelay $0x7  }
0xf4: {  	[tilespmem:v42+s18+$0x0] =	vst.idx.add.f32.msk $0xffff, v41  }
0xf5: {  	v42 =	vld [tilespmem:$0x760];
	_ =	sdelay $0x7  }
0xf6: {  	[tilespmem:v42+s18+$0x0] =	vst.idx.add.f32.msk $0xffff, v41  }
0xf7: {  	v42 =	vld [tilespmem:$0x770];
	_ =	sdelay $0x7  }
0xf8: {  	[tilespmem:v42+s18+$0x0] =	vst.idx.add.f32.msk $0xffff, v41  }
0xf9: {  	v42 =	vld [tilespmem:$0x780];
	_ =	sdelay $0x7  }
0xfa: {  	[tilespmem:v42+s18+$0x0] =	vst.idx.add.f32.msk $0xffff, v41  }
0xfb: {  	v42 =	vld [tilespmem:$0x790];
	_ =	sdelay $0x7  }
0xfc: {  	[tilespmem:v42+s18+$0x0] =	vst.idx.add.f32.msk $0xffff, v41  }
0xfd: {  	v42 =	vld [tilespmem:$0x7A0];
	_ =	sdelay $0x7  }
0xfe: {  	[tilespmem:v42+s18+$0x0] =	vst.idx.add.f32.msk $0xffff, v41  }
0xff: {  	v42 =	vld [tilespmem:$0x7B0];
	_ =	sdelay $0x7  }
0x100: {  	[tilespmem:v42+s18+$0x0] =	vst.idx.add.f32.msk $0xffff, v41  }
0x101: {  	v42 =	vld [tilespmem:$0x7C0];
	_ =	sdelay $0x7  }
0x102: {  	[tilespmem:v42+s18+$0x0] =	vst.idx.add.f32.msk $0xffff, v41  }
0x103: {  	v42 =	vld [tilespmem:$0x7D0];
	_ =	sdelay $0x7  }
0x104: {  	[tilespmem:v42+s18+$0x0] =	vst.idx.add.f32.msk $0xffff, v41  }
0x105: {  	v42 =	vld [tilespmem:$0x7E0];
	_ =	sdelay $0x7  }
0x106: {  	[tilespmem:v42+s18+$0x0] =	vst.idx.add.f32.msk $0xffff, v41  }
0x107: {  	v42 =	vld [tilespmem:$0x7F0];
	_ =	sdelay $0x7  }
0x108: {  	[tilespmem:v42+s18+$0x0] =	vst.idx.add.f32.msk $0xffff, v41  }
0x109: {  	_ =	swait.ge [sflag:s22], $0x4000  }
0x10a: {  	[sflag:s22] =	ssyncset.done $0x0  }
0x10b: {  	[sflag:s22] =	ssyncadd.s32 $0xFFFFC000  }
0x10c: {  	[spmem:s2] =	stream.indirect.scatter.add.f32 [tilespmem:s16], [sflag:$0x3], $0x80, s19, s20, $0xb8;
	[tilespmem:$0x1F500] =	vst v63  }
0x10d: {  	_ =	swait.ge [sflag:s23], $0x4000  }
0x10e: {  	[sflag:s23] =	ssyncset.done $0x0  }
0x10f: {  	[sflag:s23] =	ssyncadd.s32 $0xFFFFC000  }
0x110: {  	[tilespmem:s16], [sflag:$0x1] =	stream.indirect.gather [hbm4b:s5+s20], $0x80, s24, s20, $0xb8;
	[tilespmem:$0x1F500] =	vst v63  }
0x111: {  	_ =	swait.ge [sflag:s25], $0x4000  }
0x112: {  	[sflag:s25] =	ssyncset.done $0x0  }
0x113: {  	[sflag:s25] =	ssyncadd.s32 $0xFFFFC000  }
0x114: {  	[spmem:s2] =	stream.indirect.scatter.add.f32 [tilespmem:s21], [sflag:$0x3], $0x80, s26, s20, $0xb8;
	[tilespmem:$0x1F500] =	vst v63  }
0x115: {  	_ =	swait.ge [sflag:s23], $0x4000  }
0x116: {  	[sflag:s23] =	ssyncset.done $0x0  }
0x117: {  	[sflag:s23] =	ssyncadd.s32 $0xFFFFC000  }
0x118: {  	[tilespmem:s21], [sflag:$0x2] =	stream.indirect.gather [hbm4b:s5+s20], $0x80, s28, s20, $0xb8;
	[tilespmem:$0x1F500] =	vst v63  }
0x119: {  	_ =	swait.ge [sflag:s22], $0x4000  }
0x11a: {  	[sflag:s22] =	ssyncset.done $0x0  }
0x11b: {  	[sflag:s22] =	ssyncadd.s32 $0xFFFFC000  }
0x11c: {  	[spmem:s2] =	stream.indirect.scatter.add.f32 [tilespmem:s16], [sflag:$0x3], $0x80, s29, s20, $0xb8;
	[tilespmem:$0x1F500] =	vst v63  }
0x11d: {  	_ =	swait.ge [sflag:s23], $0x4000  }
0x11e: {  	[sflag:s23] =	ssyncset.done $0x0  }
0x11f: {  	[sflag:s23] =	ssyncadd.s32 $0xFFFFC000  }
0x120: {  	[tilespmem:s16], [sflag:$0x1] =	stream.indirect.gather [hbm4b:s5+s20], $0x80, s30, s20, $0xb8;
	[tilespmem:$0x1F500] =	vst v63  }
0x121: {  	_ =	swait.ge [sflag:s25], $0x4000  }
0x122: {  	[sflag:s25] =	ssyncset.done $0x0  }
0x123: {  	[sflag:s25] =	ssyncadd.s32 $0xFFFFC000  }
0x124: {  	[spmem:s2] =	stream.indirect.scatter.add.f32 [tilespmem:s21], [sflag:$0x3], $0x80, s31, s20, $0xb8;
	[tilespmem:$0x1F500] =	vst v63  }
0x125: {  	_ =	swait.ge [sflag:s23], $0x4000  }
0x126: {  	[sflag:s23] =	ssyncset.done $0x0  }
0x127: {  	[sflag:s23] =	ssyncadd.s32 $0xFFFFC000  }
0x128: {  	[tilespmem:s21], [sflag:$0x2] =	stream.indirect.gather [hbm4b:s5+s20], $0x80, s1, s20, $0xb8;
	[tilespmem:$0x1F500] =	vst v63  }
0x129: {  	_ =	swait.ge [sflag:s22], $0x4000  }
0x12a: {  	[sflag:s22] =	ssyncset.done $0x0  }
0x12b: {  	[sflag:s22] =	ssyncadd.s32 $0xFFFFC000  }
0x12c: {  	[spmem:s2] =	stream.indirect.scatter.add.f32 [tilespmem:s16], [sflag:$0x3], $0x80, s0, s20, $0xb8;
	[tilespmem:$0x1F500] =	vst v63  }
0x12d: {  	_ =	swait.ge [sflag:s23], $0x4000  }
0x12e: {  	[sflag:s23] =	ssyncset.done $0x0  }
0x12f: {  	[sflag:s23] =	ssyncadd.s32 $0xFFFFC000  }
0x130: {  	[tilespmem:s16], [sflag:$0x1] =	stream.indirect.gather [hbm4b:s5+s20], $0x80, s7, s20, $0xb8;
	[tilespmem:$0x1F500] =	vst v63  }
0x131: {  	_ =	swait.ge [sflag:s25], $0x4000  }
0x132: {  	[sflag:s25] =	ssyncset.done $0x0  }
0x133: {  	[sflag:s25] =	ssyncadd.s32 $0xFFFFC000  }
0x134: {  	[spmem:s2] =	stream.indirect.scatter.add.f32 [tilespmem:s21], [sflag:$0x3], $0x80, s8, s20, $0xb8;
	[tilespmem:$0x1F500] =	vst v63  }
0x135: {  	_ =	swait.ge [sflag:s23], $0x4000  }
0x136: {  	[sflag:s23] =	ssyncset.done $0x0  }
0x137: {  	[sflag:s23] =	ssyncadd.s32 $0xFFFFC000  }
0x138: {  	[tilespmem:s21], [sflag:$0x2] =	stream.indirect.gather [hbm4b:s5+s20], $0x80, s9, s20, $0xb8;
	[tilespmem:$0x1F500] =	vst v63  }
0x139: {  	_ =	swait.ge [sflag:s22], $0x4000  }
0x13a: {  	[sflag:s22] =	ssyncset.done $0x0  }
0x13b: {  	[sflag:s22] =	ssyncadd.s32 $0xFFFFC000  }
0x13c: {  	[spmem:s2] =	stream.indirect.scatter.add.f32 [tilespmem:s16], [sflag:$0x3], $0x80, s10, s20, $0xb8;
	[tilespmem:$0x1F500] =	vst v63  }
0x13d: {  	_ =	swait.ge [sflag:s23], $0x4000  }
0x13e: {  	[sflag:s23] =	ssyncset.done $0x0  }
0x13f: {  	[sflag:s23] =	ssyncadd.s32 $0xFFFFC000  }
0x140: {  	_ =	swait.ge [sflag:s25], $0x4000  }
0x141: {  	p0 =	sne.s32 s14, $0x480;
	[sflag:s25] =	ssyncset.done $0x0  }
.Ltmp2:
0x142: {  	[sflag:s25] =	ssyncadd.s32 $0xFFFFC000;
	(pc) =	sbr.rel @p0 .LBB2_6-.Ltmp2, $4  }
0x143: {  	[spmem:s2] =	stream.indirect.scatter.add.f32 [tilespmem:s21], [sflag:$0x3], $0x80, s12, s20, $0xb8;
	[tilespmem:$0x1F500] =	vst v63  }
0x144: {  	_ =	swait.ge [sflag:s23], $0x4000  }
0x145: {  	[sflag:s23] =	ssyncset.done $0x0  }
0x146: {  	s14 =	sadd.s32 $0x80, s14;
	[sflag:s23] =	ssyncadd.s32 $0xFFFFC000  }
0x147: {  	s6 =	rddreg [dreg:$0x3];
	s11 =	simm.s32 $0xB000  }
0x148: {  	[spmem:s6] =	stream.indirect.scatter.add.f32 [tilespmem:s18], [sflag:$0x3], $0x10, s11, s20, $0xb8;
	[tilespmem:$0x1F500] =	vst v63  }
0x149: {  	s14 =	simm.s32 $0x9000;
	s11 =	simm.s32 $0xB080  }
0x14a: {  	[spmem:s6] =	stream.indirect.scatter.add.f32 [tilespmem:s14], [sflag:$0x3], $0x10, s11, s20, $0xb8;
	[tilespmem:$0x1F500] =	vst v63  }
0x14b: {  	s11 =	simm.s32 $0xB100;
	s14 =	simm.s32 $0x9800  }
0x14c: {  	[spmem:s6] =	stream.indirect.scatter.add.f32 [tilespmem:s14], [sflag:$0x3], $0x10, s11, s20, $0xb8;
	[tilespmem:$0x1F500] =	vst v63  }
0x14d: {  	s11 =	simm.s32 $0xB180;
	s14 =	simm.s32 $0xA000  }
0x14e: {  	[spmem:s6] =	stream.indirect.scatter.add.f32 [tilespmem:s14], [sflag:$0x3], $0x10, s11, s20, $0xb8;
	[tilespmem:$0x1F500] =	vst v63  }
0x14f: {  	s11 =	simm.s32 $0xB200;
	s14 =	simm.s32 $0xA800  }
0x150: {  	[spmem:s6] =	stream.indirect.scatter.add.f32 [tilespmem:s14], [sflag:$0x3], $0x10, s11, s20, $0xb8;
	[tilespmem:$0x1F500] =	vst v63  }
0x151: {  	_ =	swait.ge [sflag:s23], $0x800  }
0x152: {  	[sflag:s23] =	ssyncset.done $0x0  }
0x153: {  	[sflag:s23] =	ssyncadd.s32 $0xFFFFF800  }
0x154: {  	_ =	swait.ge [sflag:s23], $0x800  }
0x155: {  	[sflag:s23] =	ssyncset.done $0x0  }
0x156: {  	[sflag:s23] =	ssyncadd.s32 $0xFFFFF800  }
0x157: {  	_ =	swait.ge [sflag:s23], $0x800  }
0x158: {  	[sflag:s23] =	ssyncset.done $0x0  }
0x159: {  	[sflag:s23] =	ssyncadd.s32 $0xFFFFF800  }
0x15a: {  	_ =	swait.ge [sflag:s23], $0x800  }
0x15b: {  	[sflag:s23] =	ssyncset.done $0x0  }
0x15c: {  	[sflag:s23] =	ssyncadd.s32 $0xFFFFF800  }
0x15d: {  	_ =	swait.ge [sflag:s23], $0x800  }
0x15e: {  	[sflag:s23] =	ssyncset.done $0x0  }
0x15f: {  	[sflag:s23] =	ssyncadd.s32 $0xFFFFF800  }
0x160: {  	s14 =	stileid.u32;
	[bflag:$0x0] =	sbarrier.arrive $0xFFFF  }
0x161: {  	s6 =	sshll.u32 s14, $0x6;
	s11 =	rddreg [dreg:$0x6]  }
0x162: {  	s6 =	sor.u32 $0x1C04, s6;
	s14 =	sshrl.u32 s11, $0x3;
	s11 =	rddreg [dreg:$0xb]  }
0x163: {  	[hbm:s11], [sflag:s6] =	dma.local [spmem:s14], $0x2800  }
0x164: {  	_ =	swait.ge [sflag:s17], $0x2800  }
0x165: {  	s11 =	smov.u32 s3;
	[sflag:s17] =	ssyncset.done $0x0  }
0x166: {  	s14 =	sshrl.u32 s3, $0x3;
	s3 =	rddreg [dreg:$0xc];
	[sflag:s17] =	ssyncadd.s32 $0xFFFFD800  }
0x167: {  	[hbm:s3], [sflag:s6] =	dma.local [spmem:s14], $0x50  }
0x168: {  	_ =	swait.ge [sflag:s17], $0x50  }
0x169: {  	s13 =	sadd.s32 $0x1, s13;
	s14 =	rddreg [dreg:$0xd]  }
0x16a: {  	p0 =	sne.s32 s13, s14  }
.Ltmp3:
0x16b: {  	_ = 	snop;
	(pc) =	sbr.rel @p0 .LBB2_1-.Ltmp3, $3  }
0x16c: {  	_ =	sdelay $0x1  }
0x16d: {  	[sflag:s17] =	ssyncset.done $0x0  }
0x16e: {  	[sflag:s17] =	ssyncadd.s32 $0xFFFFFFB0  }
0x16f: {  	_ =	sfence.sel $0x180000  }
0x170: {  	[bflag:$0x0] =	sbarrier.arrive $0xFFFF  }
0x171: {  	_ =	strace $0x90000047  }
0x172: {  	s0 =	stileid.u32;
	[bflag:$0x2] =	sbarrier.arrive $0xFFFF  }
0x173: {  	p0 =	sne.s32 s0, $0x0;
	s0 =	rddreg [dreg:$0x4]  }
0x174: {  	s0 =	sadd.s32 @!p0 $0x100000, s0  }
0x175: {  	[sflag:s0] =	ssyncadd.tile.s32 @!p0 $0x1;
	_ =	shalt  }
.Lfunc_end2:
_tile_overlayer_lowered:
.L_overlay_start_2:
0x176: {  	(tag) =	ssettag $0x2  }
0x177: {  	s0 =	rddreg [dreg:$0x0];
	s2 =	stileid.u32  }
0x178: {  	s1 =	rddreg [dreg:$0x1];
	p0 =	sne.s32 s2, $0x0  }
0x179: {  	s3 =	rddreg [dreg:$0x2];
	[bflag:$0x3] =	sbarrier.arrive $0xFFFF;
	s2 =	simm.s32 @!p0 $0x1C04  }
0x17a: {  	[timem:s3], [sflag:s2] =	dma.local @!p0 [hbm:s0], s1  }
0x17b: {  	s0 =	simm.s32 @!p0 $0x4  }
0x17c: {  	_ =	swait.ge @!p0 [sflag:s0], s1  }
0x17d: {  	s1 =	ssub.s32 @!p0 $0x0, s1;
	[sflag:s0] =	ssyncset.done @!p0 $0x0  }
0x17e: {  	[sflag:s0] =	ssyncadd.s32 @!p0 s1  }
0x17f: {  	[bflag:$0x3] =	sbarrier.arrive $0xFFFF  }
0x180: {  	_ =	shalt  }

</sc_bundles>
